<compile_context>
chip_gen: v7x
topology: tpu7x:2x2x1
jax: 0.10.2.dev20260603
libtpu: 0.0.44.dev20260713+nightly
codegen_flags: <defaults>
</compile_context>

<pallas_src>
import functools

import jax
import jax.numpy as jnp
from jax import lax
from jax.experimental import pallas as pl
from jax.experimental.pallas import tpu as pltpu
from jax.experimental.pallas import tpu_sc as plsc

N = 204800
V = 100000
C = 128
NC = 2
NS = 16
NW = NC * NS
ROWS_PER_W = N // NW
CH = 64
NCH = ROWS_PER_W // CH
NBUF = 10


ZCH = 12544


@functools.cache
def _make_sc_gather():
    mesh = plsc.VectorSubcoreMesh(core_axis_name="c", subcore_axis_name="s")
    L = 16

    @functools.partial(
        pl.kernel,
        mesh=mesh,
        out_type=(
            jax.ShapeDtypeStruct((N, C), jnp.float32),
            jax.ShapeDtypeStruct((NC, VP), jnp.float32),
        ),
        scratch_types=[
            pltpu.VMEM((NCH, CH), jnp.int32),
            pltpu.VMEM((NBUF, CH, C), jnp.float32),
            pltpu.VMEM((ZCH,), jnp.float32),
            pltpu.VMEM((CH,), jnp.float32),
            pltpu.VMEM_SHARED((VP,), jnp.float32),
        ]
        + [pltpu.SemaphoreType.DMA] * (2 * NBUF),
    )
    def _sc_gather(
        idx_hbm, table_hbm, out_hbm, cnt_hbm,
        idx_v, rows_v, zbuf, ones_v, shared_cnt, *sems,
    ):
        sem_g, sem_o = sems[:NBUF], sems[NBUF:]
        sid = lax.axis_index("s")
        cid = lax.axis_index("c")
        wid = sid * NC + cid
        base = wid * ROWS_PER_W

        pltpu.sync_copy(idx_hbm.at[wid], idx_v)

        def fill(i, carry):
            for j in range(8):
                zbuf[pl.ds(i * (8 * L) + j * L, L)] = jnp.zeros((L,), jnp.float32)
            return carry

        @pl.when(sid == 0)
        def _():
            lax.fori_loop(0, ZCH // (8 * L), fill, 0)
            for k in range(VP // ZCH):
                pltpu.sync_copy(zbuf, shared_cnt.at[pl.ds(k * ZCH, ZCH)])

        for j in range(CH // L):
            ones_v[pl.ds(j * L, L)] = jnp.ones((L,), jnp.float32)
        plsc.subcore_barrier()

        def start_gather(chunk, b):
            pltpu.async_copy(table_hbm.at[idx_v.at[chunk]], rows_v.at[b], sem_g[b])

        def wait_gather(b):
            pltpu.make_async_copy(
                table_hbm.at[pl.ds(0, CH)], rows_v.at[b], sem_g[b]
            ).wait()

        def start_out(chunk, b):
            off = base + chunk * CH
            pltpu.async_copy(rows_v.at[b], out_hbm.at[pl.ds(off, CH)], sem_o[b])

        def wait_out(b):
            pltpu.make_async_copy(
                rows_v.at[b], out_hbm.at[pl.ds(0, CH)], sem_o[b]
            ).wait()

        for b in range(NBUF):
            start_gather(b, b)

        def group(g, carry):
            i0 = g * NBUF
            for b in range(NBUF):
                chunk = i0 + b
                wait_gather(b)
                start_out(chunk, b)
                pltpu.sync_copy(ones_v, shared_cnt.at[idx_v.at[chunk]], add=True)

                @pl.when(chunk + NBUF < NCH)
                def _():
                    wait_out(b)
                    start_gather(chunk + NBUF, b)

            return carry

        lax.fori_loop(0, NCH // NBUF, group, 0)
        plsc.subcore_barrier()

        @pl.when(sid == 0)
        def _():
            pltpu.sync_copy(shared_cnt, cnt_hbm.at[cid])

        for b in range(NBUF):
            wait_out(b)

    return _sc_gather


@functools.cache
def _make_sc_pick():
    mesh = plsc.VectorSubcoreMesh(core_axis_name="c", subcore_axis_name="s")
    L = 16

    @functools.partial(
        pl.kernel,
        mesh=mesh,
        out_type=jax.ShapeDtypeStruct((N,), jnp.float32),
        scratch_types=[
            pltpu.VMEM((NCH, CH), jnp.int32),
            pltpu.VMEM((NCH, CH), jnp.int32),
            pltpu.VMEM((NCH, CH), jnp.int32),
            pltpu.VMEM((NCH * CH,), jnp.float32),
            pltpu.SemaphoreType.DMA,
        ],
    )
    def _sc_pick(
        idx_hbm, tgt_hbm, tablef_hbm, ptok_hbm,
        idx_v, tgt_v, pidx_v, pv, sem_p,
    ):
        wid = lax.axis_index("s") * NC + lax.axis_index("c")
        base = wid * ROWS_PER_W

        pltpu.sync_copy(idx_hbm.at[wid], idx_v)
        pltpu.sync_copy(tgt_hbm.at[wid], tgt_v)

        def chunk_body(chunk, carry):
            for j in range(CH // L):
                sl = pl.ds(j * L, L)
                pidx_v[chunk, sl] = idx_v[chunk, sl] * C + tgt_v[chunk, sl]
            pltpu.async_copy(
                tablef_hbm.at[pidx_v.at[chunk]], pv.at[pl.ds(chunk * CH, CH)], sem_p
            )
            return carry

        lax.fori_loop(0, NCH, chunk_body, 0)
        pltpu.make_async_copy(ptok_hbm.at[pl.ds(0, NCH * CH)], pv, sem_p).wait()
        pltpu.sync_copy(pv, ptok_hbm.at[pl.ds(base, ROWS_PER_W)])

    return _sc_pick


RBL = 2048
GL = -(-V // RBL)
VP = GL * RBL
SW = 8


def _lse_body(x_ref, lse_ref, flat_ref):
    x = x_ref[...]
    e = jnp.exp(x)
    s = lax.dot_general(
        e,
        jnp.ones((C, SW), jnp.float32),
        (((1,), (0,)), ((), ())),
        preferred_element_type=jnp.float32,
    )
    lse_ref[...] = jnp.log(s[:, 0])
    flat_ref[...] = x.reshape(RBL * C)


_tc_lse = pl.pallas_call(
    _lse_body,
    grid=(GL,),
    in_specs=[pl.BlockSpec((RBL, C), lambda i: (i, 0))],
    out_specs=[
        pl.BlockSpec((RBL,), lambda i: (i,)),
        pl.BlockSpec((RBL * C,), lambda i: (i,)),
    ],
    out_shape=[
        jax.ShapeDtypeStruct((VP,), jnp.float32),
        jax.ShapeDtypeStruct((VP * C,), jnp.float32),
    ],
)


def _final_body(lse_ref, cnt_ref, p_ref, out_ref):
    c = cnt_ref[: VP // C] + cnt_ref[VP // C :]
    lse = lse_ref[...]
    lse_total = jnp.sum(jnp.where(c > 0.0, c * lse, 0.0))
    out_ref[0, 0] = (lse_total - jnp.sum(p_ref[...])) / N


_tc_final = pl.pallas_call(
    _final_body,
    in_specs=[
        pl.BlockSpec((VP // C, C), lambda: (0, 0)),
        pl.BlockSpec((NC * VP // C, C), lambda: (0, 0)),
        pl.BlockSpec((N // C, C), lambda: (0, 0)),
    ],
    out_specs=pl.BlockSpec((1, 1), lambda: (0, 0), memory_space=pltpu.SMEM),
    out_shape=jax.ShapeDtypeStruct((1, 1), jnp.float32),
)


def kernel(idx, targets, table):
    idx_w = idx.reshape(NW, NCH, CH).astype(jnp.int32)
    tgt_w = targets.reshape(NW, NCH, CH).astype(jnp.int32)
    lse_all, tablef = _tc_lse(table)
    logits, cnt = _make_sc_gather()(idx_w, table)
    tablef_b, logits_b = lax.optimization_barrier((tablef, logits))
    ptok = _make_sc_pick()(idx_w, tgt_w, tablef_b)
    loss = _tc_final(
        lse_all.reshape(VP // C, C),
        cnt.reshape(NC * VP // C, C),
        ptok.reshape(N // C, C),
    )[0, 0]
    return logits_b, loss

# --- scband reference (transcript-rebuilt; emitter-appended) ---
"""Pipeline reference for scband-bigram-language-model-20718922236328 (READ-ONLY COPY).

The authoritative reference and input builder live on the scoring server;
editing this copy changes nothing except your own understanding.
"""

import jax, jax.numpy as jnp
import numpy as np

VOCAB = 100000
N_EMBD = 128
B = 1024
T = 200


def setup_inputs(seed: int = 0) -> dict:
    key = jax.random.key(seed)
    k1, k2, k3 = jax.random.split(key, 3)
    idx = jax.random.randint(k1, (B, T), 0, VOCAB)
    targets = jax.random.randint(k2, (B, T), 0, N_EMBD)
    table = jax.random.normal(k3, (VOCAB, N_EMBD), dtype=jnp.float32)
    return {"idx": idx, "targets": targets, "table": table}


def reference(idx, targets, table):
    # logits = self.token_embedding_table(idx)
    logits = jnp.take(table, idx, axis=0)  # (B, T, C)
    Bs, Ts, C = logits.shape
    # targets provided -> reshape and cross entropy
    logits2 = logits.reshape(Bs * Ts, C)
    t = targets.reshape(Bs * Ts)
    logsm = jax.nn.log_softmax(logits2, axis=-1)
    loss = -jnp.mean(jnp.take_along_axis(logsm, t[:, None], axis=1))
    return logits2, loss

if __name__ == "__main__":
    import jax
    _d = setup_inputs()
    print(jax.jit(kernel)(*tuple(_d.values())))

</pallas_src>

<mosaic_0001>
#map = affine_map<(d0, d1) -> (0, 0, 0)>
#map1 = affine_map<(d0, d1) -> (0)>
module attributes {stable_mosaic.version = 14 : i64} {
  func.func @_sc_pick(%arg0: i32, %arg1: i32, %arg2: memref<32x100x64xi32, #tpu.memory_space<hbm>>, %arg3: memref<32x100x64xi32, #tpu.memory_space<hbm>>, %arg4: memref<12845056xf32, #tpu.memory_space<hbm>>, %arg5: memref<204800xf32, #tpu.memory_space<hbm>>, %arg6: memref<100x64xi32, #tpu.memory_space<vmem>>, %arg7: memref<100x64xi32, #tpu.memory_space<vmem>>, %arg8: memref<100x64xi32, #tpu.memory_space<vmem>>, %arg9: memref<6400xf32, #tpu.memory_space<vmem>>, %arg10: memref<!tpu.dma_semaphore, #tpu.memory_space<semaphore_mem>>) attributes {dimension_semantics = [#tpu.dimension_semantics<core_parallel>, #tpu.dimension_semantics<subcore_parallel>], iteration_bounds = array<i64: 2, 16>, scalar_prefetch = 0 : i64, scratch_operands = 5 : i64, tpu.core_type = #tpu.core_type<sc_vector_subcore>, window_params = [{transform_indices = #map}, {transform_indices = #map}, {transform_indices = #map1}, {transform_indices = #map1}]} {
    %mul3A = arith.constant 2 : i32
    %mul3A_0 = arith.muli %arg1, %mul3A : i32
    %add3A = arith.addi %mul3A_0, %arg0 : i32
    %mul3A_1 = arith.constant 6400 : i32
    %mul3A_2 = arith.muli %add3A, %mul3A_1 : i32
    "tpu.region"() ({
      %run_scoped3A = tpu.sem_alloc : memref<!tpu.dma_semaphore, #tpu.memory_space<semaphore_mem>>
      %dma_start3A = arith.constant 0 : i32
      %dma_start3A_11 = arith.constant 0 : i32
      %dma_start3A_12 = tpu.memref_slice %arg2[%add3A, %dma_start3A, %dma_start3A_11] : memref<32x100x64xi32, #tpu.memory_space<hbm>> -> memref<1x100x64xi32, #tpu.memory_space<hbm>>
      %dma_start3A_13 = tpu.memref_squeeze %dma_start3A_12 : memref<1x100x64xi32, #tpu.memory_space<hbm>> -> memref<100x64xi32, #tpu.memory_space<hbm>>
      %dma_start3A_14 = arith.constant 0 : i32
      %dma_start3A_15 = arith.constant 0 : i32
      %dma_start3A_16 = tpu.memref_slice %arg2[%add3A, %dma_start3A_14, %dma_start3A_15] : memref<32x100x64xi32, #tpu.memory_space<hbm>> -> memref<1x100x64xi32, #tpu.memory_space<hbm>>
      %dma_start3A_17 = tpu.memref_squeeze %dma_start3A_16 : memref<1x100x64xi32, #tpu.memory_space<hbm>> -> memref<100x64xi32, #tpu.memory_space<hbm>>
      tpu.enqueue_dma source(%dma_start3A_17 : memref<100x64xi32, #tpu.memory_space<hbm>>) target(%arg6 : memref<100x64xi32, #tpu.memory_space<vmem>>) target_semaphore(%run_scoped3A : memref<!tpu.dma_semaphore, #tpu.memory_space<semaphore_mem>>)
      %dma_wait3A_18 = arith.constant 0 : i32
      %dma_wait3A_19 = arith.constant 0 : i32
      %dma_wait3A_20 = tpu.memref_slice %arg2[%add3A, %dma_wait3A_18, %dma_wait3A_19] : memref<32x100x64xi32, #tpu.memory_space<hbm>> -> memref<1x100x64xi32, #tpu.memory_space<hbm>>
      %dma_wait3A_21 = tpu.memref_squeeze %dma_wait3A_20 : memref<1x100x64xi32, #tpu.memory_space<hbm>> -> memref<100x64xi32, #tpu.memory_space<hbm>>
      %dma_wait3A_22 = arith.constant 0 : i32
      %dma_wait3A_23 = arith.constant 0 : i32
      %dma_wait3A_24 = tpu.memref_slice %arg2[%add3A, %dma_wait3A_22, %dma_wait3A_23] : memref<32x100x64xi32, #tpu.memory_space<hbm>> -> memref<1x100x64xi32, #tpu.memory_space<hbm>>
      %dma_wait3A_25 = tpu.memref_squeeze %dma_wait3A_24 : memref<1x100x64xi32, #tpu.memory_space<hbm>> -> memref<100x64xi32, #tpu.memory_space<hbm>>
      tpu.wait_dma2 semaphore(%run_scoped3A : memref<!tpu.dma_semaphore, #tpu.memory_space<semaphore_mem>>) src(%dma_wait3A_25 : memref<100x64xi32, #tpu.memory_space<hbm>>) dst(%arg6 : memref<100x64xi32, #tpu.memory_space<vmem>>)
      tpu.yield
    }) : () -> ()
    "tpu.region"() ({
      %run_scoped3A = tpu.sem_alloc : memref<!tpu.dma_semaphore, #tpu.memory_space<semaphore_mem>>
      %dma_start3A = arith.constant 0 : i32
      %dma_start3A_11 = arith.constant 0 : i32
      %dma_start3A_12 = tpu.memref_slice %arg3[%add3A, %dma_start3A, %dma_start3A_11] : memref<32x100x64xi32, #tpu.memory_space<hbm>> -> memref<1x100x64xi32, #tpu.memory_space<hbm>>
      %dma_start3A_13 = tpu.memref_squeeze %dma_start3A_12 : memref<1x100x64xi32, #tpu.memory_space<hbm>> -> memref<100x64xi32, #tpu.memory_space<hbm>>
      %dma_start3A_14 = arith.constant 0 : i32
      %dma_start3A_15 = arith.constant 0 : i32
      %dma_start3A_16 = tpu.memref_slice %arg3[%add3A, %dma_start3A_14, %dma_start3A_15] : memref<32x100x64xi32, #tpu.memory_space<hbm>> -> memref<1x100x64xi32, #tpu.memory_space<hbm>>
      %dma_start3A_17 = tpu.memref_squeeze %dma_start3A_16 : memref<1x100x64xi32, #tpu.memory_space<hbm>> -> memref<100x64xi32, #tpu.memory_space<hbm>>
      tpu.enqueue_dma source(%dma_start3A_17 : memref<100x64xi32, #tpu.memory_space<hbm>>) target(%arg7 : memref<100x64xi32, #tpu.memory_space<vmem>>) target_semaphore(%run_scoped3A : memref<!tpu.dma_semaphore, #tpu.memory_space<semaphore_mem>>)
      %dma_wait3A_18 = arith.constant 0 : i32
      %dma_wait3A_19 = arith.constant 0 : i32
      %dma_wait3A_20 = tpu.memref_slice %arg3[%add3A, %dma_wait3A_18, %dma_wait3A_19] : memref<32x100x64xi32, #tpu.memory_space<hbm>> -> memref<1x100x64xi32, #tpu.memory_space<hbm>>
      %dma_wait3A_21 = tpu.memref_squeeze %dma_wait3A_20 : memref<1x100x64xi32, #tpu.memory_space<hbm>> -> memref<100x64xi32, #tpu.memory_space<hbm>>
      %dma_wait3A_22 = arith.constant 0 : i32
      %dma_wait3A_23 = arith.constant 0 : i32
      %dma_wait3A_24 = tpu.memref_slice %arg3[%add3A, %dma_wait3A_22, %dma_wait3A_23] : memref<32x100x64xi32, #tpu.memory_space<hbm>> -> memref<1x100x64xi32, #tpu.memory_space<hbm>>
      %dma_wait3A_25 = tpu.memref_squeeze %dma_wait3A_24 : memref<1x100x64xi32, #tpu.memory_space<hbm>> -> memref<100x64xi32, #tpu.memory_space<hbm>>
      tpu.wait_dma2 semaphore(%run_scoped3A : memref<!tpu.dma_semaphore, #tpu.memory_space<semaphore_mem>>) src(%dma_wait3A_25 : memref<100x64xi32, #tpu.memory_space<hbm>>) dst(%arg7 : memref<100x64xi32, #tpu.memory_space<vmem>>)
      tpu.yield
    }) : () -> ()
    %scan3A = arith.constant 0 : i32
    %scan3A_3 = arith.constant 0 : i32
    %scan3A_4 = arith.constant 100 : i32
    %scan3A_5 = arith.addi %scan3A_3, %scan3A_4 : i32
    %scan3A_6 = arith.constant 1 : i32
    scf.for %scan3A_11 = %scan3A_3 to %scan3A_5 step %scan3A_6  : i32 {
      %get3A = arith.index_cast %scan3A_11 : i32 to index
      %get3A_12 = arith.constant 0 : index
      %get3A_13 = tpu.vector_load %arg6[%get3A, %get3A_12] {strides = array<i32>} : memref<100x64xi32, #tpu.memory_space<vmem>>, vector<1x16xi32>,
      %get3A_14 = vector.shape_cast %get3A_13 : vector<1x16xi32> to vector<16xi32>
      %mul3A_15 = arith.constant 128 : i32
      %mul3A_16 = vector.broadcast %mul3A_15 : i32 to vector<16xi32>
      %mul3A_17 = arith.muli %get3A_14, %mul3A_16 : vector<16xi32>
      %get3A_18 = arith.index_cast %scan3A_11 : i32 to index
      %get3A_19 = arith.constant 0 : index
      %get3A_20 = tpu.vector_load %arg7[%get3A_18, %get3A_19] {strides = array<i32>} : memref<100x64xi32, #tpu.memory_space<vmem>>, vector<1x16xi32>,
      %get3A_21 = vector.shape_cast %get3A_20 : vector<1x16xi32> to vector<16xi32>
      %add3A_22 = arith.addi %mul3A_17, %get3A_21 : vector<16xi32>
      %swap3A = arith.index_cast %scan3A_11 : i32 to index
      %swap3A_23 = arith.constant 0 : index
      %swap3A_24 = tpu.vector_load %arg8[%swap3A, %swap3A_23] {strides = array<i32>} : memref<100x64xi32, #tpu.memory_space<vmem>>, vector<1x16xi32>,
      %swap3A_25 = vector.shape_cast %swap3A_24 : vector<1x16xi32> to vector<16xi32>
      %swap3A_26 = vector.shape_cast %add3A_22 : vector<16xi32> to vector<1x16xi32>
      tpu.vector_store %arg8[%swap3A, %swap3A_23], %swap3A_26 {strides = array<i32>} : memref<100x64xi32, #tpu.memory_space<vmem>>, vector<1x16xi32>,
      %get3A_27 = arith.index_cast %scan3A_11 : i32 to index
      %get3A_28 = arith.constant 16 : index
      %get3A_29 = tpu.vector_load %arg6[%get3A_27, %get3A_28] {strides = array<i32>} : memref<100x64xi32, #tpu.memory_space<vmem>>, vector<1x16xi32>,
      %get3A_30 = vector.shape_cast %get3A_29 : vector<1x16xi32> to vector<16xi32>
      %mul3A_31 = arith.constant 128 : i32
      %mul3A_32 = vector.broadcast %mul3A_31 : i32 to vector<16xi32>
      %mul3A_33 = arith.muli %get3A_30, %mul3A_32 : vector<16xi32>
      %get3A_34 = arith.index_cast %scan3A_11 : i32 to index
      %get3A_35 = arith.constant 16 : index
      %get3A_36 = tpu.vector_load %arg7[%get3A_34, %get3A_35] {strides = array<i32>} : memref<100x64xi32, #tpu.memory_space<vmem>>, vector<1x16xi32>,
      %get3A_37 = vector.shape_cast %get3A_36 : vector<1x16xi32> to vector<16xi32>
      %add3A_38 = arith.addi %mul3A_33, %get3A_37 : vector<16xi32>
      %swap3A_39 = arith.index_cast %scan3A_11 : i32 to index
      %swap3A_40 = arith.constant 16 : index
      %swap3A_41 = tpu.vector_load %arg8[%swap3A_39, %swap3A_40] {strides = array<i32>} : memref<100x64xi32, #tpu.memory_space<vmem>>, vector<1x16xi32>,
      %swap3A_42 = vector.shape_cast %swap3A_41 : vector<1x16xi32> to vector<16xi32>
      %swap3A_43 = vector.shape_cast %add3A_38 : vector<16xi32> to vector<1x16xi32>
      tpu.vector_store %arg8[%swap3A_39, %swap3A_40], %swap3A_43 {strides = array<i32>} : memref<100x64xi32, #tpu.memory_space<vmem>>, vector<1x16xi32>,
      %get3A_44 = arith.index_cast %scan3A_11 : i32 to index
      %get3A_45 = arith.constant 32 : index
      %get3A_46 = tpu.vector_load %arg6[%get3A_44, %get3A_45] {strides = array<i32>} : memref<100x64xi32, #tpu.memory_space<vmem>>, vector<1x16xi32>,
      %get3A_47 = vector.shape_cast %get3A_46 : vector<1x16xi32> to vector<16xi32>
      %mul3A_48 = arith.constant 128 : i32
      %mul3A_49 = vector.broadcast %mul3A_48 : i32 to vector<16xi32>
      %mul3A_50 = arith.muli %get3A_47, %mul3A_49 : vector<16xi32>
      %get3A_51 = arith.index_cast %scan3A_11 : i32 to index
      %get3A_52 = arith.constant 32 : index
      %get3A_53 = tpu.vector_load %arg7[%get3A_51, %get3A_52] {strides = array<i32>} : memref<100x64xi32, #tpu.memory_space<vmem>>, vector<1x16xi32>,
      %get3A_54 = vector.shape_cast %get3A_53 : vector<1x16xi32> to vector<16xi32>
      %add3A_55 = arith.addi %mul3A_50, %get3A_54 : vector<16xi32>
      %swap3A_56 = arith.index_cast %scan3A_11 : i32 to index
      %swap3A_57 = arith.constant 32 : index
      %swap3A_58 = tpu.vector_load %arg8[%swap3A_56, %swap3A_57] {strides = array<i32>} : memref<100x64xi32, #tpu.memory_space<vmem>>, vector<1x16xi32>,
      %swap3A_59 = vector.shape_cast %swap3A_58 : vector<1x16xi32> to vector<16xi32>
      %swap3A_60 = vector.shape_cast %add3A_55 : vector<16xi32> to vector<1x16xi32>
      tpu.vector_store %arg8[%swap3A_56, %swap3A_57], %swap3A_60 {strides = array<i32>} : memref<100x64xi32, #tpu.memory_space<vmem>>, vector<1x16xi32>,
      %get3A_61 = arith.index_cast %scan3A_11 : i32 to index
      %get3A_62 = arith.constant 48 : index
      %get3A_63 = tpu.vector_load %arg6[%get3A_61, %get3A_62] {strides = array<i32>} : memref<100x64xi32, #tpu.memory_space<vmem>>, vector<1x16xi32>,
      %get3A_64 = vector.shape_cast %get3A_63 : vector<1x16xi32> to vector<16xi32>
      %mul3A_65 = arith.constant 128 : i32
      %mul3A_66 = vector.broadcast %mul3A_65 : i32 to vector<16xi32>
      %mul3A_67 = arith.muli %get3A_64, %mul3A_66 : vector<16xi32>
      %get3A_68 = arith.index_cast %scan3A_11 : i32 to index
      %get3A_69 = arith.constant 48 : index
      %get3A_70 = tpu.vector_load %arg7[%get3A_68, %get3A_69] {strides = array<i32>} : memref<100x64xi32, #tpu.memory_space<vmem>>, vector<1x16xi32>,
      %get3A_71 = vector.shape_cast %get3A_70 : vector<1x16xi32> to vector<16xi32>
      %add3A_72 = arith.addi %mul3A_67, %get3A_71 : vector<16xi32>
      %swap3A_73 = arith.index_cast %scan3A_11 : i32 to index
      %swap3A_74 = arith.constant 48 : index
      %swap3A_75 = tpu.vector_load %arg8[%swap3A_73, %swap3A_74] {strides = array<i32>} : memref<100x64xi32, #tpu.memory_space<vmem>>, vector<1x16xi32>,
      %swap3A_76 = vector.shape_cast %swap3A_75 : vector<1x16xi32> to vector<16xi32>
      %swap3A_77 = vector.shape_cast %add3A_72 : vector<16xi32> to vector<1x16xi32>
      tpu.vector_store %arg8[%swap3A_73, %swap3A_74], %swap3A_77 {strides = array<i32>} : memref<100x64xi32, #tpu.memory_space<vmem>>, vector<1x16xi32>,
      %mul3A_78 = arith.constant 64 : i32
      %mul3A_79 = arith.muli %scan3A_11, %mul3A_78 : i32
      %dma_start3A = tpu.memref_slice %arg9[%mul3A_79] : memref<6400xf32, #tpu.memory_space<vmem>> -> memref<64xf32, #tpu.memory_space<vmem>>
      %dma_start3A_80 = arith.constant 0 : i32
      %dma_start3A_81 = tpu.memref_slice %arg8[%scan3A_11, %dma_start3A_80] : memref<100x64xi32, #tpu.memory_space<vmem>> -> memref<1x64xi32, #tpu.memory_space<vmem>>
      %dma_start3A_82 = tpu.memref_squeeze %dma_start3A_81 : memref<1x64xi32, #tpu.memory_space<vmem>> -> memref<64xi32, #tpu.memory_space<vmem>>
      %dma_start3A_83 = arith.constant 0 : i32
      %dma_start3A_84 = tpu.memref_slice %arg4[%dma_start3A_83] : memref<12845056xf32, #tpu.memory_space<hbm>> -> memref<12845056xf32, #tpu.memory_space<hbm>>
      tpu.enqueue_indirect_dma source(%dma_start3A_84 : memref<12845056xf32, #tpu.memory_space<hbm>>) target(%dma_start3A : memref<64xf32, #tpu.memory_space<vmem>>) offsets(%dma_start3A_82 : memref<64xi32, #tpu.memory_space<vmem>>) semaphore(%arg10 : memref<!tpu.dma_semaphore, #tpu.memory_space<semaphore_mem>>)
    }
    %scan3A_7 = arith.constant 100 : i32
    %dma_wait3A = arith.constant 0 : i32
    %dma_wait3A_8 = tpu.memref_slice %arg5[%dma_wait3A] : memref<204800xf32, #tpu.memory_space<hbm>> -> memref<6400xf32, #tpu.memory_space<hbm>>
    %dma_wait3A_9 = arith.constant 0 : i32
    %dma_wait3A_10 = tpu.memref_slice %arg5[%dma_wait3A_9] : memref<204800xf32, #tpu.memory_space<hbm>> -> memref<6400xf32, #tpu.memory_space<hbm>>
    tpu.wait_dma2 semaphore(%arg10 : memref<!tpu.dma_semaphore, #tpu.memory_space<semaphore_mem>>) src(%dma_wait3A_10 : memref<6400xf32, #tpu.memory_space<hbm>>) dst(%arg9 : memref<6400xf32, #tpu.memory_space<vmem>>)
    "tpu.region"() ({
      %run_scoped3A = tpu.sem_alloc : memref<!tpu.dma_semaphore, #tpu.memory_space<semaphore_mem>>
      %dma_start3A = tpu.memref_slice %arg5[%mul3A_2] : memref<204800xf32, #tpu.memory_space<hbm>> -> memref<6400xf32, #tpu.memory_space<hbm>>
      %dma_start3A_11 = tpu.memref_slice %arg5[%mul3A_2] : memref<204800xf32, #tpu.memory_space<hbm>> -> memref<6400xf32, #tpu.memory_space<hbm>>
      tpu.enqueue_dma source(%arg9 : memref<6400xf32, #tpu.memory_space<vmem>>) target(%dma_start3A_11 : memref<6400xf32, #tpu.memory_space<hbm>>) target_semaphore(%run_scoped3A : memref<!tpu.dma_semaphore, #tpu.memory_space<semaphore_mem>>)
      %dma_wait3A_12 = tpu.memref_slice %arg5[%mul3A_2] : memref<204800xf32, #tpu.memory_space<hbm>> -> memref<6400xf32, #tpu.memory_space<hbm>>
      %dma_wait3A_13 = tpu.memref_slice %arg5[%mul3A_2] : memref<204800xf32, #tpu.memory_space<hbm>> -> memref<6400xf32, #tpu.memory_space<hbm>>
      tpu.wait_dma2 semaphore(%run_scoped3A : memref<!tpu.dma_semaphore, #tpu.memory_space<semaphore_mem>>) src(%arg9 : memref<6400xf32, #tpu.memory_space<vmem>>) dst(%dma_wait3A_13 : memref<6400xf32, #tpu.memory_space<hbm>>)
      tpu.yield
    }) : () -> ()
    return
  }
}

#map = affine_map<(d0, d1) -> (0, 0, 0)>
#map1 = affine_map<(d0, d1) -> (0, 0)>
module attributes {stable_mosaic.version = 14 : i64} {
  func.func @_sc_gather(%arg0: i32, %arg1: i32, %arg2: memref<32x100x64xi32, #tpu.memory_space<hbm>>, %arg3: memref<100000x128xf32, #tpu.memory_space<hbm>>, %arg4: memref<204800x128xf32, #tpu.memory_space<hbm>>, %arg5: memref<2x100352xf32, #tpu.memory_space<hbm>>, %arg6: memref<100x64xi32, #tpu.memory_space<vmem>>, %arg7: memref<10x64x128xf32, #tpu.memory_space<vmem>>, %arg8: memref<12544xf32, #tpu.memory_space<vmem>>, %arg9: memref<64xf32, #tpu.memory_space<vmem>>, %arg10: memref<100352xf32, #tpu.memory_space<vmem_shared>>, %arg11: memref<!tpu.dma_semaphore, #tpu.memory_space<semaphore_mem>>, %arg12: memref<!tpu.dma_semaphore, #tpu.memory_space<semaphore_mem>>, %arg13: memref<!tpu.dma_semaphore, #tpu.memory_space<semaphore_mem>>, %arg14: memref<!tpu.dma_semaphore, #tpu.memory_space<semaphore_mem>>, %arg15: memref<!tpu.dma_semaphore, #tpu.memory_space<semaphore_mem>>, %arg16: memref<!tpu.dma_semaphore, #tpu.memory_space<semaphore_mem>>, %arg17: memref<!tpu.dma_semaphore, #tpu.memory_space<semaphore_mem>>, %arg18: memref<!tpu.dma_semaphore, #tpu.memory_space<semaphore_mem>>, %arg19: memref<!tpu.dma_semaphore, #tpu.memory_space<semaphore_mem>>, %arg20: memref<!tpu.dma_semaphore, #tpu.memory_space<semaphore_mem>>, %arg21: memref<!tpu.dma_semaphore, #tpu.memory_space<semaphore_mem>>, %arg22: memref<!tpu.dma_semaphore, #tpu.memory_space<semaphore_mem>>, %arg23: memref<!tpu.dma_semaphore, #tpu.memory_space<semaphore_mem>>, %arg24: memref<!tpu.dma_semaphore, #tpu.memory_space<semaphore_mem>>, %arg25: memref<!tpu.dma_semaphore, #tpu.memory_space<semaphore_mem>>, %arg26: memref<!tpu.dma_semaphore, #tpu.memory_space<semaphore_mem>>, %arg27: memref<!tpu.dma_semaphore, #tpu.memory_space<semaphore_mem>>, %arg28: memref<!tpu.dma_semaphore, #tpu.memory_space<semaphore_mem>>, %arg29: memref<!tpu.dma_semaphore, #tpu.memory_space<semaphore_mem>>, %arg30: memref<!tpu.dma_semaphore, #tpu.memory_space<semaphore_mem>>) attributes {dimension_semantics = [#tpu.dimension_semantics<core_parallel>, #tpu.dimension_semantics<subcore_parallel>], iteration_bounds = array<i64: 2, 16>, scalar_prefetch = 0 : i64, scratch_operands = 25 : i64, tpu.core_type = #tpu.core_type<sc_vector_subcore>, window_params = [{transform_indices = #map}, {transform_indices = #map1}, {transform_indices = #map1}, {transform_indices = #map1}]} {
    %mul3A = arith.constant 2 : i32
    %mul3A_0 = arith.muli %arg1, %mul3A : i32
    %add3A = arith.addi %mul3A_0, %arg0 : i32
    %mul3A_1 = arith.constant 6400 : i32
    %mul3A_2 = arith.muli %add3A, %mul3A_1 : i32
    "tpu.region"() ({
      %run_scoped3A = tpu.sem_alloc : memref<!tpu.dma_semaphore, #tpu.memory_space<semaphore_mem>>
      %dma_start3A_306 = arith.constant 0 : i32
      %dma_start3A_307 = arith.constant 0 : i32
      %dma_start3A_308 = tpu.memref_slice %arg2[%add3A, %dma_start3A_306, %dma_start3A_307] : memref<32x100x64xi32, #tpu.memory_space<hbm>> -> memref<1x100x64xi32, #tpu.memory_space<hbm>>
      %dma_start3A_309 = tpu.memref_squeeze %dma_start3A_308 : memref<1x100x64xi32, #tpu.memory_space<hbm>> -> memref<100x64xi32, #tpu.memory_space<hbm>>
      %dma_start3A_310 = arith.constant 0 : i32
      %dma_start3A_311 = arith.constant 0 : i32
      %dma_start3A_312 = tpu.memref_slice %arg2[%add3A, %dma_start3A_310, %dma_start3A_311] : memref<32x100x64xi32, #tpu.memory_space<hbm>> -> memref<1x100x64xi32, #tpu.memory_space<hbm>>
      %dma_start3A_313 = tpu.memref_squeeze %dma_start3A_312 : memref<1x100x64xi32, #tpu.memory_space<hbm>> -> memref<100x64xi32, #tpu.memory_space<hbm>>
      tpu.enqueue_dma source(%dma_start3A_313 : memref<100x64xi32, #tpu.memory_space<hbm>>) target(%arg6 : memref<100x64xi32, #tpu.memory_space<vmem>>) target_semaphore(%run_scoped3A : memref<!tpu.dma_semaphore, #tpu.memory_space<semaphore_mem>>)
      %dma_wait3A_314 = arith.constant 0 : i32
      %dma_wait3A_315 = arith.constant 0 : i32
      %dma_wait3A_316 = tpu.memref_slice %arg2[%add3A, %dma_wait3A_314, %dma_wait3A_315] : memref<32x100x64xi32, #tpu.memory_space<hbm>> -> memref<1x100x64xi32, #tpu.memory_space<hbm>>
      %dma_wait3A_317 = tpu.memref_squeeze %dma_wait3A_316 : memref<1x100x64xi32, #tpu.memory_space<hbm>> -> memref<100x64xi32, #tpu.memory_space<hbm>>
      %dma_wait3A_318 = arith.constant 0 : i32
      %dma_wait3A_319 = arith.constant 0 : i32
      %dma_wait3A_320 = tpu.memref_slice %arg2[%add3A, %dma_wait3A_318, %dma_wait3A_319] : memref<32x100x64xi32, #tpu.memory_space<hbm>> -> memref<1x100x64xi32, #tpu.memory_space<hbm>>
      %dma_wait3A_321 = tpu.memref_squeeze %dma_wait3A_320 : memref<1x100x64xi32, #tpu.memory_space<hbm>> -> memref<100x64xi32, #tpu.memory_space<hbm>>
      tpu.wait_dma2 semaphore(%run_scoped3A : memref<!tpu.dma_semaphore, #tpu.memory_space<semaphore_mem>>) src(%dma_wait3A_321 : memref<100x64xi32, #tpu.memory_space<hbm>>) dst(%arg6 : memref<100x64xi32, #tpu.memory_space<vmem>>)
      tpu.yield
    }) : () -> ()
    %eq3A = arith.constant 0 : i32
    %eq3A_3 = arith.cmpi eq, %arg1, %eq3A : i32
    %convert_element_type3A = arith.extui %eq3A_3 : i1 to i32
    %cond3A = arith.constant 0 : i32
    %cond3A_4 = arith.cmpi ne, %convert_element_type3A, %cond3A : i32
    scf.if %cond3A_4 {
      %scan3A_306 = arith.constant 0 : i32
      %scan3A_307 = arith.constant 0 : i32
      %scan3A_308 = arith.constant 98 : i32
      %scan3A_309 = arith.addi %scan3A_307, %scan3A_308 : i32
      %scan3A_310 = arith.constant 1 : i32
      scf.for %scan3A_312 = %scan3A_307 to %scan3A_309 step %scan3A_310  : i32 {
        %broadcast_in_dim3A_313 = arith.constant 0.000000e+00 : f32
        %broadcast_in_dim3A_314 = vector.broadcast %broadcast_in_dim3A_313 : f32 to vector<16xf32>
        %mul3A_315 = arith.constant 128 : i32
        %mul3A_316 = arith.muli %scan3A_312, %mul3A_315 : i32
        %add3A_317 = arith.constant 0 : i32
        %add3A_318 = arith.addi %mul3A_316, %add3A_317 : i32
        %swap3A_319 = arith.index_cast %add3A_318 : i32 to index
        %swap3A_320 = tpu.vector_load %arg8[%swap3A_319] {strides = array<i32>} : memref<12544xf32, #tpu.memory_space<vmem>>, vector<16xf32>,
        %swap3A_321 = vector.shape_cast %swap3A_320 : vector<16xf32> to vector<16xf32>
        %swap3A_322 = vector.shape_cast %broadcast_in_dim3A_314 : vector<16xf32> to vector<16xf32>
        tpu.vector_store %arg8[%swap3A_319], %swap3A_322 {strides = array<i32>} : memref<12544xf32, #tpu.memory_space<vmem>>, vector<16xf32>,
        %broadcast_in_dim3A_323 = arith.constant 0.000000e+00 : f32
        %broadcast_in_dim3A_324 = vector.broadcast %broadcast_in_dim3A_323 : f32 to vector<16xf32>
        %mul3A_325 = arith.constant 128 : i32
        %mul3A_326 = arith.muli %scan3A_312, %mul3A_325 : i32
        %add3A_327 = arith.constant 16 : i32
        %add3A_328 = arith.addi %mul3A_326, %add3A_327 : i32
        %swap3A_329 = arith.index_cast %add3A_328 : i32 to index
        %swap3A_330 = tpu.vector_load %arg8[%swap3A_329] {strides = array<i32>} : memref<12544xf32, #tpu.memory_space<vmem>>, vector<16xf32>,
        %swap3A_331 = vector.shape_cast %swap3A_330 : vector<16xf32> to vector<16xf32>
        %swap3A_332 = vector.shape_cast %broadcast_in_dim3A_324 : vector<16xf32> to vector<16xf32>
        tpu.vector_store %arg8[%swap3A_329], %swap3A_332 {strides = array<i32>} : memref<12544xf32, #tpu.memory_space<vmem>>, vector<16xf32>,
        %broadcast_in_dim3A_333 = arith.constant 0.000000e+00 : f32
        %broadcast_in_dim3A_334 = vector.broadcast %broadcast_in_dim3A_333 : f32 to vector<16xf32>
        %mul3A_335 = arith.constant 128 : i32
        %mul3A_336 = arith.muli %scan3A_312, %mul3A_335 : i32
        %add3A_337 = arith.constant 32 : i32
        %add3A_338 = arith.addi %mul3A_336, %add3A_337 : i32
        %swap3A_339 = arith.index_cast %add3A_338 : i32 to index
        %swap3A_340 = tpu.vector_load %arg8[%swap3A_339] {strides = array<i32>} : memref<12544xf32, #tpu.memory_space<vmem>>, vector<16xf32>,
        %swap3A_341 = vector.shape_cast %swap3A_340 : vector<16xf32> to vector<16xf32>
        %swap3A_342 = vector.shape_cast %broadcast_in_dim3A_334 : vector<16xf32> to vector<16xf32>
        tpu.vector_store %arg8[%swap3A_339], %swap3A_342 {strides = array<i32>} : memref<12544xf32, #tpu.memory_space<vmem>>, vector<16xf32>,
        %broadcast_in_dim3A_343 = arith.constant 0.000000e+00 : f32
        %broadcast_in_dim3A_344 = vector.broadcast %broadcast_in_dim3A_343 : f32 to vector<16xf32>
        %mul3A_345 = arith.constant 128 : i32
        %mul3A_346 = arith.muli %scan3A_312, %mul3A_345 : i32
        %add3A_347 = arith.constant 48 : i32
        %add3A_348 = arith.addi %mul3A_346, %add3A_347 : i32
        %swap3A_349 = arith.index_cast %add3A_348 : i32 to index
        %swap3A_350 = tpu.vector_load %arg8[%swap3A_349] {strides = array<i32>} : memref<12544xf32, #tpu.memory_space<vmem>>, vector<16xf32>,
        %swap3A_351 = vector.shape_cast %swap3A_350 : vector<16xf32> to vector<16xf32>
        %swap3A_352 = vector.shape_cast %broadcast_in_dim3A_344 : vector<16xf32> to vector<16xf32>
        tpu.vector_store %arg8[%swap3A_349], %swap3A_352 {strides = array<i32>} : memref<12544xf32, #tpu.memory_space<vmem>>, vector<16xf32>,
        %broadcast_in_dim3A_353 = arith.constant 0.000000e+00 : f32
        %broadcast_in_dim3A_354 = vector.broadcast %broadcast_in_dim3A_353 : f32 to vector<16xf32>
        %mul3A_355 = arith.constant 128 : i32
        %mul3A_356 = arith.muli %scan3A_312, %mul3A_355 : i32
        %add3A_357 = arith.constant 64 : i32
        %add3A_358 = arith.addi %mul3A_356, %add3A_357 : i32
        %swap3A_359 = arith.index_cast %add3A_358 : i32 to index
        %swap3A_360 = tpu.vector_load %arg8[%swap3A_359] {strides = array<i32>} : memref<12544xf32, #tpu.memory_space<vmem>>, vector<16xf32>,
        %swap3A_361 = vector.shape_cast %swap3A_360 : vector<16xf32> to vector<16xf32>
        %swap3A_362 = vector.shape_cast %broadcast_in_dim3A_354 : vector<16xf32> to vector<16xf32>
        tpu.vector_store %arg8[%swap3A_359], %swap3A_362 {strides = array<i32>} : memref<12544xf32, #tpu.memory_space<vmem>>, vector<16xf32>,
        %broadcast_in_dim3A_363 = arith.constant 0.000000e+00 : f32
        %broadcast_in_dim3A_364 = vector.broadcast %broadcast_in_dim3A_363 : f32 to vector<16xf32>
        %mul3A_365 = arith.constant 128 : i32
        %mul3A_366 = arith.muli %scan3A_312, %mul3A_365 : i32
        %add3A_367 = arith.constant 80 : i32
        %add3A_368 = arith.addi %mul3A_366, %add3A_367 : i32
        %swap3A_369 = arith.index_cast %add3A_368 : i32 to index
        %swap3A_370 = tpu.vector_load %arg8[%swap3A_369] {strides = array<i32>} : memref<12544xf32, #tpu.memory_space<vmem>>, vector<16xf32>,
        %swap3A_371 = vector.shape_cast %swap3A_370 : vector<16xf32> to vector<16xf32>
        %swap3A_372 = vector.shape_cast %broadcast_in_dim3A_364 : vector<16xf32> to vector<16xf32>
        tpu.vector_store %arg8[%swap3A_369], %swap3A_372 {strides = array<i32>} : memref<12544xf32, #tpu.memory_space<vmem>>, vector<16xf32>,
        %broadcast_in_dim3A_373 = arith.constant 0.000000e+00 : f32
        %broadcast_in_dim3A_374 = vector.broadcast %broadcast_in_dim3A_373 : f32 to vector<16xf32>
        %mul3A_375 = arith.constant 128 : i32
        %mul3A_376 = arith.muli %scan3A_312, %mul3A_375 : i32
        %add3A_377 = arith.constant 96 : i32
        %add3A_378 = arith.addi %mul3A_376, %add3A_377 : i32
        %swap3A_379 = arith.index_cast %add3A_378 : i32 to index
        %swap3A_380 = tpu.vector_load %arg8[%swap3A_379] {strides = array<i32>} : memref<12544xf32, #tpu.memory_space<vmem>>, vector<16xf32>,
        %swap3A_381 = vector.shape_cast %swap3A_380 : vector<16xf32> to vector<16xf32>
        %swap3A_382 = vector.shape_cast %broadcast_in_dim3A_374 : vector<16xf32> to vector<16xf32>
        tpu.vector_store %arg8[%swap3A_379], %swap3A_382 {strides = array<i32>} : memref<12544xf32, #tpu.memory_space<vmem>>, vector<16xf32>,
        %broadcast_in_dim3A_383 = arith.constant 0.000000e+00 : f32
        %broadcast_in_dim3A_384 = vector.broadcast %broadcast_in_dim3A_383 : f32 to vector<16xf32>
        %mul3A_385 = arith.constant 128 : i32
        %mul3A_386 = arith.muli %scan3A_312, %mul3A_385 : i32
        %add3A_387 = arith.constant 112 : i32
        %add3A_388 = arith.addi %mul3A_386, %add3A_387 : i32
        %swap3A_389 = arith.index_cast %add3A_388 : i32 to index
        %swap3A_390 = tpu.vector_load %arg8[%swap3A_389] {strides = array<i32>} : memref<12544xf32, #tpu.memory_space<vmem>>, vector<16xf32>,
        %swap3A_391 = vector.shape_cast %swap3A_390 : vector<16xf32> to vector<16xf32>
        %swap3A_392 = vector.shape_cast %broadcast_in_dim3A_384 : vector<16xf32> to vector<16xf32>
        tpu.vector_store %arg8[%swap3A_389], %swap3A_392 {strides = array<i32>} : memref<12544xf32, #tpu.memory_space<vmem>>, vector<16xf32>,
      }
      %scan3A_311 = arith.constant 98 : i32
      "tpu.region"() ({
        %run_scoped3A = tpu.sem_alloc : memref<!tpu.dma_semaphore, #tpu.memory_space<semaphore_mem>>
        %dma_start3A_312 = arith.constant 0 : i32
        %dma_start3A_313 = tpu.memref_slice %arg10[%dma_start3A_312] : memref<100352xf32, #tpu.memory_space<vmem_shared>> -> memref<12544xf32, #tpu.memory_space<vmem_shared>>
        %dma_start3A_314 = arith.constant 0 : i32
        %dma_start3A_315 = tpu.memref_slice %arg10[%dma_start3A_314] : memref<100352xf32, #tpu.memory_space<vmem_shared>> -> memref<12544xf32, #tpu.memory_space<vmem_shared>>
        tpu.enqueue_dma source(%arg8 : memref<12544xf32, #tpu.memory_space<vmem>>) target(%dma_start3A_315 : memref<12544xf32, #tpu.memory_space<vmem_shared>>) target_semaphore(%run_scoped3A : memref<!tpu.dma_semaphore, #tpu.memory_space<semaphore_mem>>)
        %dma_wait3A_316 = arith.constant 0 : i32
        %dma_wait3A_317 = tpu.memref_slice %arg10[%dma_wait3A_316] : memref<100352xf32, #tpu.memory_space<vmem_shared>> -> memref<12544xf32, #tpu.memory_space<vmem_shared>>
        %dma_wait3A_318 = arith.constant 0 : i32
        %dma_wait3A_319 = tpu.memref_slice %arg10[%dma_wait3A_318] : memref<100352xf32, #tpu.memory_space<vmem_shared>> -> memref<12544xf32, #tpu.memory_space<vmem_shared>>
        tpu.wait_dma2 semaphore(%run_scoped3A : memref<!tpu.dma_semaphore, #tpu.memory_space<semaphore_mem>>) src(%arg8 : memref<12544xf32, #tpu.memory_space<vmem>>) dst(%dma_wait3A_319 : memref<12544xf32, #tpu.memory_space<vmem_shared>>)
        tpu.yield
      }) : () -> ()
      "tpu.region"() ({
        %run_scoped3A = tpu.sem_alloc : memref<!tpu.dma_semaphore, #tpu.memory_space<semaphore_mem>>
        %dma_start3A_312 = arith.constant 12544 : i32
        %dma_start3A_313 = tpu.memref_slice %arg10[%dma_start3A_312] : memref<100352xf32, #tpu.memory_space<vmem_shared>> -> memref<12544xf32, #tpu.memory_space<vmem_shared>>
        %dma_start3A_314 = arith.constant 12544 : i32
        %dma_start3A_315 = tpu.memref_slice %arg10[%dma_start3A_314] : memref<100352xf32, #tpu.memory_space<vmem_shared>> -> memref<12544xf32, #tpu.memory_space<vmem_shared>>
        tpu.enqueue_dma source(%arg8 : memref<12544xf32, #tpu.memory_space<vmem>>) target(%dma_start3A_315 : memref<12544xf32, #tpu.memory_space<vmem_shared>>) target_semaphore(%run_scoped3A : memref<!tpu.dma_semaphore, #tpu.memory_space<semaphore_mem>>)
        %dma_wait3A_316 = arith.constant 12544 : i32
        %dma_wait3A_317 = tpu.memref_slice %arg10[%dma_wait3A_316] : memref<100352xf32, #tpu.memory_space<vmem_shared>> -> memref<12544xf32, #tpu.memory_space<vmem_shared>>
        %dma_wait3A_318 = arith.constant 12544 : i32
        %dma_wait3A_319 = tpu.memref_slice %arg10[%dma_wait3A_318] : memref<100352xf32, #tpu.memory_space<vmem_shared>> -> memref<12544xf32, #tpu.memory_space<vmem_shared>>
        tpu.wait_dma2 semaphore(%run_scoped3A : memref<!tpu.dma_semaphore, #tpu.memory_space<semaphore_mem>>) src(%arg8 : memref<12544xf32, #tpu.memory_space<vmem>>) dst(%dma_wait3A_319 : memref<12544xf32, #tpu.memory_space<vmem_shared>>)
        tpu.yield
      }) : () -> ()
      "tpu.region"() ({
        %run_scoped3A = tpu.sem_alloc : memref<!tpu.dma_semaphore, #tpu.memory_space<semaphore_mem>>
        %dma_start3A_312 = arith.constant 25088 : i32
        %dma_start3A_313 = tpu.memref_slice %arg10[%dma_start3A_312] : memref<100352xf32, #tpu.memory_space<vmem_shared>> -> memref<12544xf32, #tpu.memory_space<vmem_shared>>
        %dma_start3A_314 = arith.constant 25088 : i32
        %dma_start3A_315 = tpu.memref_slice %arg10[%dma_start3A_314] : memref<100352xf32, #tpu.memory_space<vmem_shared>> -> memref<12544xf32, #tpu.memory_space<vmem_shared>>
        tpu.enqueue_dma source(%arg8 : memref<12544xf32, #tpu.memory_space<vmem>>) target(%dma_start3A_315 : memref<12544xf32, #tpu.memory_space<vmem_shared>>) target_semaphore(%run_scoped3A : memref<!tpu.dma_semaphore, #tpu.memory_space<semaphore_mem>>)
        %dma_wait3A_316 = arith.constant 25088 : i32
        %dma_wait3A_317 = tpu.memref_slice %arg10[%dma_wait3A_316] : memref<100352xf32, #tpu.memory_space<vmem_shared>> -> memref<12544xf32, #tpu.memory_space<vmem_shared>>
        %dma_wait3A_318 = arith.constant 25088 : i32
        %dma_wait3A_319 = tpu.memref_slice %arg10[%dma_wait3A_318] : memref<100352xf32, #tpu.memory_space<vmem_shared>> -> memref<12544xf32, #tpu.memory_space<vmem_shared>>
        tpu.wait_dma2 semaphore(%run_scoped3A : memref<!tpu.dma_semaphore, #tpu.memory_space<semaphore_mem>>) src(%arg8 : memref<12544xf32, #tpu.memory_space<vmem>>) dst(%dma_wait3A_319 : memref<12544xf32, #tpu.memory_space<vmem_shared>>)
        tpu.yield
      }) : () -> ()
      "tpu.region"() ({
        %run_scoped3A = tpu.sem_alloc : memref<!tpu.dma_semaphore, #tpu.memory_space<semaphore_mem>>
        %dma_start3A_312 = arith.constant 37632 : i32
        %dma_start3A_313 = tpu.memref_slice %arg10[%dma_start3A_312] : memref<100352xf32, #tpu.memory_space<vmem_shared>> -> memref<12544xf32, #tpu.memory_space<vmem_shared>>
        %dma_start3A_314 = arith.constant 37632 : i32
        %dma_start3A_315 = tpu.memref_slice %arg10[%dma_start3A_314] : memref<100352xf32, #tpu.memory_space<vmem_shared>> -> memref<12544xf32, #tpu.memory_space<vmem_shared>>
        tpu.enqueue_dma source(%arg8 : memref<12544xf32, #tpu.memory_space<vmem>>) target(%dma_start3A_315 : memref<12544xf32, #tpu.memory_space<vmem_shared>>) target_semaphore(%run_scoped3A : memref<!tpu.dma_semaphore, #tpu.memory_space<semaphore_mem>>)
        %dma_wait3A_316 = arith.constant 37632 : i32
        %dma_wait3A_317 = tpu.memref_slice %arg10[%dma_wait3A_316] : memref<100352xf32, #tpu.memory_space<vmem_shared>> -> memref<12544xf32, #tpu.memory_space<vmem_shared>>
        %dma_wait3A_318 = arith.constant 37632 : i32
        %dma_wait3A_319 = tpu.memref_slice %arg10[%dma_wait3A_318] : memref<100352xf32, #tpu.memory_space<vmem_shared>> -> memref<12544xf32, #tpu.memory_space<vmem_shared>>
        tpu.wait_dma2 semaphore(%run_scoped3A : memref<!tpu.dma_semaphore, #tpu.memory_space<semaphore_mem>>) src(%arg8 : memref<12544xf32, #tpu.memory_space<vmem>>) dst(%dma_wait3A_319 : memref<12544xf32, #tpu.memory_space<vmem_shared>>)
        tpu.yield
      }) : () -> ()
      "tpu.region"() ({
        %run_scoped3A = tpu.sem_alloc : memref<!tpu.dma_semaphore, #tpu.memory_space<semaphore_mem>>
        %dma_start3A_312 = arith.constant 50176 : i32
        %dma_start3A_313 = tpu.memref_slice %arg10[%dma_start3A_312] : memref<100352xf32, #tpu.memory_space<vmem_shared>> -> memref<12544xf32, #tpu.memory_space<vmem_shared>>
        %dma_start3A_314 = arith.constant 50176 : i32
        %dma_start3A_315 = tpu.memref_slice %arg10[%dma_start3A_314] : memref<100352xf32, #tpu.memory_space<vmem_shared>> -> memref<12544xf32, #tpu.memory_space<vmem_shared>>
        tpu.enqueue_dma source(%arg8 : memref<12544xf32, #tpu.memory_space<vmem>>) target(%dma_start3A_315 : memref<12544xf32, #tpu.memory_space<vmem_shared>>) target_semaphore(%run_scoped3A : memref<!tpu.dma_semaphore, #tpu.memory_space<semaphore_mem>>)
        %dma_wait3A_316 = arith.constant 50176 : i32
        %dma_wait3A_317 = tpu.memref_slice %arg10[%dma_wait3A_316] : memref<100352xf32, #tpu.memory_space<vmem_shared>> -> memref<12544xf32, #tpu.memory_space<vmem_shared>>
        %dma_wait3A_318 = arith.constant 50176 : i32
        %dma_wait3A_319 = tpu.memref_slice %arg10[%dma_wait3A_318] : memref<100352xf32, #tpu.memory_space<vmem_shared>> -> memref<12544xf32, #tpu.memory_space<vmem_shared>>
        tpu.wait_dma2 semaphore(%run_scoped3A : memref<!tpu.dma_semaphore, #tpu.memory_space<semaphore_mem>>) src(%arg8 : memref<12544xf32, #tpu.memory_space<vmem>>) dst(%dma_wait3A_319 : memref<12544xf32, #tpu.memory_space<vmem_shared>>)
        tpu.yield
      }) : () -> ()
      "tpu.region"() ({
        %run_scoped3A = tpu.sem_alloc : memref<!tpu.dma_semaphore, #tpu.memory_space<semaphore_mem>>
        %dma_start3A_312 = arith.constant 62720 : i32
        %dma_start3A_313 = tpu.memref_slice %arg10[%dma_start3A_312] : memref<100352xf32, #tpu.memory_space<vmem_shared>> -> memref<12544xf32, #tpu.memory_space<vmem_shared>>
        %dma_start3A_314 = arith.constant 62720 : i32
        %dma_start3A_315 = tpu.memref_slice %arg10[%dma_start3A_314] : memref<100352xf32, #tpu.memory_space<vmem_shared>> -> memref<12544xf32, #tpu.memory_space<vmem_shared>>
        tpu.enqueue_dma source(%arg8 : memref<12544xf32, #tpu.memory_space<vmem>>) target(%dma_start3A_315 : memref<12544xf32, #tpu.memory_space<vmem_shared>>) target_semaphore(%run_scoped3A : memref<!tpu.dma_semaphore, #tpu.memory_space<semaphore_mem>>)
        %dma_wait3A_316 = arith.constant 62720 : i32
        %dma_wait3A_317 = tpu.memref_slice %arg10[%dma_wait3A_316] : memref<100352xf32, #tpu.memory_space<vmem_shared>> -> memref<12544xf32, #tpu.memory_space<vmem_shared>>
        %dma_wait3A_318 = arith.constant 62720 : i32
        %dma_wait3A_319 = tpu.memref_slice %arg10[%dma_wait3A_318] : memref<100352xf32, #tpu.memory_space<vmem_shared>> -> memref<12544xf32, #tpu.memory_space<vmem_shared>>
        tpu.wait_dma2 semaphore(%run_scoped3A : memref<!tpu.dma_semaphore, #tpu.memory_space<semaphore_mem>>) src(%arg8 : memref<12544xf32, #tpu.memory_space<vmem>>) dst(%dma_wait3A_319 : memref<12544xf32, #tpu.memory_space<vmem_shared>>)
        tpu.yield
      }) : () -> ()
      "tpu.region"() ({
        %run_scoped3A = tpu.sem_alloc : memref<!tpu.dma_semaphore, #tpu.memory_space<semaphore_mem>>
        %dma_start3A_312 = arith.constant 75264 : i32
        %dma_start3A_313 = tpu.memref_slice %arg10[%dma_start3A_312] : memref<100352xf32, #tpu.memory_space<vmem_shared>> -> memref<12544xf32, #tpu.memory_space<vmem_shared>>
        %dma_start3A_314 = arith.constant 75264 : i32
        %dma_start3A_315 = tpu.memref_slice %arg10[%dma_start3A_314] : memref<100352xf32, #tpu.memory_space<vmem_shared>> -> memref<12544xf32, #tpu.memory_space<vmem_shared>>
        tpu.enqueue_dma source(%arg8 : memref<12544xf32, #tpu.memory_space<vmem>>) target(%dma_start3A_315 : memref<12544xf32, #tpu.memory_space<vmem_shared>>) target_semaphore(%run_scoped3A : memref<!tpu.dma_semaphore, #tpu.memory_space<semaphore_mem>>)
        %dma_wait3A_316 = arith.constant 75264 : i32
        %dma_wait3A_317 = tpu.memref_slice %arg10[%dma_wait3A_316] : memref<100352xf32, #tpu.memory_space<vmem_shared>> -> memref<12544xf32, #tpu.memory_space<vmem_shared>>
        %dma_wait3A_318 = arith.constant 75264 : i32
        %dma_wait3A_319 = tpu.memref_slice %arg10[%dma_wait3A_318] : memref<100352xf32, #tpu.memory_space<vmem_shared>> -> memref<12544xf32, #tpu.memory_space<vmem_shared>>
        tpu.wait_dma2 semaphore(%run_scoped3A : memref<!tpu.dma_semaphore, #tpu.memory_space<semaphore_mem>>) src(%arg8 : memref<12544xf32, #tpu.memory_space<vmem>>) dst(%dma_wait3A_319 : memref<12544xf32, #tpu.memory_space<vmem_shared>>)
        tpu.yield
      }) : () -> ()
      "tpu.region"() ({
        %run_scoped3A = tpu.sem_alloc : memref<!tpu.dma_semaphore, #tpu.memory_space<semaphore_mem>>
        %dma_start3A_312 = arith.constant 87808 : i32
        %dma_start3A_313 = tpu.memref_slice %arg10[%dma_start3A_312] : memref<100352xf32, #tpu.memory_space<vmem_shared>> -> memref<12544xf32, #tpu.memory_space<vmem_shared>>
        %dma_start3A_314 = arith.constant 87808 : i32
        %dma_start3A_315 = tpu.memref_slice %arg10[%dma_start3A_314] : memref<100352xf32, #tpu.memory_space<vmem_shared>> -> memref<12544xf32, #tpu.memory_space<vmem_shared>>
        tpu.enqueue_dma source(%arg8 : memref<12544xf32, #tpu.memory_space<vmem>>) target(%dma_start3A_315 : memref<12544xf32, #tpu.memory_space<vmem_shared>>) target_semaphore(%run_scoped3A : memref<!tpu.dma_semaphore, #tpu.memory_space<semaphore_mem>>)
        %dma_wait3A_316 = arith.constant 87808 : i32
        %dma_wait3A_317 = tpu.memref_slice %arg10[%dma_wait3A_316] : memref<100352xf32, #tpu.memory_space<vmem_shared>> -> memref<12544xf32, #tpu.memory_space<vmem_shared>>
        %dma_wait3A_318 = arith.constant 87808 : i32
        %dma_wait3A_319 = tpu.memref_slice %arg10[%dma_wait3A_318] : memref<100352xf32, #tpu.memory_space<vmem_shared>> -> memref<12544xf32, #tpu.memory_space<vmem_shared>>
        tpu.wait_dma2 semaphore(%run_scoped3A : memref<!tpu.dma_semaphore, #tpu.memory_space<semaphore_mem>>) src(%arg8 : memref<12544xf32, #tpu.memory_space<vmem>>) dst(%dma_wait3A_319 : memref<12544xf32, #tpu.memory_space<vmem_shared>>)
        tpu.yield
      }) : () -> ()
    } else {
    }
    %broadcast_in_dim3A = arith.constant 1.000000e+00 : f32
    %broadcast_in_dim3A_5 = vector.broadcast %broadcast_in_dim3A : f32 to vector<16xf32>
    %swap3A = arith.constant 0 : index
    %swap3A_6 = tpu.vector_load %arg9[%swap3A] {strides = array<i32>} : memref<64xf32, #tpu.memory_space<vmem>>, vector<16xf32>,
    %swap3A_7 = vector.shape_cast %swap3A_6 : vector<16xf32> to vector<16xf32>
    %swap3A_8 = vector.shape_cast %broadcast_in_dim3A_5 : vector<16xf32> to vector<16xf32>
    tpu.vector_store %arg9[%swap3A], %swap3A_8 {strides = array<i32>} : memref<64xf32, #tpu.memory_space<vmem>>, vector<16xf32>,
    %broadcast_in_dim3A_9 = arith.constant 1.000000e+00 : f32
    %broadcast_in_dim3A_10 = vector.broadcast %broadcast_in_dim3A_9 : f32 to vector<16xf32>
    %swap3A_11 = arith.constant 16 : index
    %swap3A_12 = tpu.vector_load %arg9[%swap3A_11] {strides = array<i32>} : memref<64xf32, #tpu.memory_space<vmem>>, vector<16xf32>,
    %swap3A_13 = vector.shape_cast %swap3A_12 : vector<16xf32> to vector<16xf32>
    %swap3A_14 = vector.shape_cast %broadcast_in_dim3A_10 : vector<16xf32> to vector<16xf32>
    tpu.vector_store %arg9[%swap3A_11], %swap3A_14 {strides = array<i32>} : memref<64xf32, #tpu.memory_space<vmem>>, vector<16xf32>,
    %broadcast_in_dim3A_15 = arith.constant 1.000000e+00 : f32
    %broadcast_in_dim3A_16 = vector.broadcast %broadcast_in_dim3A_15 : f32 to vector<16xf32>
    %swap3A_17 = arith.constant 32 : index
    %swap3A_18 = tpu.vector_load %arg9[%swap3A_17] {strides = array<i32>} : memref<64xf32, #tpu.memory_space<vmem>>, vector<16xf32>,
    %swap3A_19 = vector.shape_cast %swap3A_18 : vector<16xf32> to vector<16xf32>
    %swap3A_20 = vector.shape_cast %broadcast_in_dim3A_16 : vector<16xf32> to vector<16xf32>
    tpu.vector_store %arg9[%swap3A_17], %swap3A_20 {strides = array<i32>} : memref<64xf32, #tpu.memory_space<vmem>>, vector<16xf32>,
    %broadcast_in_dim3A_21 = arith.constant 1.000000e+00 : f32
    %broadcast_in_dim3A_22 = vector.broadcast %broadcast_in_dim3A_21 : f32 to vector<16xf32>
    %swap3A_23 = arith.constant 48 : index
    %swap3A_24 = tpu.vector_load %arg9[%swap3A_23] {strides = array<i32>} : memref<64xf32, #tpu.memory_space<vmem>>, vector<16xf32>,
    %swap3A_25 = vector.shape_cast %swap3A_24 : vector<16xf32> to vector<16xf32>
    %swap3A_26 = vector.shape_cast %broadcast_in_dim3A_22 : vector<16xf32> to vector<16xf32>
    tpu.vector_store %arg9[%swap3A_23], %swap3A_26 {strides = array<i32>} : memref<64xf32, #tpu.memory_space<vmem>>, vector<16xf32>,
    %barrier3A = arith.constant 0 : index
    tpu.barrier barrier_id(%barrier3A)
    %dma_start3A = arith.constant 0 : i32
    %dma_start3A_27 = arith.constant 0 : i32
    %dma_start3A_28 = arith.constant 0 : i32
    %dma_start3A_29 = arith.constant 0 : i32
    %dma_start3A_30 = tpu.memref_slice %arg7[%dma_start3A_27, %dma_start3A_28, %dma_start3A_29] : memref<10x64x128xf32, #tpu.memory_space<vmem>> -> memref<1x64x128xf32, #tpu.memory_space<vmem>>
    %dma_start3A_31 = tpu.memref_squeeze %dma_start3A_30 : memref<1x64x128xf32, #tpu.memory_space<vmem>> -> memref<64x128xf32, #tpu.memory_space<vmem>>
    %dma_start3A_32 = arith.constant 0 : i32
    %dma_start3A_33 = tpu.memref_slice %arg6[%dma_start3A, %dma_start3A_32] : memref<100x64xi32, #tpu.memory_space<vmem>> -> memref<1x64xi32, #tpu.memory_space<vmem>>
    %dma_start3A_34 = tpu.memref_squeeze %dma_start3A_33 : memref<1x64xi32, #tpu.memory_space<vmem>> -> memref<64xi32, #tpu.memory_space<vmem>>
    %dma_start3A_35 = arith.constant 0 : i32
    %dma_start3A_36 = arith.constant 0 : i32
    %dma_start3A_37 = tpu.memref_slice %arg3[%dma_start3A_35, %dma_start3A_36] : memref<100000x128xf32, #tpu.memory_space<hbm>> -> memref<100000x128xf32, #tpu.memory_space<hbm>>
    tpu.enqueue_indirect_dma source(%dma_start3A_37 : memref<100000x128xf32, #tpu.memory_space<hbm>>) target(%dma_start3A_31 : memref<64x128xf32, #tpu.memory_space<vmem>>) offsets(%dma_start3A_34 : memref<64xi32, #tpu.memory_space<vmem>>) semaphore(%arg11 : memref<!tpu.dma_semaphore, #tpu.memory_space<semaphore_mem>>)
    %dma_start3A_38 = arith.constant 1 : i32
    %dma_start3A_39 = arith.constant 1 : i32
    %dma_start3A_40 = arith.constant 0 : i32
    %dma_start3A_41 = arith.constant 0 : i32
    %dma_start3A_42 = tpu.memref_slice %arg7[%dma_start3A_39, %dma_start3A_40, %dma_start3A_41] : memref<10x64x128xf32, #tpu.memory_space<vmem>> -> memref<1x64x128xf32, #tpu.memory_space<vmem>>
    %dma_start3A_43 = tpu.memref_squeeze %dma_start3A_42 : memref<1x64x128xf32, #tpu.memory_space<vmem>> -> memref<64x128xf32, #tpu.memory_space<vmem>>
    %dma_start3A_44 = arith.constant 0 : i32
    %dma_start3A_45 = tpu.memref_slice %arg6[%dma_start3A_38, %dma_start3A_44] : memref<100x64xi32, #tpu.memory_space<vmem>> -> memref<1x64xi32, #tpu.memory_space<vmem>>
    %dma_start3A_46 = tpu.memref_squeeze %dma_start3A_45 : memref<1x64xi32, #tpu.memory_space<vmem>> -> memref<64xi32, #tpu.memory_space<vmem>>
    %dma_start3A_47 = arith.constant 0 : i32
    %dma_start3A_48 = arith.constant 0 : i32
    %dma_start3A_49 = tpu.memref_slice %arg3[%dma_start3A_47, %dma_start3A_48] : memref<100000x128xf32, #tpu.memory_space<hbm>> -> memref<100000x128xf32, #tpu.memory_space<hbm>>
    tpu.enqueue_indirect_dma source(%dma_start3A_49 : memref<100000x128xf32, #tpu.memory_space<hbm>>) target(%dma_start3A_43 : memref<64x128xf32, #tpu.memory_space<vmem>>) offsets(%dma_start3A_46 : memref<64xi32, #tpu.memory_space<vmem>>) semaphore(%arg12 : memref<!tpu.dma_semaphore, #tpu.memory_space<semaphore_mem>>)
    %dma_start3A_50 = arith.constant 2 : i32
    %dma_start3A_51 = arith.constant 2 : i32
    %dma_start3A_52 = arith.constant 0 : i32
    %dma_start3A_53 = arith.constant 0 : i32
    %dma_start3A_54 = tpu.memref_slice %arg7[%dma_start3A_51, %dma_start3A_52, %dma_start3A_53] : memref<10x64x128xf32, #tpu.memory_space<vmem>> -> memref<1x64x128xf32, #tpu.memory_space<vmem>>
    %dma_start3A_55 = tpu.memref_squeeze %dma_start3A_54 : memref<1x64x128xf32, #tpu.memory_space<vmem>> -> memref<64x128xf32, #tpu.memory_space<vmem>>
    %dma_start3A_56 = arith.constant 0 : i32
    %dma_start3A_57 = tpu.memref_slice %arg6[%dma_start3A_50, %dma_start3A_56] : memref<100x64xi32, #tpu.memory_space<vmem>> -> memref<1x64xi32, #tpu.memory_space<vmem>>
    %dma_start3A_58 = tpu.memref_squeeze %dma_start3A_57 : memref<1x64xi32, #tpu.memory_space<vmem>> -> memref<64xi32, #tpu.memory_space<vmem>>
    %dma_start3A_59 = arith.constant 0 : i32
    %dma_start3A_60 = arith.constant 0 : i32
    %dma_start3A_61 = tpu.memref_slice %arg3[%dma_start3A_59, %dma_start3A_60] : memref<100000x128xf32, #tpu.memory_space<hbm>> -> memref<100000x128xf32, #tpu.memory_space<hbm>>
    tpu.enqueue_indirect_dma source(%dma_start3A_61 : memref<100000x128xf32, #tpu.memory_space<hbm>>) target(%dma_start3A_55 : memref<64x128xf32, #tpu.memory_space<vmem>>) offsets(%dma_start3A_58 : memref<64xi32, #tpu.memory_space<vmem>>) semaphore(%arg13 : memref<!tpu.dma_semaphore, #tpu.memory_space<semaphore_mem>>)
    %dma_start3A_62 = arith.constant 3 : i32
    %dma_start3A_63 = arith.constant 3 : i32
    %dma_start3A_64 = arith.constant 0 : i32
    %dma_start3A_65 = arith.constant 0 : i32
    %dma_start3A_66 = tpu.memref_slice %arg7[%dma_start3A_63, %dma_start3A_64, %dma_start3A_65] : memref<10x64x128xf32, #tpu.memory_space<vmem>> -> memref<1x64x128xf32, #tpu.memory_space<vmem>>
    %dma_start3A_67 = tpu.memref_squeeze %dma_start3A_66 : memref<1x64x128xf32, #tpu.memory_space<vmem>> -> memref<64x128xf32, #tpu.memory_space<vmem>>
    %dma_start3A_68 = arith.constant 0 : i32
    %dma_start3A_69 = tpu.memref_slice %arg6[%dma_start3A_62, %dma_start3A_68] : memref<100x64xi32, #tpu.memory_space<vmem>> -> memref<1x64xi32, #tpu.memory_space<vmem>>
    %dma_start3A_70 = tpu.memref_squeeze %dma_start3A_69 : memref<1x64xi32, #tpu.memory_space<vmem>> -> memref<64xi32, #tpu.memory_space<vmem>>
    %dma_start3A_71 = arith.constant 0 : i32
    %dma_start3A_72 = arith.constant 0 : i32
    %dma_start3A_73 = tpu.memref_slice %arg3[%dma_start3A_71, %dma_start3A_72] : memref<100000x128xf32, #tpu.memory_space<hbm>> -> memref<100000x128xf32, #tpu.memory_space<hbm>>
    tpu.enqueue_indirect_dma source(%dma_start3A_73 : memref<100000x128xf32, #tpu.memory_space<hbm>>) target(%dma_start3A_67 : memref<64x128xf32, #tpu.memory_space<vmem>>) offsets(%dma_start3A_70 : memref<64xi32, #tpu.memory_space<vmem>>) semaphore(%arg14 : memref<!tpu.dma_semaphore, #tpu.memory_space<semaphore_mem>>)
    %dma_start3A_74 = arith.constant 4 : i32
    %dma_start3A_75 = arith.constant 4 : i32
    %dma_start3A_76 = arith.constant 0 : i32
    %dma_start3A_77 = arith.constant 0 : i32
    %dma_start3A_78 = tpu.memref_slice %arg7[%dma_start3A_75, %dma_start3A_76, %dma_start3A_77] : memref<10x64x128xf32, #tpu.memory_space<vmem>> -> memref<1x64x128xf32, #tpu.memory_space<vmem>>
    %dma_start3A_79 = tpu.memref_squeeze %dma_start3A_78 : memref<1x64x128xf32, #tpu.memory_space<vmem>> -> memref<64x128xf32, #tpu.memory_space<vmem>>
    %dma_start3A_80 = arith.constant 0 : i32
    %dma_start3A_81 = tpu.memref_slice %arg6[%dma_start3A_74, %dma_start3A_80] : memref<100x64xi32, #tpu.memory_space<vmem>> -> memref<1x64xi32, #tpu.memory_space<vmem>>
    %dma_start3A_82 = tpu.memref_squeeze %dma_start3A_81 : memref<1x64xi32, #tpu.memory_space<vmem>> -> memref<64xi32, #tpu.memory_space<vmem>>
    %dma_start3A_83 = arith.constant 0 : i32
    %dma_start3A_84 = arith.constant 0 : i32
    %dma_start3A_85 = tpu.memref_slice %arg3[%dma_start3A_83, %dma_start3A_84] : memref<100000x128xf32, #tpu.memory_space<hbm>> -> memref<100000x128xf32, #tpu.memory_space<hbm>>
    tpu.enqueue_indirect_dma source(%dma_start3A_85 : memref<100000x128xf32, #tpu.memory_space<hbm>>) target(%dma_start3A_79 : memref<64x128xf32, #tpu.memory_space<vmem>>) offsets(%dma_start3A_82 : memref<64xi32, #tpu.memory_space<vmem>>) semaphore(%arg15 : memref<!tpu.dma_semaphore, #tpu.memory_space<semaphore_mem>>)
    %dma_start3A_86 = arith.constant 5 : i32
    %dma_start3A_87 = arith.constant 5 : i32
    %dma_start3A_88 = arith.constant 0 : i32
    %dma_start3A_89 = arith.constant 0 : i32
    %dma_start3A_90 = tpu.memref_slice %arg7[%dma_start3A_87, %dma_start3A_88, %dma_start3A_89] : memref<10x64x128xf32, #tpu.memory_space<vmem>> -> memref<1x64x128xf32, #tpu.memory_space<vmem>>
    %dma_start3A_91 = tpu.memref_squeeze %dma_start3A_90 : memref<1x64x128xf32, #tpu.memory_space<vmem>> -> memref<64x128xf32, #tpu.memory_space<vmem>>
    %dma_start3A_92 = arith.constant 0 : i32
    %dma_start3A_93 = tpu.memref_slice %arg6[%dma_start3A_86, %dma_start3A_92] : memref<100x64xi32, #tpu.memory_space<vmem>> -> memref<1x64xi32, #tpu.memory_space<vmem>>
    %dma_start3A_94 = tpu.memref_squeeze %dma_start3A_93 : memref<1x64xi32, #tpu.memory_space<vmem>> -> memref<64xi32, #tpu.memory_space<vmem>>
    %dma_start3A_95 = arith.constant 0 : i32
    %dma_start3A_96 = arith.constant 0 : i32
    %dma_start3A_97 = tpu.memref_slice %arg3[%dma_start3A_95, %dma_start3A_96] : memref<100000x128xf32, #tpu.memory_space<hbm>> -> memref<100000x128xf32, #tpu.memory_space<hbm>>
    tpu.enqueue_indirect_dma source(%dma_start3A_97 : memref<100000x128xf32, #tpu.memory_space<hbm>>) target(%dma_start3A_91 : memref<64x128xf32, #tpu.memory_space<vmem>>) offsets(%dma_start3A_94 : memref<64xi32, #tpu.memory_space<vmem>>) semaphore(%arg16 : memref<!tpu.dma_semaphore, #tpu.memory_space<semaphore_mem>>)
    %dma_start3A_98 = arith.constant 6 : i32
    %dma_start3A_99 = arith.constant 6 : i32
    %dma_start3A_100 = arith.constant 0 : i32
    %dma_start3A_101 = arith.constant 0 : i32
    %dma_start3A_102 = tpu.memref_slice %arg7[%dma_start3A_99, %dma_start3A_100, %dma_start3A_101] : memref<10x64x128xf32, #tpu.memory_space<vmem>> -> memref<1x64x128xf32, #tpu.memory_space<vmem>>
    %dma_start3A_103 = tpu.memref_squeeze %dma_start3A_102 : memref<1x64x128xf32, #tpu.memory_space<vmem>> -> memref<64x128xf32, #tpu.memory_space<vmem>>
    %dma_start3A_104 = arith.constant 0 : i32
    %dma_start3A_105 = tpu.memref_slice %arg6[%dma_start3A_98, %dma_start3A_104] : memref<100x64xi32, #tpu.memory_space<vmem>> -> memref<1x64xi32, #tpu.memory_space<vmem>>
    %dma_start3A_106 = tpu.memref_squeeze %dma_start3A_105 : memref<1x64xi32, #tpu.memory_space<vmem>> -> memref<64xi32, #tpu.memory_space<vmem>>
    %dma_start3A_107 = arith.constant 0 : i32
    %dma_start3A_108 = arith.constant 0 : i32
    %dma_start3A_109 = tpu.memref_slice %arg3[%dma_start3A_107, %dma_start3A_108] : memref<100000x128xf32, #tpu.memory_space<hbm>> -> memref<100000x128xf32, #tpu.memory_space<hbm>>
    tpu.enqueue_indirect_dma source(%dma_start3A_109 : memref<100000x128xf32, #tpu.memory_space<hbm>>) target(%dma_start3A_103 : memref<64x128xf32, #tpu.memory_space<vmem>>) offsets(%dma_start3A_106 : memref<64xi32, #tpu.memory_space<vmem>>) semaphore(%arg17 : memref<!tpu.dma_semaphore, #tpu.memory_space<semaphore_mem>>)
    %dma_start3A_110 = arith.constant 7 : i32
    %dma_start3A_111 = arith.constant 7 : i32
    %dma_start3A_112 = arith.constant 0 : i32
    %dma_start3A_113 = arith.constant 0 : i32
    %dma_start3A_114 = tpu.memref_slice %arg7[%dma_start3A_111, %dma_start3A_112, %dma_start3A_113] : memref<10x64x128xf32, #tpu.memory_space<vmem>> -> memref<1x64x128xf32, #tpu.memory_space<vmem>>
    %dma_start3A_115 = tpu.memref_squeeze %dma_start3A_114 : memref<1x64x128xf32, #tpu.memory_space<vmem>> -> memref<64x128xf32, #tpu.memory_space<vmem>>
    %dma_start3A_116 = arith.constant 0 : i32
    %dma_start3A_117 = tpu.memref_slice %arg6[%dma_start3A_110, %dma_start3A_116] : memref<100x64xi32, #tpu.memory_space<vmem>> -> memref<1x64xi32, #tpu.memory_space<vmem>>
    %dma_start3A_118 = tpu.memref_squeeze %dma_start3A_117 : memref<1x64xi32, #tpu.memory_space<vmem>> -> memref<64xi32, #tpu.memory_space<vmem>>
    %dma_start3A_119 = arith.constant 0 : i32
    %dma_start3A_120 = arith.constant 0 : i32
    %dma_start3A_121 = tpu.memref_slice %arg3[%dma_start3A_119, %dma_start3A_120] : memref<100000x128xf32, #tpu.memory_space<hbm>> -> memref<100000x128xf32, #tpu.memory_space<hbm>>
    tpu.enqueue_indirect_dma source(%dma_start3A_121 : memref<100000x128xf32, #tpu.memory_space<hbm>>) target(%dma_start3A_115 : memref<64x128xf32, #tpu.memory_space<vmem>>) offsets(%dma_start3A_118 : memref<64xi32, #tpu.memory_space<vmem>>) semaphore(%arg18 : memref<!tpu.dma_semaphore, #tpu.memory_space<semaphore_mem>>)
    %dma_start3A_122 = arith.constant 8 : i32
    %dma_start3A_123 = arith.constant 8 : i32
    %dma_start3A_124 = arith.constant 0 : i32
    %dma_start3A_125 = arith.constant 0 : i32
    %dma_start3A_126 = tpu.memref_slice %arg7[%dma_start3A_123, %dma_start3A_124, %dma_start3A_125] : memref<10x64x128xf32, #tpu.memory_space<vmem>> -> memref<1x64x128xf32, #tpu.memory_space<vmem>>
    %dma_start3A_127 = tpu.memref_squeeze %dma_start3A_126 : memref<1x64x128xf32, #tpu.memory_space<vmem>> -> memref<64x128xf32, #tpu.memory_space<vmem>>
    %dma_start3A_128 = arith.constant 0 : i32
    %dma_start3A_129 = tpu.memref_slice %arg6[%dma_start3A_122, %dma_start3A_128] : memref<100x64xi32, #tpu.memory_space<vmem>> -> memref<1x64xi32, #tpu.memory_space<vmem>>
    %dma_start3A_130 = tpu.memref_squeeze %dma_start3A_129 : memref<1x64xi32, #tpu.memory_space<vmem>> -> memref<64xi32, #tpu.memory_space<vmem>>
    %dma_start3A_131 = arith.constant 0 : i32
    %dma_start3A_132 = arith.constant 0 : i32
    %dma_start3A_133 = tpu.memref_slice %arg3[%dma_start3A_131, %dma_start3A_132] : memref<100000x128xf32, #tpu.memory_space<hbm>> -> memref<100000x128xf32, #tpu.memory_space<hbm>>
    tpu.enqueue_indirect_dma source(%dma_start3A_133 : memref<100000x128xf32, #tpu.memory_space<hbm>>) target(%dma_start3A_127 : memref<64x128xf32, #tpu.memory_space<vmem>>) offsets(%dma_start3A_130 : memref<64xi32, #tpu.memory_space<vmem>>) semaphore(%arg19 : memref<!tpu.dma_semaphore, #tpu.memory_space<semaphore_mem>>)
    %dma_start3A_134 = arith.constant 9 : i32
    %dma_start3A_135 = arith.constant 9 : i32
    %dma_start3A_136 = arith.constant 0 : i32
    %dma_start3A_137 = arith.constant 0 : i32
    %dma_start3A_138 = tpu.memref_slice %arg7[%dma_start3A_135, %dma_start3A_136, %dma_start3A_137] : memref<10x64x128xf32, #tpu.memory_space<vmem>> -> memref<1x64x128xf32, #tpu.memory_space<vmem>>
    %dma_start3A_139 = tpu.memref_squeeze %dma_start3A_138 : memref<1x64x128xf32, #tpu.memory_space<vmem>> -> memref<64x128xf32, #tpu.memory_space<vmem>>
    %dma_start3A_140 = arith.constant 0 : i32
    %dma_start3A_141 = tpu.memref_slice %arg6[%dma_start3A_134, %dma_start3A_140] : memref<100x64xi32, #tpu.memory_space<vmem>> -> memref<1x64xi32, #tpu.memory_space<vmem>>
    %dma_start3A_142 = tpu.memref_squeeze %dma_start3A_141 : memref<1x64xi32, #tpu.memory_space<vmem>> -> memref<64xi32, #tpu.memory_space<vmem>>
    %dma_start3A_143 = arith.constant 0 : i32
    %dma_start3A_144 = arith.constant 0 : i32
    %dma_start3A_145 = tpu.memref_slice %arg3[%dma_start3A_143, %dma_start3A_144] : memref<100000x128xf32, #tpu.memory_space<hbm>> -> memref<100000x128xf32, #tpu.memory_space<hbm>>
    tpu.enqueue_indirect_dma source(%dma_start3A_145 : memref<100000x128xf32, #tpu.memory_space<hbm>>) target(%dma_start3A_139 : memref<64x128xf32, #tpu.memory_space<vmem>>) offsets(%dma_start3A_142 : memref<64xi32, #tpu.memory_space<vmem>>) semaphore(%arg20 : memref<!tpu.dma_semaphore, #tpu.memory_space<semaphore_mem>>)
    %scan3A = arith.constant 0 : i32
    %scan3A_146 = arith.constant 0 : i32
    %scan3A_147 = arith.constant 10 : i32
    %scan3A_148 = arith.addi %scan3A_146, %scan3A_147 : i32
    %scan3A_149 = arith.constant 1 : i32
    scf.for %scan3A_306 = %scan3A_146 to %scan3A_148 step %scan3A_149  : i32 {
      %mul3A_307 = arith.constant 10 : i32
      %mul3A_308 = arith.muli %scan3A_306, %mul3A_307 : i32
      %add3A_309 = arith.constant 0 : i32
      %add3A_310 = arith.addi %mul3A_308, %add3A_309 : i32
      %dma_wait3A_311 = arith.constant 0 : i32
      %dma_wait3A_312 = arith.constant 0 : i32
      %dma_wait3A_313 = arith.constant 0 : i32
      %dma_wait3A_314 = tpu.memref_slice %arg7[%dma_wait3A_311, %dma_wait3A_312, %dma_wait3A_313] : memref<10x64x128xf32, #tpu.memory_space<vmem>> -> memref<1x64x128xf32, #tpu.memory_space<vmem>>
      %dma_wait3A_315 = tpu.memref_squeeze %dma_wait3A_314 : memref<1x64x128xf32, #tpu.memory_space<vmem>> -> memref<64x128xf32, #tpu.memory_space<vmem>>
      %dma_wait3A_316 = arith.constant 0 : i32
      %dma_wait3A_317 = arith.constant 0 : i32
      %dma_wait3A_318 = tpu.memref_slice %arg3[%dma_wait3A_316, %dma_wait3A_317] : memref<100000x128xf32, #tpu.memory_space<hbm>> -> memref<64x128xf32, #tpu.memory_space<hbm>>
      %dma_wait3A_319 = arith.constant 0 : i32
      %dma_wait3A_320 = arith.constant 0 : i32
      %dma_wait3A_321 = tpu.memref_slice %arg7[%dma_wait3A_311, %dma_wait3A_319, %dma_wait3A_320] : memref<10x64x128xf32, #tpu.memory_space<vmem>> -> memref<1x64x128xf32, #tpu.memory_space<vmem>>
      %dma_wait3A_322 = tpu.memref_squeeze %dma_wait3A_321 : memref<1x64x128xf32, #tpu.memory_space<vmem>> -> memref<64x128xf32, #tpu.memory_space<vmem>>
      %dma_wait3A_323 = arith.constant 0 : i32
      %dma_wait3A_324 = arith.constant 0 : i32
      %dma_wait3A_325 = tpu.memref_slice %arg3[%dma_wait3A_323, %dma_wait3A_324] : memref<100000x128xf32, #tpu.memory_space<hbm>> -> memref<64x128xf32, #tpu.memory_space<hbm>>
      tpu.wait_dma2 semaphore(%arg11 : memref<!tpu.dma_semaphore, #tpu.memory_space<semaphore_mem>>) src(%dma_wait3A_325 : memref<64x128xf32, #tpu.memory_space<hbm>>) dst(%dma_wait3A_322 : memref<64x128xf32, #tpu.memory_space<vmem>>)
      %mul3A_326 = arith.constant 64 : i32
      %mul3A_327 = arith.muli %add3A_310, %mul3A_326 : i32
      %add3A_328 = arith.addi %mul3A_2, %mul3A_327 : i32
      %dma_start3A_329 = arith.constant 0 : i32
      %dma_start3A_330 = arith.constant 0 : i32
      %dma_start3A_331 = arith.constant 0 : i32
      %dma_start3A_332 = tpu.memref_slice %arg7[%dma_start3A_329, %dma_start3A_330, %dma_start3A_331] : memref<10x64x128xf32, #tpu.memory_space<vmem>> -> memref<1x64x128xf32, #tpu.memory_space<vmem>>
      %dma_start3A_333 = tpu.memref_squeeze %dma_start3A_332 : memref<1x64x128xf32, #tpu.memory_space<vmem>> -> memref<64x128xf32, #tpu.memory_space<vmem>>
      %dma_start3A_334 = arith.constant 0 : i32
      %dma_start3A_335 = tpu.memref_slice %arg4[%add3A_328, %dma_start3A_334] : memref<204800x128xf32, #tpu.memory_space<hbm>> -> memref<64x128xf32, #tpu.memory_space<hbm>>
      %dma_start3A_336 = arith.constant 0 : i32
      %dma_start3A_337 = tpu.memref_slice %arg4[%add3A_328, %dma_start3A_336] : memref<204800x128xf32, #tpu.memory_space<hbm>> -> memref<64x128xf32, #tpu.memory_space<hbm>>
      %dma_start3A_338 = arith.constant 0 : i32
      %dma_start3A_339 = arith.constant 0 : i32
      %dma_start3A_340 = tpu.memref_slice %arg7[%dma_start3A_329, %dma_start3A_338, %dma_start3A_339] : memref<10x64x128xf32, #tpu.memory_space<vmem>> -> memref<1x64x128xf32, #tpu.memory_space<vmem>>
      %dma_start3A_341 = tpu.memref_squeeze %dma_start3A_340 : memref<1x64x128xf32, #tpu.memory_space<vmem>> -> memref<64x128xf32, #tpu.memory_space<vmem>>
      tpu.enqueue_dma source(%dma_start3A_341 : memref<64x128xf32, #tpu.memory_space<vmem>>) target(%dma_start3A_337 : memref<64x128xf32, #tpu.memory_space<hbm>>) target_semaphore(%arg21 : memref<!tpu.dma_semaphore, #tpu.memory_space<semaphore_mem>>)
      "tpu.region"() ({
        %run_scoped3A = tpu.sem_alloc : memref<!tpu.dma_semaphore, #tpu.memory_space<semaphore_mem>>
        %dma_start3A_708 = arith.constant 0 : i32
        %dma_start3A_709 = tpu.memref_slice %arg6[%add3A_310, %dma_start3A_708] : memref<100x64xi32, #tpu.memory_space<vmem>> -> memref<1x64xi32, #tpu.memory_space<vmem>>
        %dma_start3A_710 = tpu.memref_squeeze %dma_start3A_709 : memref<1x64xi32, #tpu.memory_space<vmem>> -> memref<64xi32, #tpu.memory_space<vmem>>
        %dma_start3A_711 = arith.constant 0 : i32
        %dma_start3A_712 = tpu.memref_slice %arg10[%dma_start3A_711] : memref<100352xf32, #tpu.memory_space<vmem_shared>> -> memref<100352xf32, #tpu.memory_space<vmem_shared>>
        tpu.enqueue_indirect_dma source(%arg9 : memref<64xf32, #tpu.memory_space<vmem>>) target(%dma_start3A_712 : memref<100352xf32, #tpu.memory_space<vmem_shared>>) offsets(%dma_start3A_710 : memref<64xi32, #tpu.memory_space<vmem>>) semaphore(%run_scoped3A : memref<!tpu.dma_semaphore, #tpu.memory_space<semaphore_mem>>) {add = true}
        %dma_wait3A_713 = arith.constant 0 : i32
        %dma_wait3A_714 = tpu.memref_slice %arg6[%add3A_310, %dma_wait3A_713] : memref<100x64xi32, #tpu.memory_space<vmem>> -> memref<1x64xi32, #tpu.memory_space<vmem>>
        %dma_wait3A_715 = tpu.memref_squeeze %dma_wait3A_714 : memref<1x64xi32, #tpu.memory_space<vmem>> -> memref<64xi32, #tpu.memory_space<vmem>>
        %dma_wait3A_716 = arith.constant 0 : i32
        %dma_wait3A_717 = tpu.memref_slice %arg10[%dma_wait3A_716] : memref<100352xf32, #tpu.memory_space<vmem_shared>> -> memref<100352xf32, #tpu.memory_space<vmem_shared>>
        tpu.wait_indirect_dma semaphore(%run_scoped3A : memref<!tpu.dma_semaphore, #tpu.memory_space<semaphore_mem>>) src(%arg9 : memref<64xf32, #tpu.memory_space<vmem>>) dst(%dma_wait3A_717 : memref<100352xf32, #tpu.memory_space<vmem_shared>>)
        tpu.yield
      }) : () -> ()
      %add3A_342 = arith.constant 10 : i32
      %add3A_343 = arith.addi %add3A_310, %add3A_342 : i32
      %lt3A = arith.constant 100 : i32
      %lt3A_344 = arith.cmpi slt, %add3A_343, %lt3A : i32
      %convert_element_type3A_345 = arith.extui %lt3A_344 : i1 to i32
      %cond3A_346 = arith.constant 0 : i32
      %cond3A_347 = arith.cmpi ne, %convert_element_type3A_345, %cond3A_346 : i32
      scf.if %cond3A_347 {
        %dma_wait3A_708 = arith.constant 0 : i32
        %dma_wait3A_709 = arith.constant 0 : i32
        %dma_wait3A_710 = arith.constant 0 : i32
        %dma_wait3A_711 = tpu.memref_slice %arg7[%dma_wait3A_708, %dma_wait3A_709, %dma_wait3A_710] : memref<10x64x128xf32, #tpu.memory_space<vmem>> -> memref<1x64x128xf32, #tpu.memory_space<vmem>>
        %dma_wait3A_712 = tpu.memref_squeeze %dma_wait3A_711 : memref<1x64x128xf32, #tpu.memory_space<vmem>> -> memref<64x128xf32, #tpu.memory_space<vmem>>
        %dma_wait3A_713 = arith.constant 0 : i32
        %dma_wait3A_714 = arith.constant 0 : i32
        %dma_wait3A_715 = tpu.memref_slice %arg4[%dma_wait3A_713, %dma_wait3A_714] : memref<204800x128xf32, #tpu.memory_space<hbm>> -> memref<64x128xf32, #tpu.memory_space<hbm>>
        %dma_wait3A_716 = arith.constant 0 : i32
        %dma_wait3A_717 = arith.constant 0 : i32
        %dma_wait3A_718 = tpu.memref_slice %arg4[%dma_wait3A_716, %dma_wait3A_717] : memref<204800x128xf32, #tpu.memory_space<hbm>> -> memref<64x128xf32, #tpu.memory_space<hbm>>
        %dma_wait3A_719 = arith.constant 0 : i32
        %dma_wait3A_720 = arith.constant 0 : i32
        %dma_wait3A_721 = tpu.memref_slice %arg7[%dma_wait3A_708, %dma_wait3A_719, %dma_wait3A_720] : memref<10x64x128xf32, #tpu.memory_space<vmem>> -> memref<1x64x128xf32, #tpu.memory_space<vmem>>
        %dma_wait3A_722 = tpu.memref_squeeze %dma_wait3A_721 : memref<1x64x128xf32, #tpu.memory_space<vmem>> -> memref<64x128xf32, #tpu.memory_space<vmem>>
        tpu.wait_dma2 semaphore(%arg21 : memref<!tpu.dma_semaphore, #tpu.memory_space<semaphore_mem>>) src(%dma_wait3A_722 : memref<64x128xf32, #tpu.memory_space<vmem>>) dst(%dma_wait3A_718 : memref<64x128xf32, #tpu.memory_space<hbm>>)
        %add3A_723 = arith.constant 10 : i32
        %add3A_724 = arith.addi %add3A_310, %add3A_723 : i32
        %dma_start3A_725 = arith.constant 0 : i32
        %dma_start3A_726 = arith.constant 0 : i32
        %dma_start3A_727 = arith.constant 0 : i32
        %dma_start3A_728 = tpu.memref_slice %arg7[%dma_start3A_725, %dma_start3A_726, %dma_start3A_727] : memref<10x64x128xf32, #tpu.memory_space<vmem>> -> memref<1x64x128xf32, #tpu.memory_space<vmem>>
        %dma_start3A_729 = tpu.memref_squeeze %dma_start3A_728 : memref<1x64x128xf32, #tpu.memory_space<vmem>> -> memref<64x128xf32, #tpu.memory_space<vmem>>
        %dma_start3A_730 = arith.constant 0 : i32
        %dma_start3A_731 = tpu.memref_slice %arg6[%add3A_724, %dma_start3A_730] : memref<100x64xi32, #tpu.memory_space<vmem>> -> memref<1x64xi32, #tpu.memory_space<vmem>>
        %dma_start3A_732 = tpu.memref_squeeze %dma_start3A_731 : memref<1x64xi32, #tpu.memory_space<vmem>> -> memref<64xi32, #tpu.memory_space<vmem>>
        %dma_start3A_733 = arith.constant 0 : i32
        %dma_start3A_734 = arith.constant 0 : i32
        %dma_start3A_735 = tpu.memref_slice %arg3[%dma_start3A_733, %dma_start3A_734] : memref<100000x128xf32, #tpu.memory_space<hbm>> -> memref<100000x128xf32, #tpu.memory_space<hbm>>
        tpu.enqueue_indirect_dma source(%dma_start3A_735 : memref<100000x128xf32, #tpu.memory_space<hbm>>) target(%dma_start3A_729 : memref<64x128xf32, #tpu.memory_space<vmem>>) offsets(%dma_start3A_732 : memref<64xi32, #tpu.memory_space<vmem>>) semaphore(%arg11 : memref<!tpu.dma_semaphore, #tpu.memory_space<semaphore_mem>>)
      } else {
      }
      %add3A_348 = arith.constant 1 : i32
      %add3A_349 = arith.addi %mul3A_308, %add3A_348 : i32
      %dma_wait3A_350 = arith.constant 1 : i32
      %dma_wait3A_351 = arith.constant 0 : i32
      %dma_wait3A_352 = arith.constant 0 : i32
      %dma_wait3A_353 = tpu.memref_slice %arg7[%dma_wait3A_350, %dma_wait3A_351, %dma_wait3A_352] : memref<10x64x128xf32, #tpu.memory_space<vmem>> -> memref<1x64x128xf32, #tpu.memory_space<vmem>>
      %dma_wait3A_354 = tpu.memref_squeeze %dma_wait3A_353 : memref<1x64x128xf32, #tpu.memory_space<vmem>> -> memref<64x128xf32, #tpu.memory_space<vmem>>
      %dma_wait3A_355 = arith.constant 0 : i32
      %dma_wait3A_356 = arith.constant 0 : i32
      %dma_wait3A_357 = tpu.memref_slice %arg3[%dma_wait3A_355, %dma_wait3A_356] : memref<100000x128xf32, #tpu.memory_space<hbm>> -> memref<64x128xf32, #tpu.memory_space<hbm>>
      %dma_wait3A_358 = arith.constant 0 : i32
      %dma_wait3A_359 = arith.constant 0 : i32
      %dma_wait3A_360 = tpu.memref_slice %arg7[%dma_wait3A_350, %dma_wait3A_358, %dma_wait3A_359] : memref<10x64x128xf32, #tpu.memory_space<vmem>> -> memref<1x64x128xf32, #tpu.memory_space<vmem>>
      %dma_wait3A_361 = tpu.memref_squeeze %dma_wait3A_360 : memref<1x64x128xf32, #tpu.memory_space<vmem>> -> memref<64x128xf32, #tpu.memory_space<vmem>>
      %dma_wait3A_362 = arith.constant 0 : i32
      %dma_wait3A_363 = arith.constant 0 : i32
      %dma_wait3A_364 = tpu.memref_slice %arg3[%dma_wait3A_362, %dma_wait3A_363] : memref<100000x128xf32, #tpu.memory_space<hbm>> -> memref<64x128xf32, #tpu.memory_space<hbm>>
      tpu.wait_dma2 semaphore(%arg12 : memref<!tpu.dma_semaphore, #tpu.memory_space<semaphore_mem>>) src(%dma_wait3A_364 : memref<64x128xf32, #tpu.memory_space<hbm>>) dst(%dma_wait3A_361 : memref<64x128xf32, #tpu.memory_space<vmem>>)
      %mul3A_365 = arith.constant 64 : i32
      %mul3A_366 = arith.muli %add3A_349, %mul3A_365 : i32
      %add3A_367 = arith.addi %mul3A_2, %mul3A_366 : i32
      %dma_start3A_368 = arith.constant 1 : i32
      %dma_start3A_369 = arith.constant 0 : i32
      %dma_start3A_370 = arith.constant 0 : i32
      %dma_start3A_371 = tpu.memref_slice %arg7[%dma_start3A_368, %dma_start3A_369, %dma_start3A_370] : memref<10x64x128xf32, #tpu.memory_space<vmem>> -> memref<1x64x128xf32, #tpu.memory_space<vmem>>
      %dma_start3A_372 = tpu.memref_squeeze %dma_start3A_371 : memref<1x64x128xf32, #tpu.memory_space<vmem>> -> memref<64x128xf32, #tpu.memory_space<vmem>>
      %dma_start3A_373 = arith.constant 0 : i32
      %dma_start3A_374 = tpu.memref_slice %arg4[%add3A_367, %dma_start3A_373] : memref<204800x128xf32, #tpu.memory_space<hbm>> -> memref<64x128xf32, #tpu.memory_space<hbm>>
      %dma_start3A_375 = arith.constant 0 : i32
      %dma_start3A_376 = tpu.memref_slice %arg4[%add3A_367, %dma_start3A_375] : memref<204800x128xf32, #tpu.memory_space<hbm>> -> memref<64x128xf32, #tpu.memory_space<hbm>>
      %dma_start3A_377 = arith.constant 0 : i32
      %dma_start3A_378 = arith.constant 0 : i32
      %dma_start3A_379 = tpu.memref_slice %arg7[%dma_start3A_368, %dma_start3A_377, %dma_start3A_378] : memref<10x64x128xf32, #tpu.memory_space<vmem>> -> memref<1x64x128xf32, #tpu.memory_space<vmem>>
      %dma_start3A_380 = tpu.memref_squeeze %dma_start3A_379 : memref<1x64x128xf32, #tpu.memory_space<vmem>> -> memref<64x128xf32, #tpu.memory_space<vmem>>
      tpu.enqueue_dma source(%dma_start3A_380 : memref<64x128xf32, #tpu.memory_space<vmem>>) target(%dma_start3A_376 : memref<64x128xf32, #tpu.memory_space<hbm>>) target_semaphore(%arg22 : memref<!tpu.dma_semaphore, #tpu.memory_space<semaphore_mem>>)
      "tpu.region"() ({
        %run_scoped3A = tpu.sem_alloc : memref<!tpu.dma_semaphore, #tpu.memory_space<semaphore_mem>>
        %dma_start3A_708 = arith.constant 0 : i32
        %dma_start3A_709 = tpu.memref_slice %arg6[%add3A_349, %dma_start3A_708] : memref<100x64xi32, #tpu.memory_space<vmem>> -> memref<1x64xi32, #tpu.memory_space<vmem>>
        %dma_start3A_710 = tpu.memref_squeeze %dma_start3A_709 : memref<1x64xi32, #tpu.memory_space<vmem>> -> memref<64xi32, #tpu.memory_space<vmem>>
        %dma_start3A_711 = arith.constant 0 : i32
        %dma_start3A_712 = tpu.memref_slice %arg10[%dma_start3A_711] : memref<100352xf32, #tpu.memory_space<vmem_shared>> -> memref<100352xf32, #tpu.memory_space<vmem_shared>>
        tpu.enqueue_indirect_dma source(%arg9 : memref<64xf32, #tpu.memory_space<vmem>>) target(%dma_start3A_712 : memref<100352xf32, #tpu.memory_space<vmem_shared>>) offsets(%dma_start3A_710 : memref<64xi32, #tpu.memory_space<vmem>>) semaphore(%run_scoped3A : memref<!tpu.dma_semaphore, #tpu.memory_space<semaphore_mem>>) {add = true}
        %dma_wait3A_713 = arith.constant 0 : i32
        %dma_wait3A_714 = tpu.memref_slice %arg6[%add3A_349, %dma_wait3A_713] : memref<100x64xi32, #tpu.memory_space<vmem>> -> memref<1x64xi32, #tpu.memory_space<vmem>>
        %dma_wait3A_715 = tpu.memref_squeeze %dma_wait3A_714 : memref<1x64xi32, #tpu.memory_space<vmem>> -> memref<64xi32, #tpu.memory_space<vmem>>
        %dma_wait3A_716 = arith.constant 0 : i32
        %dma_wait3A_717 = tpu.memref_slice %arg10[%dma_wait3A_716] : memref<100352xf32, #tpu.memory_space<vmem_shared>> -> memref<100352xf32, #tpu.memory_space<vmem_shared>>
        tpu.wait_indirect_dma semaphore(%run_scoped3A : memref<!tpu.dma_semaphore, #tpu.memory_space<semaphore_mem>>) src(%arg9 : memref<64xf32, #tpu.memory_space<vmem>>) dst(%dma_wait3A_717 : memref<100352xf32, #tpu.memory_space<vmem_shared>>)
        tpu.yield
      }) : () -> ()
      %add3A_381 = arith.constant 10 : i32
      %add3A_382 = arith.addi %add3A_349, %add3A_381 : i32
      %lt3A_383 = arith.constant 100 : i32
      %lt3A_384 = arith.cmpi slt, %add3A_382, %lt3A_383 : i32
      %convert_element_type3A_385 = arith.extui %lt3A_384 : i1 to i32
      %cond3A_386 = arith.constant 0 : i32
      %cond3A_387 = arith.cmpi ne, %convert_element_type3A_385, %cond3A_386 : i32
      scf.if %cond3A_387 {
        %dma_wait3A_708 = arith.constant 1 : i32
        %dma_wait3A_709 = arith.constant 0 : i32
        %dma_wait3A_710 = arith.constant 0 : i32
        %dma_wait3A_711 = tpu.memref_slice %arg7[%dma_wait3A_708, %dma_wait3A_709, %dma_wait3A_710] : memref<10x64x128xf32, #tpu.memory_space<vmem>> -> memref<1x64x128xf32, #tpu.memory_space<vmem>>
        %dma_wait3A_712 = tpu.memref_squeeze %dma_wait3A_711 : memref<1x64x128xf32, #tpu.memory_space<vmem>> -> memref<64x128xf32, #tpu.memory_space<vmem>>
        %dma_wait3A_713 = arith.constant 0 : i32
        %dma_wait3A_714 = arith.constant 0 : i32
        %dma_wait3A_715 = tpu.memref_slice %arg4[%dma_wait3A_713, %dma_wait3A_714] : memref<204800x128xf32, #tpu.memory_space<hbm>> -> memref<64x128xf32, #tpu.memory_space<hbm>>
        %dma_wait3A_716 = arith.constant 0 : i32
        %dma_wait3A_717 = arith.constant 0 : i32
        %dma_wait3A_718 = tpu.memref_slice %arg4[%dma_wait3A_716, %dma_wait3A_717] : memref<204800x128xf32, #tpu.memory_space<hbm>> -> memref<64x128xf32, #tpu.memory_space<hbm>>
        %dma_wait3A_719 = arith.constant 0 : i32
        %dma_wait3A_720 = arith.constant 0 : i32
        %dma_wait3A_721 = tpu.memref_slice %arg7[%dma_wait3A_708, %dma_wait3A_719, %dma_wait3A_720] : memref<10x64x128xf32, #tpu.memory_space<vmem>> -> memref<1x64x128xf32, #tpu.memory_space<vmem>>
        %dma_wait3A_722 = tpu.memref_squeeze %dma_wait3A_721 : memref<1x64x128xf32, #tpu.memory_space<vmem>> -> memref<64x128xf32, #tpu.memory_space<vmem>>
        tpu.wait_dma2 semaphore(%arg22 : memref<!tpu.dma_semaphore, #tpu.memory_space<semaphore_mem>>) src(%dma_wait3A_722 : memref<64x128xf32, #tpu.memory_space<vmem>>) dst(%dma_wait3A_718 : memref<64x128xf32, #tpu.memory_space<hbm>>)
        %add3A_723 = arith.constant 10 : i32
        %add3A_724 = arith.addi %add3A_349, %add3A_723 : i32
        %dma_start3A_725 = arith.constant 1 : i32
        %dma_start3A_726 = arith.constant 0 : i32
        %dma_start3A_727 = arith.constant 0 : i32
        %dma_start3A_728 = tpu.memref_slice %arg7[%dma_start3A_725, %dma_start3A_726, %dma_start3A_727] : memref<10x64x128xf32, #tpu.memory_space<vmem>> -> memref<1x64x128xf32, #tpu.memory_space<vmem>>
        %dma_start3A_729 = tpu.memref_squeeze %dma_start3A_728 : memref<1x64x128xf32, #tpu.memory_space<vmem>> -> memref<64x128xf32, #tpu.memory_space<vmem>>
        %dma_start3A_730 = arith.constant 0 : i32
        %dma_start3A_731 = tpu.memref_slice %arg6[%add3A_724, %dma_start3A_730] : memref<100x64xi32, #tpu.memory_space<vmem>> -> memref<1x64xi32, #tpu.memory_space<vmem>>
        %dma_start3A_732 = tpu.memref_squeeze %dma_start3A_731 : memref<1x64xi32, #tpu.memory_space<vmem>> -> memref<64xi32, #tpu.memory_space<vmem>>
        %dma_start3A_733 = arith.constant 0 : i32
        %dma_start3A_734 = arith.constant 0 : i32
        %dma_start3A_735 = tpu.memref_slice %arg3[%dma_start3A_733, %dma_start3A_734] : memref<100000x128xf32, #tpu.memory_space<hbm>> -> memref<100000x128xf32, #tpu.memory_space<hbm>>
        tpu.enqueue_indirect_dma source(%dma_start3A_735 : memref<100000x128xf32, #tpu.memory_space<hbm>>) target(%dma_start3A_729 : memref<64x128xf32, #tpu.memory_space<vmem>>) offsets(%dma_start3A_732 : memref<64xi32, #tpu.memory_space<vmem>>) semaphore(%arg12 : memref<!tpu.dma_semaphore, #tpu.memory_space<semaphore_mem>>)
      } else {
      }
      %add3A_388 = arith.constant 2 : i32
      %add3A_389 = arith.addi %mul3A_308, %add3A_388 : i32
      %dma_wait3A_390 = arith.constant 2 : i32
      %dma_wait3A_391 = arith.constant 0 : i32
      %dma_wait3A_392 = arith.constant 0 : i32
      %dma_wait3A_393 = tpu.memref_slice %arg7[%dma_wait3A_390, %dma_wait3A_391, %dma_wait3A_392] : memref<10x64x128xf32, #tpu.memory_space<vmem>> -> memref<1x64x128xf32, #tpu.memory_space<vmem>>
      %dma_wait3A_394 = tpu.memref_squeeze %dma_wait3A_393 : memref<1x64x128xf32, #tpu.memory_space<vmem>> -> memref<64x128xf32, #tpu.memory_space<vmem>>
      %dma_wait3A_395 = arith.constant 0 : i32
      %dma_wait3A_396 = arith.constant 0 : i32
      %dma_wait3A_397 = tpu.memref_slice %arg3[%dma_wait3A_395, %dma_wait3A_396] : memref<100000x128xf32, #tpu.memory_space<hbm>> -> memref<64x128xf32, #tpu.memory_space<hbm>>
      %dma_wait3A_398 = arith.constant 0 : i32
      %dma_wait3A_399 = arith.constant 0 : i32
      %dma_wait3A_400 = tpu.memref_slice %arg7[%dma_wait3A_390, %dma_wait3A_398, %dma_wait3A_399] : memref<10x64x128xf32, #tpu.memory_space<vmem>> -> memref<1x64x128xf32, #tpu.memory_space<vmem>>
      %dma_wait3A_401 = tpu.memref_squeeze %dma_wait3A_400 : memref<1x64x128xf32, #tpu.memory_space<vmem>> -> memref<64x128xf32, #tpu.memory_space<vmem>>
      %dma_wait3A_402 = arith.constant 0 : i32
      %dma_wait3A_403 = arith.constant 0 : i32
      %dma_wait3A_404 = tpu.memref_slice %arg3[%dma_wait3A_402, %dma_wait3A_403] : memref<100000x128xf32, #tpu.memory_space<hbm>> -> memref<64x128xf32, #tpu.memory_space<hbm>>
      tpu.wait_dma2 semaphore(%arg13 : memref<!tpu.dma_semaphore, #tpu.memory_space<semaphore_mem>>) src(%dma_wait3A_404 : memref<64x128xf32, #tpu.memory_space<hbm>>) dst(%dma_wait3A_401 : memref<64x128xf32, #tpu.memory_space<vmem>>)
      %mul3A_405 = arith.constant 64 : i32
      %mul3A_406 = arith.muli %add3A_389, %mul3A_405 : i32
      %add3A_407 = arith.addi %mul3A_2, %mul3A_406 : i32
      %dma_start3A_408 = arith.constant 2 : i32
      %dma_start3A_409 = arith.constant 0 : i32
      %dma_start3A_410 = arith.constant 0 : i32
      %dma_start3A_411 = tpu.memref_slice %arg7[%dma_start3A_408, %dma_start3A_409, %dma_start3A_410] : memref<10x64x128xf32, #tpu.memory_space<vmem>> -> memref<1x64x128xf32, #tpu.memory_space<vmem>>
      %dma_start3A_412 = tpu.memref_squeeze %dma_start3A_411 : memref<1x64x128xf32, #tpu.memory_space<vmem>> -> memref<64x128xf32, #tpu.memory_space<vmem>>
      %dma_start3A_413 = arith.constant 0 : i32
      %dma_start3A_414 = tpu.memref_slice %arg4[%add3A_407, %dma_start3A_413] : memref<204800x128xf32, #tpu.memory_space<hbm>> -> memref<64x128xf32, #tpu.memory_space<hbm>>
      %dma_start3A_415 = arith.constant 0 : i32
      %dma_start3A_416 = tpu.memref_slice %arg4[%add3A_407, %dma_start3A_415] : memref<204800x128xf32, #tpu.memory_space<hbm>> -> memref<64x128xf32, #tpu.memory_space<hbm>>
      %dma_start3A_417 = arith.constant 0 : i32
      %dma_start3A_418 = arith.constant 0 : i32
      %dma_start3A_419 = tpu.memref_slice %arg7[%dma_start3A_408, %dma_start3A_417, %dma_start3A_418] : memref<10x64x128xf32, #tpu.memory_space<vmem>> -> memref<1x64x128xf32, #tpu.memory_space<vmem>>
      %dma_start3A_420 = tpu.memref_squeeze %dma_start3A_419 : memref<1x64x128xf32, #tpu.memory_space<vmem>> -> memref<64x128xf32, #tpu.memory_space<vmem>>
      tpu.enqueue_dma source(%dma_start3A_420 : memref<64x128xf32, #tpu.memory_space<vmem>>) target(%dma_start3A_416 : memref<64x128xf32, #tpu.memory_space<hbm>>) target_semaphore(%arg23 : memref<!tpu.dma_semaphore, #tpu.memory_space<semaphore_mem>>)
      "tpu.region"() ({
        %run_scoped3A = tpu.sem_alloc : memref<!tpu.dma_semaphore, #tpu.memory_space<semaphore_mem>>
        %dma_start3A_708 = arith.constant 0 : i32
        %dma_start3A_709 = tpu.memref_slice %arg6[%add3A_389, %dma_start3A_708] : memref<100x64xi32, #tpu.memory_space<vmem>> -> memref<1x64xi32, #tpu.memory_space<vmem>>
        %dma_start3A_710 = tpu.memref_squeeze %dma_start3A_709 : memref<1x64xi32, #tpu.memory_space<vmem>> -> memref<64xi32, #tpu.memory_space<vmem>>
        %dma_start3A_711 = arith.constant 0 : i32
        %dma_start3A_712 = tpu.memref_slice %arg10[%dma_start3A_711] : memref<100352xf32, #tpu.memory_space<vmem_shared>> -> memref<100352xf32, #tpu.memory_space<vmem_shared>>
        tpu.enqueue_indirect_dma source(%arg9 : memref<64xf32, #tpu.memory_space<vmem>>) target(%dma_start3A_712 : memref<100352xf32, #tpu.memory_space<vmem_shared>>) offsets(%dma_start3A_710 : memref<64xi32, #tpu.memory_space<vmem>>) semaphore(%run_scoped3A : memref<!tpu.dma_semaphore, #tpu.memory_space<semaphore_mem>>) {add = true}
        %dma_wait3A_713 = arith.constant 0 : i32
        %dma_wait3A_714 = tpu.memref_slice %arg6[%add3A_389, %dma_wait3A_713] : memref<100x64xi32, #tpu.memory_space<vmem>> -> memref<1x64xi32, #tpu.memory_space<vmem>>
        %dma_wait3A_715 = tpu.memref_squeeze %dma_wait3A_714 : memref<1x64xi32, #tpu.memory_space<vmem>> -> memref<64xi32, #tpu.memory_space<vmem>>
        %dma_wait3A_716 = arith.constant 0 : i32
        %dma_wait3A_717 = tpu.memref_slice %arg10[%dma_wait3A_716] : memref<100352xf32, #tpu.memory_space<vmem_shared>> -> memref<100352xf32, #tpu.memory_space<vmem_shared>>
        tpu.wait_indirect_dma semaphore(%run_scoped3A : memref<!tpu.dma_semaphore, #tpu.memory_space<semaphore_mem>>) src(%arg9 : memref<64xf32, #tpu.memory_space<vmem>>) dst(%dma_wait3A_717 : memref<100352xf32, #tpu.memory_space<vmem_shared>>)
        tpu.yield
      }) : () -> ()
      %add3A_421 = arith.constant 10 : i32
      %add3A_422 = arith.addi %add3A_389, %add3A_421 : i32
      %lt3A_423 = arith.constant 100 : i32
      %lt3A_424 = arith.cmpi slt, %add3A_422, %lt3A_423 : i32
      %convert_element_type3A_425 = arith.extui %lt3A_424 : i1 to i32
      %cond3A_426 = arith.constant 0 : i32
      %cond3A_427 = arith.cmpi ne, %convert_element_type3A_425, %cond3A_426 : i32
      scf.if %cond3A_427 {
        %dma_wait3A_708 = arith.constant 2 : i32
        %dma_wait3A_709 = arith.constant 0 : i32
        %dma_wait3A_710 = arith.constant 0 : i32
        %dma_wait3A_711 = tpu.memref_slice %arg7[%dma_wait3A_708, %dma_wait3A_709, %dma_wait3A_710] : memref<10x64x128xf32, #tpu.memory_space<vmem>> -> memref<1x64x128xf32, #tpu.memory_space<vmem>>
        %dma_wait3A_712 = tpu.memref_squeeze %dma_wait3A_711 : memref<1x64x128xf32, #tpu.memory_space<vmem>> -> memref<64x128xf32, #tpu.memory_space<vmem>>
        %dma_wait3A_713 = arith.constant 0 : i32
        %dma_wait3A_714 = arith.constant 0 : i32
        %dma_wait3A_715 = tpu.memref_slice %arg4[%dma_wait3A_713, %dma_wait3A_714] : memref<204800x128xf32, #tpu.memory_space<hbm>> -> memref<64x128xf32, #tpu.memory_space<hbm>>
        %dma_wait3A_716 = arith.constant 0 : i32
        %dma_wait3A_717 = arith.constant 0 : i32
        %dma_wait3A_718 = tpu.memref_slice %arg4[%dma_wait3A_716, %dma_wait3A_717] : memref<204800x128xf32, #tpu.memory_space<hbm>> -> memref<64x128xf32, #tpu.memory_space<hbm>>
        %dma_wait3A_719 = arith.constant 0 : i32
        %dma_wait3A_720 = arith.constant 0 : i32
        %dma_wait3A_721 = tpu.memref_slice %arg7[%dma_wait3A_708, %dma_wait3A_719, %dma_wait3A_720] : memref<10x64x128xf32, #tpu.memory_space<vmem>> -> memref<1x64x128xf32, #tpu.memory_space<vmem>>
        %dma_wait3A_722 = tpu.memref_squeeze %dma_wait3A_721 : memref<1x64x128xf32, #tpu.memory_space<vmem>> -> memref<64x128xf32, #tpu.memory_space<vmem>>
        tpu.wait_dma2 semaphore(%arg23 : memref<!tpu.dma_semaphore, #tpu.memory_space<semaphore_mem>>) src(%dma_wait3A_722 : memref<64x128xf32, #tpu.memory_space<vmem>>) dst(%dma_wait3A_718 : memref<64x128xf32, #tpu.memory_space<hbm>>)
        %add3A_723 = arith.constant 10 : i32
        %add3A_724 = arith.addi %add3A_389, %add3A_723 : i32
        %dma_start3A_725 = arith.constant 2 : i32
        %dma_start3A_726 = arith.constant 0 : i32
        %dma_start3A_727 = arith.constant 0 : i32
        %dma_start3A_728 = tpu.memref_slice %arg7[%dma_start3A_725, %dma_start3A_726, %dma_start3A_727] : memref<10x64x128xf32, #tpu.memory_space<vmem>> -> memref<1x64x128xf32, #tpu.memory_space<vmem>>
        %dma_start3A_729 = tpu.memref_squeeze %dma_start3A_728 : memref<1x64x128xf32, #tpu.memory_space<vmem>> -> memref<64x128xf32, #tpu.memory_space<vmem>>
        %dma_start3A_730 = arith.constant 0 : i32
        %dma_start3A_731 = tpu.memref_slice %arg6[%add3A_724, %dma_start3A_730] : memref<100x64xi32, #tpu.memory_space<vmem>> -> memref<1x64xi32, #tpu.memory_space<vmem>>
        %dma_start3A_732 = tpu.memref_squeeze %dma_start3A_731 : memref<1x64xi32, #tpu.memory_space<vmem>> -> memref<64xi32, #tpu.memory_space<vmem>>
        %dma_start3A_733 = arith.constant 0 : i32
        %dma_start3A_734 = arith.constant 0 : i32
        %dma_start3A_735 = tpu.memref_slice %arg3[%dma_start3A_733, %dma_start3A_734] : memref<100000x128xf32, #tpu.memory_space<hbm>> -> memref<100000x128xf32, #tpu.memory_space<hbm>>
        tpu.enqueue_indirect_dma source(%dma_start3A_735 : memref<100000x128xf32, #tpu.memory_space<hbm>>) target(%dma_start3A_729 : memref<64x128xf32, #tpu.memory_space<vmem>>) offsets(%dma_start3A_732 : memref<64xi32, #tpu.memory_space<vmem>>) semaphore(%arg13 : memref<!tpu.dma_semaphore, #tpu.memory_space<semaphore_mem>>)
      } else {
      }
      %add3A_428 = arith.constant 3 : i32
      %add3A_429 = arith.addi %mul3A_308, %add3A_428 : i32
      %dma_wait3A_430 = arith.constant 3 : i32
      %dma_wait3A_431 = arith.constant 0 : i32
      %dma_wait3A_432 = arith.constant 0 : i32
      %dma_wait3A_433 = tpu.memref_slice %arg7[%dma_wait3A_430, %dma_wait3A_431, %dma_wait3A_432] : memref<10x64x128xf32, #tpu.memory_space<vmem>> -> memref<1x64x128xf32, #tpu.memory_space<vmem>>
      %dma_wait3A_434 = tpu.memref_squeeze %dma_wait3A_433 : memref<1x64x128xf32, #tpu.memory_space<vmem>> -> memref<64x128xf32, #tpu.memory_space<vmem>>
      %dma_wait3A_435 = arith.constant 0 : i32
      %dma_wait3A_436 = arith.constant 0 : i32
      %dma_wait3A_437 = tpu.memref_slice %arg3[%dma_wait3A_435, %dma_wait3A_436] : memref<100000x128xf32, #tpu.memory_space<hbm>> -> memref<64x128xf32, #tpu.memory_space<hbm>>
      %dma_wait3A_438 = arith.constant 0 : i32
      %dma_wait3A_439 = arith.constant 0 : i32
      %dma_wait3A_440 = tpu.memref_slice %arg7[%dma_wait3A_430, %dma_wait3A_438, %dma_wait3A_439] : memref<10x64x128xf32, #tpu.memory_space<vmem>> -> memref<1x64x128xf32, #tpu.memory_space<vmem>>
      %dma_wait3A_441 = tpu.memref_squeeze %dma_wait3A_440 : memref<1x64x128xf32, #tpu.memory_space<vmem>> -> memref<64x128xf32, #tpu.memory_space<vmem>>
      %dma_wait3A_442 = arith.constant 0 : i32
      %dma_wait3A_443 = arith.constant 0 : i32
      %dma_wait3A_444 = tpu.memref_slice %arg3[%dma_wait3A_442, %dma_wait3A_443] : memref<100000x128xf32, #tpu.memory_space<hbm>> -> memref<64x128xf32, #tpu.memory_space<hbm>>
      tpu.wait_dma2 semaphore(%arg14 : memref<!tpu.dma_semaphore, #tpu.memory_space<semaphore_mem>>) src(%dma_wait3A_444 : memref<64x128xf32, #tpu.memory_space<hbm>>) dst(%dma_wait3A_441 : memref<64x128xf32, #tpu.memory_space<vmem>>)
      %mul3A_445 = arith.constant 64 : i32
      %mul3A_446 = arith.muli %add3A_429, %mul3A_445 : i32
      %add3A_447 = arith.addi %mul3A_2, %mul3A_446 : i32
      %dma_start3A_448 = arith.constant 3 : i32
      %dma_start3A_449 = arith.constant 0 : i32
      %dma_start3A_450 = arith.constant 0 : i32
      %dma_start3A_451 = tpu.memref_slice %arg7[%dma_start3A_448, %dma_start3A_449, %dma_start3A_450] : memref<10x64x128xf32, #tpu.memory_space<vmem>> -> memref<1x64x128xf32, #tpu.memory_space<vmem>>
      %dma_start3A_452 = tpu.memref_squeeze %dma_start3A_451 : memref<1x64x128xf32, #tpu.memory_space<vmem>> -> memref<64x128xf32, #tpu.memory_space<vmem>>
      %dma_start3A_453 = arith.constant 0 : i32
      %dma_start3A_454 = tpu.memref_slice %arg4[%add3A_447, %dma_start3A_453] : memref<204800x128xf32, #tpu.memory_space<hbm>> -> memref<64x128xf32, #tpu.memory_space<hbm>>
      %dma_start3A_455 = arith.constant 0 : i32
      %dma_start3A_456 = tpu.memref_slice %arg4[%add3A_447, %dma_start3A_455] : memref<204800x128xf32, #tpu.memory_space<hbm>> -> memref<64x128xf32, #tpu.memory_space<hbm>>
      %dma_start3A_457 = arith.constant 0 : i32
      %dma_start3A_458 = arith.constant 0 : i32
      %dma_start3A_459 = tpu.memref_slice %arg7[%dma_start3A_448, %dma_start3A_457, %dma_start3A_458] : memref<10x64x128xf32, #tpu.memory_space<vmem>> -> memref<1x64x128xf32, #tpu.memory_space<vmem>>
      %dma_start3A_460 = tpu.memref_squeeze %dma_start3A_459 : memref<1x64x128xf32, #tpu.memory_space<vmem>> -> memref<64x128xf32, #tpu.memory_space<vmem>>
      tpu.enqueue_dma source(%dma_start3A_460 : memref<64x128xf32, #tpu.memory_space<vmem>>) target(%dma_start3A_456 : memref<64x128xf32, #tpu.memory_space<hbm>>) target_semaphore(%arg24 : memref<!tpu.dma_semaphore, #tpu.memory_space<semaphore_mem>>)
      "tpu.region"() ({
        %run_scoped3A = tpu.sem_alloc : memref<!tpu.dma_semaphore, #tpu.memory_space<semaphore_mem>>
        %dma_start3A_708 = arith.constant 0 : i32
        %dma_start3A_709 = tpu.memref_slice %arg6[%add3A_429, %dma_start3A_708] : memref<100x64xi32, #tpu.memory_space<vmem>> -> memref<1x64xi32, #tpu.memory_space<vmem>>
        %dma_start3A_710 = tpu.memref_squeeze %dma_start3A_709 : memref<1x64xi32, #tpu.memory_space<vmem>> -> memref<64xi32, #tpu.memory_space<vmem>>
        %dma_start3A_711 = arith.constant 0 : i32
        %dma_start3A_712 = tpu.memref_slice %arg10[%dma_start3A_711] : memref<100352xf32, #tpu.memory_space<vmem_shared>> -> memref<100352xf32, #tpu.memory_space<vmem_shared>>
        tpu.enqueue_indirect_dma source(%arg9 : memref<64xf32, #tpu.memory_space<vmem>>) target(%dma_start3A_712 : memref<100352xf32, #tpu.memory_space<vmem_shared>>) offsets(%dma_start3A_710 : memref<64xi32, #tpu.memory_space<vmem>>) semaphore(%run_scoped3A : memref<!tpu.dma_semaphore, #tpu.memory_space<semaphore_mem>>) {add = true}
        %dma_wait3A_713 = arith.constant 0 : i32
        %dma_wait3A_714 = tpu.memref_slice %arg6[%add3A_429, %dma_wait3A_713] : memref<100x64xi32, #tpu.memory_space<vmem>> -> memref<1x64xi32, #tpu.memory_space<vmem>>
        %dma_wait3A_715 = tpu.memref_squeeze %dma_wait3A_714 : memref<1x64xi32, #tpu.memory_space<vmem>> -> memref<64xi32, #tpu.memory_space<vmem>>
        %dma_wait3A_716 = arith.constant 0 : i32
        %dma_wait3A_717 = tpu.memref_slice %arg10[%dma_wait3A_716] : memref<100352xf32, #tpu.memory_space<vmem_shared>> -> memref<100352xf32, #tpu.memory_space<vmem_shared>>
        tpu.wait_indirect_dma semaphore(%run_scoped3A : memref<!tpu.dma_semaphore, #tpu.memory_space<semaphore_mem>>) src(%arg9 : memref<64xf32, #tpu.memory_space<vmem>>) dst(%dma_wait3A_717 : memref<100352xf32, #tpu.memory_space<vmem_shared>>)
        tpu.yield
      }) : () -> ()
      %add3A_461 = arith.constant 10 : i32
      %add3A_462 = arith.addi %add3A_429, %add3A_461 : i32
      %lt3A_463 = arith.constant 100 : i32
      %lt3A_464 = arith.cmpi slt, %add3A_462, %lt3A_463 : i32
      %convert_element_type3A_465 = arith.extui %lt3A_464 : i1 to i32
      %cond3A_466 = arith.constant 0 : i32
      %cond3A_467 = arith.cmpi ne, %convert_element_type3A_465, %cond3A_466 : i32
      scf.if %cond3A_467 {
        %dma_wait3A_708 = arith.constant 3 : i32
        %dma_wait3A_709 = arith.constant 0 : i32
        %dma_wait3A_710 = arith.constant 0 : i32
        %dma_wait3A_711 = tpu.memref_slice %arg7[%dma_wait3A_708, %dma_wait3A_709, %dma_wait3A_710] : memref<10x64x128xf32, #tpu.memory_space<vmem>> -> memref<1x64x128xf32, #tpu.memory_space<vmem>>
        %dma_wait3A_712 = tpu.memref_squeeze %dma_wait3A_711 : memref<1x64x128xf32, #tpu.memory_space<vmem>> -> memref<64x128xf32, #tpu.memory_space<vmem>>
        %dma_wait3A_713 = arith.constant 0 : i32
        %dma_wait3A_714 = arith.constant 0 : i32
        %dma_wait3A_715 = tpu.memref_slice %arg4[%dma_wait3A_713, %dma_wait3A_714] : memref<204800x128xf32, #tpu.memory_space<hbm>> -> memref<64x128xf32, #tpu.memory_space<hbm>>
        %dma_wait3A_716 = arith.constant 0 : i32
        %dma_wait3A_717 = arith.constant 0 : i32
        %dma_wait3A_718 = tpu.memref_slice %arg4[%dma_wait3A_716, %dma_wait3A_717] : memref<204800x128xf32, #tpu.memory_space<hbm>> -> memref<64x128xf32, #tpu.memory_space<hbm>>
        %dma_wait3A_719 = arith.constant 0 : i32
        %dma_wait3A_720 = arith.constant 0 : i32
        %dma_wait3A_721 = tpu.memref_slice %arg7[%dma_wait3A_708, %dma_wait3A_719, %dma_wait3A_720] : memref<10x64x128xf32, #tpu.memory_space<vmem>> -> memref<1x64x128xf32, #tpu.memory_space<vmem>>
        %dma_wait3A_722 = tpu.memref_squeeze %dma_wait3A_721 : memref<1x64x128xf32, #tpu.memory_space<vmem>> -> memref<64x128xf32, #tpu.memory_space<vmem>>
        tpu.wait_dma2 semaphore(%arg24 : memref<!tpu.dma_semaphore, #tpu.memory_space<semaphore_mem>>) src(%dma_wait3A_722 : memref<64x128xf32, #tpu.memory_space<vmem>>) dst(%dma_wait3A_718 : memref<64x128xf32, #tpu.memory_space<hbm>>)
        %add3A_723 = arith.constant 10 : i32
        %add3A_724 = arith.addi %add3A_429, %add3A_723 : i32
        %dma_start3A_725 = arith.constant 3 : i32
        %dma_start3A_726 = arith.constant 0 : i32
        %dma_start3A_727 = arith.constant 0 : i32
        %dma_start3A_728 = tpu.memref_slice %arg7[%dma_start3A_725, %dma_start3A_726, %dma_start3A_727] : memref<10x64x128xf32, #tpu.memory_space<vmem>> -> memref<1x64x128xf32, #tpu.memory_space<vmem>>
        %dma_start3A_729 = tpu.memref_squeeze %dma_start3A_728 : memref<1x64x128xf32, #tpu.memory_space<vmem>> -> memref<64x128xf32, #tpu.memory_space<vmem>>
        %dma_start3A_730 = arith.constant 0 : i32
        %dma_start3A_731 = tpu.memref_slice %arg6[%add3A_724, %dma_start3A_730] : memref<100x64xi32, #tpu.memory_space<vmem>> -> memref<1x64xi32, #tpu.memory_space<vmem>>
        %dma_start3A_732 = tpu.memref_squeeze %dma_start3A_731 : memref<1x64xi32, #tpu.memory_space<vmem>> -> memref<64xi32, #tpu.memory_space<vmem>>
        %dma_start3A_733 = arith.constant 0 : i32
        %dma_start3A_734 = arith.constant 0 : i32
        %dma_start3A_735 = tpu.memref_slice %arg3[%dma_start3A_733, %dma_start3A_734] : memref<100000x128xf32, #tpu.memory_space<hbm>> -> memref<100000x128xf32, #tpu.memory_space<hbm>>
        tpu.enqueue_indirect_dma source(%dma_start3A_735 : memref<100000x128xf32, #tpu.memory_space<hbm>>) target(%dma_start3A_729 : memref<64x128xf32, #tpu.memory_space<vmem>>) offsets(%dma_start3A_732 : memref<64xi32, #tpu.memory_space<vmem>>) semaphore(%arg14 : memref<!tpu.dma_semaphore, #tpu.memory_space<semaphore_mem>>)
      } else {
      }
      %add3A_468 = arith.constant 4 : i32
      %add3A_469 = arith.addi %mul3A_308, %add3A_468 : i32
      %dma_wait3A_470 = arith.constant 4 : i32
      %dma_wait3A_471 = arith.constant 0 : i32
      %dma_wait3A_472 = arith.constant 0 : i32
      %dma_wait3A_473 = tpu.memref_slice %arg7[%dma_wait3A_470, %dma_wait3A_471, %dma_wait3A_472] : memref<10x64x128xf32, #tpu.memory_space<vmem>> -> memref<1x64x128xf32, #tpu.memory_space<vmem>>
      %dma_wait3A_474 = tpu.memref_squeeze %dma_wait3A_473 : memref<1x64x128xf32, #tpu.memory_space<vmem>> -> memref<64x128xf32, #tpu.memory_space<vmem>>
      %dma_wait3A_475 = arith.constant 0 : i32
      %dma_wait3A_476 = arith.constant 0 : i32
      %dma_wait3A_477 = tpu.memref_slice %arg3[%dma_wait3A_475, %dma_wait3A_476] : memref<100000x128xf32, #tpu.memory_space<hbm>> -> memref<64x128xf32, #tpu.memory_space<hbm>>
      %dma_wait3A_478 = arith.constant 0 : i32
      %dma_wait3A_479 = arith.constant 0 : i32
      %dma_wait3A_480 = tpu.memref_slice %arg7[%dma_wait3A_470, %dma_wait3A_478, %dma_wait3A_479] : memref<10x64x128xf32, #tpu.memory_space<vmem>> -> memref<1x64x128xf32, #tpu.memory_space<vmem>>
      %dma_wait3A_481 = tpu.memref_squeeze %dma_wait3A_480 : memref<1x64x128xf32, #tpu.memory_space<vmem>> -> memref<64x128xf32, #tpu.memory_space<vmem>>
      %dma_wait3A_482 = arith.constant 0 : i32
      %dma_wait3A_483 = arith.constant 0 : i32
      %dma_wait3A_484 = tpu.memref_slice %arg3[%dma_wait3A_482, %dma_wait3A_483] : memref<100000x128xf32, #tpu.memory_space<hbm>> -> memref<64x128xf32, #tpu.memory_space<hbm>>
      tpu.wait_dma2 semaphore(%arg15 : memref<!tpu.dma_semaphore, #tpu.memory_space<semaphore_mem>>) src(%dma_wait3A_484 : memref<64x128xf32, #tpu.memory_space<hbm>>) dst(%dma_wait3A_481 : memref<64x128xf32, #tpu.memory_space<vmem>>)
      %mul3A_485 = arith.constant 64 : i32
      %mul3A_486 = arith.muli %add3A_469, %mul3A_485 : i32
      %add3A_487 = arith.addi %mul3A_2, %mul3A_486 : i32
      %dma_start3A_488 = arith.constant 4 : i32
      %dma_start3A_489 = arith.constant 0 : i32
      %dma_start3A_490 = arith.constant 0 : i32
      %dma_start3A_491 = tpu.memref_slice %arg7[%dma_start3A_488, %dma_start3A_489, %dma_start3A_490] : memref<10x64x128xf32, #tpu.memory_space<vmem>> -> memref<1x64x128xf32, #tpu.memory_space<vmem>>
      %dma_start3A_492 = tpu.memref_squeeze %dma_start3A_491 : memref<1x64x128xf32, #tpu.memory_space<vmem>> -> memref<64x128xf32, #tpu.memory_space<vmem>>
      %dma_start3A_493 = arith.constant 0 : i32
      %dma_start3A_494 = tpu.memref_slice %arg4[%add3A_487, %dma_start3A_493] : memref<204800x128xf32, #tpu.memory_space<hbm>> -> memref<64x128xf32, #tpu.memory_space<hbm>>
      %dma_start3A_495 = arith.constant 0 : i32
      %dma_start3A_496 = tpu.memref_slice %arg4[%add3A_487, %dma_start3A_495] : memref<204800x128xf32, #tpu.memory_space<hbm>> -> memref<64x128xf32, #tpu.memory_space<hbm>>
      %dma_start3A_497 = arith.constant 0 : i32
      %dma_start3A_498 = arith.constant 0 : i32
      %dma_start3A_499 = tpu.memref_slice %arg7[%dma_start3A_488, %dma_start3A_497, %dma_start3A_498] : memref<10x64x128xf32, #tpu.memory_space<vmem>> -> memref<1x64x128xf32, #tpu.memory_space<vmem>>
      %dma_start3A_500 = tpu.memref_squeeze %dma_start3A_499 : memref<1x64x128xf32, #tpu.memory_space<vmem>> -> memref<64x128xf32, #tpu.memory_space<vmem>>
      tpu.enqueue_dma source(%dma_start3A_500 : memref<64x128xf32, #tpu.memory_space<vmem>>) target(%dma_start3A_496 : memref<64x128xf32, #tpu.memory_space<hbm>>) target_semaphore(%arg25 : memref<!tpu.dma_semaphore, #tpu.memory_space<semaphore_mem>>)
      "tpu.region"() ({
        %run_scoped3A = tpu.sem_alloc : memref<!tpu.dma_semaphore, #tpu.memory_space<semaphore_mem>>
        %dma_start3A_708 = arith.constant 0 : i32
        %dma_start3A_709 = tpu.memref_slice %arg6[%add3A_469, %dma_start3A_708] : memref<100x64xi32, #tpu.memory_space<vmem>> -> memref<1x64xi32, #tpu.memory_space<vmem>>
        %dma_start3A_710 = tpu.memref_squeeze %dma_start3A_709 : memref<1x64xi32, #tpu.memory_space<vmem>> -> memref<64xi32, #tpu.memory_space<vmem>>
        %dma_start3A_711 = arith.constant 0 : i32
        %dma_start3A_712 = tpu.memref_slice %arg10[%dma_start3A_711] : memref<100352xf32, #tpu.memory_space<vmem_shared>> -> memref<100352xf32, #tpu.memory_space<vmem_shared>>
        tpu.enqueue_indirect_dma source(%arg9 : memref<64xf32, #tpu.memory_space<vmem>>) target(%dma_start3A_712 : memref<100352xf32, #tpu.memory_space<vmem_shared>>) offsets(%dma_start3A_710 : memref<64xi32, #tpu.memory_space<vmem>>) semaphore(%run_scoped3A : memref<!tpu.dma_semaphore, #tpu.memory_space<semaphore_mem>>) {add = true}
        %dma_wait3A_713 = arith.constant 0 : i32
        %dma_wait3A_714 = tpu.memref_slice %arg6[%add3A_469, %dma_wait3A_713] : memref<100x64xi32, #tpu.memory_space<vmem>> -> memref<1x64xi32, #tpu.memory_space<vmem>>
        %dma_wait3A_715 = tpu.memref_squeeze %dma_wait3A_714 : memref<1x64xi32, #tpu.memory_space<vmem>> -> memref<64xi32, #tpu.memory_space<vmem>>
        %dma_wait3A_716 = arith.constant 0 : i32
        %dma_wait3A_717 = tpu.memref_slice %arg10[%dma_wait3A_716] : memref<100352xf32, #tpu.memory_space<vmem_shared>> -> memref<100352xf32, #tpu.memory_space<vmem_shared>>
        tpu.wait_indirect_dma semaphore(%run_scoped3A : memref<!tpu.dma_semaphore, #tpu.memory_space<semaphore_mem>>) src(%arg9 : memref<64xf32, #tpu.memory_space<vmem>>) dst(%dma_wait3A_717 : memref<100352xf32, #tpu.memory_space<vmem_shared>>)
        tpu.yield
      }) : () -> ()
      %add3A_501 = arith.constant 10 : i32
      %add3A_502 = arith.addi %add3A_469, %add3A_501 : i32
      %lt3A_503 = arith.constant 100 : i32
      %lt3A_504 = arith.cmpi slt, %add3A_502, %lt3A_503 : i32
      %convert_element_type3A_505 = arith.extui %lt3A_504 : i1 to i32
      %cond3A_506 = arith.constant 0 : i32
      %cond3A_507 = arith.cmpi ne, %convert_element_type3A_505, %cond3A_506 : i32
      scf.if %cond3A_507 {
        %dma_wait3A_708 = arith.constant 4 : i32
        %dma_wait3A_709 = arith.constant 0 : i32
        %dma_wait3A_710 = arith.constant 0 : i32
        %dma_wait3A_711 = tpu.memref_slice %arg7[%dma_wait3A_708, %dma_wait3A_709, %dma_wait3A_710] : memref<10x64x128xf32, #tpu.memory_space<vmem>> -> memref<1x64x128xf32, #tpu.memory_space<vmem>>
        %dma_wait3A_712 = tpu.memref_squeeze %dma_wait3A_711 : memref<1x64x128xf32, #tpu.memory_space<vmem>> -> memref<64x128xf32, #tpu.memory_space<vmem>>
        %dma_wait3A_713 = arith.constant 0 : i32
        %dma_wait3A_714 = arith.constant 0 : i32
        %dma_wait3A_715 = tpu.memref_slice %arg4[%dma_wait3A_713, %dma_wait3A_714] : memref<204800x128xf32, #tpu.memory_space<hbm>> -> memref<64x128xf32, #tpu.memory_space<hbm>>
        %dma_wait3A_716 = arith.constant 0 : i32
        %dma_wait3A_717 = arith.constant 0 : i32
        %dma_wait3A_718 = tpu.memref_slice %arg4[%dma_wait3A_716, %dma_wait3A_717] : memref<204800x128xf32, #tpu.memory_space<hbm>> -> memref<64x128xf32, #tpu.memory_space<hbm>>
        %dma_wait3A_719 = arith.constant 0 : i32
        %dma_wait3A_720 = arith.constant 0 : i32
        %dma_wait3A_721 = tpu.memref_slice %arg7[%dma_wait3A_708, %dma_wait3A_719, %dma_wait3A_720] : memref<10x64x128xf32, #tpu.memory_space<vmem>> -> memref<1x64x128xf32, #tpu.memory_space<vmem>>
        %dma_wait3A_722 = tpu.memref_squeeze %dma_wait3A_721 : memref<1x64x128xf32, #tpu.memory_space<vmem>> -> memref<64x128xf32, #tpu.memory_space<vmem>>
        tpu.wait_dma2 semaphore(%arg25 : memref<!tpu.dma_semaphore, #tpu.memory_space<semaphore_mem>>) src(%dma_wait3A_722 : memref<64x128xf32, #tpu.memory_space<vmem>>) dst(%dma_wait3A_718 : memref<64x128xf32, #tpu.memory_space<hbm>>)
        %add3A_723 = arith.constant 10 : i32
        %add3A_724 = arith.addi %add3A_469, %add3A_723 : i32
        %dma_start3A_725 = arith.constant 4 : i32
        %dma_start3A_726 = arith.constant 0 : i32
        %dma_start3A_727 = arith.constant 0 : i32
        %dma_start3A_728 = tpu.memref_slice %arg7[%dma_start3A_725, %dma_start3A_726, %dma_start3A_727] : memref<10x64x128xf32, #tpu.memory_space<vmem>> -> memref<1x64x128xf32, #tpu.memory_space<vmem>>
        %dma_start3A_729 = tpu.memref_squeeze %dma_start3A_728 : memref<1x64x128xf32, #tpu.memory_space<vmem>> -> memref<64x128xf32, #tpu.memory_space<vmem>>
        %dma_start3A_730 = arith.constant 0 : i32
        %dma_start3A_731 = tpu.memref_slice %arg6[%add3A_724, %dma_start3A_730] : memref<100x64xi32, #tpu.memory_space<vmem>> -> memref<1x64xi32, #tpu.memory_space<vmem>>
        %dma_start3A_732 = tpu.memref_squeeze %dma_start3A_731 : memref<1x64xi32, #tpu.memory_space<vmem>> -> memref<64xi32, #tpu.memory_space<vmem>>
        %dma_start3A_733 = arith.constant 0 : i32
        %dma_start3A_734 = arith.constant 0 : i32
        %dma_start3A_735 = tpu.memref_slice %arg3[%dma_start3A_733, %dma_start3A_734] : memref<100000x128xf32, #tpu.memory_space<hbm>> -> memref<100000x128xf32, #tpu.memory_space<hbm>>
        tpu.enqueue_indirect_dma source(%dma_start3A_735 : memref<100000x128xf32, #tpu.memory_space<hbm>>) target(%dma_start3A_729 : memref<64x128xf32, #tpu.memory_space<vmem>>) offsets(%dma_start3A_732 : memref<64xi32, #tpu.memory_space<vmem>>) semaphore(%arg15 : memref<!tpu.dma_semaphore, #tpu.memory_space<semaphore_mem>>)
      } else {
      }
      %add3A_508 = arith.constant 5 : i32
      %add3A_509 = arith.addi %mul3A_308, %add3A_508 : i32
      %dma_wait3A_510 = arith.constant 5 : i32
      %dma_wait3A_511 = arith.constant 0 : i32
      %dma_wait3A_512 = arith.constant 0 : i32
      %dma_wait3A_513 = tpu.memref_slice %arg7[%dma_wait3A_510, %dma_wait3A_511, %dma_wait3A_512] : memref<10x64x128xf32, #tpu.memory_space<vmem>> -> memref<1x64x128xf32, #tpu.memory_space<vmem>>
      %dma_wait3A_514 = tpu.memref_squeeze %dma_wait3A_513 : memref<1x64x128xf32, #tpu.memory_space<vmem>> -> memref<64x128xf32, #tpu.memory_space<vmem>>
      %dma_wait3A_515 = arith.constant 0 : i32
      %dma_wait3A_516 = arith.constant 0 : i32
      %dma_wait3A_517 = tpu.memref_slice %arg3[%dma_wait3A_515, %dma_wait3A_516] : memref<100000x128xf32, #tpu.memory_space<hbm>> -> memref<64x128xf32, #tpu.memory_space<hbm>>
      %dma_wait3A_518 = arith.constant 0 : i32
      %dma_wait3A_519 = arith.constant 0 : i32
      %dma_wait3A_520 = tpu.memref_slice %arg7[%dma_wait3A_510, %dma_wait3A_518, %dma_wait3A_519] : memref<10x64x128xf32, #tpu.memory_space<vmem>> -> memref<1x64x128xf32, #tpu.memory_space<vmem>>
      %dma_wait3A_521 = tpu.memref_squeeze %dma_wait3A_520 : memref<1x64x128xf32, #tpu.memory_space<vmem>> -> memref<64x128xf32, #tpu.memory_space<vmem>>
      %dma_wait3A_522 = arith.constant 0 : i32
      %dma_wait3A_523 = arith.constant 0 : i32
      %dma_wait3A_524 = tpu.memref_slice %arg3[%dma_wait3A_522, %dma_wait3A_523] : memref<100000x128xf32, #tpu.memory_space<hbm>> -> memref<64x128xf32, #tpu.memory_space<hbm>>
      tpu.wait_dma2 semaphore(%arg16 : memref<!tpu.dma_semaphore, #tpu.memory_space<semaphore_mem>>) src(%dma_wait3A_524 : memref<64x128xf32, #tpu.memory_space<hbm>>) dst(%dma_wait3A_521 : memref<64x128xf32, #tpu.memory_space<vmem>>)
      %mul3A_525 = arith.constant 64 : i32
      %mul3A_526 = arith.muli %add3A_509, %mul3A_525 : i32
      %add3A_527 = arith.addi %mul3A_2, %mul3A_526 : i32
      %dma_start3A_528 = arith.constant 5 : i32
      %dma_start3A_529 = arith.constant 0 : i32
      %dma_start3A_530 = arith.constant 0 : i32
      %dma_start3A_531 = tpu.memref_slice %arg7[%dma_start3A_528, %dma_start3A_529, %dma_start3A_530] : memref<10x64x128xf32, #tpu.memory_space<vmem>> -> memref<1x64x128xf32, #tpu.memory_space<vmem>>
      %dma_start3A_532 = tpu.memref_squeeze %dma_start3A_531 : memref<1x64x128xf32, #tpu.memory_space<vmem>> -> memref<64x128xf32, #tpu.memory_space<vmem>>
      %dma_start3A_533 = arith.constant 0 : i32
      %dma_start3A_534 = tpu.memref_slice %arg4[%add3A_527, %dma_start3A_533] : memref<204800x128xf32, #tpu.memory_space<hbm>> -> memref<64x128xf32, #tpu.memory_space<hbm>>
      %dma_start3A_535 = arith.constant 0 : i32
      %dma_start3A_536 = tpu.memref_slice %arg4[%add3A_527, %dma_start3A_535] : memref<204800x128xf32, #tpu.memory_space<hbm>> -> memref<64x128xf32, #tpu.memory_space<hbm>>
      %dma_start3A_537 = arith.constant 0 : i32
      %dma_start3A_538 = arith.constant 0 : i32
      %dma_start3A_539 = tpu.memref_slice %arg7[%dma_start3A_528, %dma_start3A_537, %dma_start3A_538] : memref<10x64x128xf32, #tpu.memory_space<vmem>> -> memref<1x64x128xf32, #tpu.memory_space<vmem>>
      %dma_start3A_540 = tpu.memref_squeeze %dma_start3A_539 : memref<1x64x128xf32, #tpu.memory_space<vmem>> -> memref<64x128xf32, #tpu.memory_space<vmem>>
      tpu.enqueue_dma source(%dma_start3A_540 : memref<64x128xf32, #tpu.memory_space<vmem>>) target(%dma_start3A_536 : memref<64x128xf32, #tpu.memory_space<hbm>>) target_semaphore(%arg26 : memref<!tpu.dma_semaphore, #tpu.memory_space<semaphore_mem>>)
      "tpu.region"() ({
        %run_scoped3A = tpu.sem_alloc : memref<!tpu.dma_semaphore, #tpu.memory_space<semaphore_mem>>
        %dma_start3A_708 = arith.constant 0 : i32
        %dma_start3A_709 = tpu.memref_slice %arg6[%add3A_509, %dma_start3A_708] : memref<100x64xi32, #tpu.memory_space<vmem>> -> memref<1x64xi32, #tpu.memory_space<vmem>>
        %dma_start3A_710 = tpu.memref_squeeze %dma_start3A_709 : memref<1x64xi32, #tpu.memory_space<vmem>> -> memref<64xi32, #tpu.memory_space<vmem>>
        %dma_start3A_711 = arith.constant 0 : i32
        %dma_start3A_712 = tpu.memref_slice %arg10[%dma_start3A_711] : memref<100352xf32, #tpu.memory_space<vmem_shared>> -> memref<100352xf32, #tpu.memory_space<vmem_shared>>
        tpu.enqueue_indirect_dma source(%arg9 : memref<64xf32, #tpu.memory_space<vmem>>) target(%dma_start3A_712 : memref<100352xf32, #tpu.memory_space<vmem_shared>>) offsets(%dma_start3A_710 : memref<64xi32, #tpu.memory_space<vmem>>) semaphore(%run_scoped3A : memref<!tpu.dma_semaphore, #tpu.memory_space<semaphore_mem>>) {add = true}
        %dma_wait3A_713 = arith.constant 0 : i32
        %dma_wait3A_714 = tpu.memref_slice %arg6[%add3A_509, %dma_wait3A_713] : memref<100x64xi32, #tpu.memory_space<vmem>> -> memref<1x64xi32, #tpu.memory_space<vmem>>
        %dma_wait3A_715 = tpu.memref_squeeze %dma_wait3A_714 : memref<1x64xi32, #tpu.memory_space<vmem>> -> memref<64xi32, #tpu.memory_space<vmem>>
        %dma_wait3A_716 = arith.constant 0 : i32
        %dma_wait3A_717 = tpu.memref_slice %arg10[%dma_wait3A_716] : memref<100352xf32, #tpu.memory_space<vmem_shared>> -> memref<100352xf32, #tpu.memory_space<vmem_shared>>
        tpu.wait_indirect_dma semaphore(%run_scoped3A : memref<!tpu.dma_semaphore, #tpu.memory_space<semaphore_mem>>) src(%arg9 : memref<64xf32, #tpu.memory_space<vmem>>) dst(%dma_wait3A_717 : memref<100352xf32, #tpu.memory_space<vmem_shared>>)
        tpu.yield
      }) : () -> ()
      %add3A_541 = arith.constant 10 : i32
      %add3A_542 = arith.addi %add3A_509, %add3A_541 : i32
      %lt3A_543 = arith.constant 100 : i32
      %lt3A_544 = arith.cmpi slt, %add3A_542, %lt3A_543 : i32
      %convert_element_type3A_545 = arith.extui %lt3A_544 : i1 to i32
      %cond3A_546 = arith.constant 0 : i32
      %cond3A_547 = arith.cmpi ne, %convert_element_type3A_545, %cond3A_546 : i32
      scf.if %cond3A_547 {
        %dma_wait3A_708 = arith.constant 5 : i32
        %dma_wait3A_709 = arith.constant 0 : i32
        %dma_wait3A_710 = arith.constant 0 : i32
        %dma_wait3A_711 = tpu.memref_slice %arg7[%dma_wait3A_708, %dma_wait3A_709, %dma_wait3A_710] : memref<10x64x128xf32, #tpu.memory_space<vmem>> -> memref<1x64x128xf32, #tpu.memory_space<vmem>>
        %dma_wait3A_712 = tpu.memref_squeeze %dma_wait3A_711 : memref<1x64x128xf32, #tpu.memory_space<vmem>> -> memref<64x128xf32, #tpu.memory_space<vmem>>
        %dma_wait3A_713 = arith.constant 0 : i32
        %dma_wait3A_714 = arith.constant 0 : i32
        %dma_wait3A_715 = tpu.memref_slice %arg4[%dma_wait3A_713, %dma_wait3A_714] : memref<204800x128xf32, #tpu.memory_space<hbm>> -> memref<64x128xf32, #tpu.memory_space<hbm>>
        %dma_wait3A_716 = arith.constant 0 : i32
        %dma_wait3A_717 = arith.constant 0 : i32
        %dma_wait3A_718 = tpu.memref_slice %arg4[%dma_wait3A_716, %dma_wait3A_717] : memref<204800x128xf32, #tpu.memory_space<hbm>> -> memref<64x128xf32, #tpu.memory_space<hbm>>
        %dma_wait3A_719 = arith.constant 0 : i32
        %dma_wait3A_720 = arith.constant 0 : i32
        %dma_wait3A_721 = tpu.memref_slice %arg7[%dma_wait3A_708, %dma_wait3A_719, %dma_wait3A_720] : memref<10x64x128xf32, #tpu.memory_space<vmem>> -> memref<1x64x128xf32, #tpu.memory_space<vmem>>
        %dma_wait3A_722 = tpu.memref_squeeze %dma_wait3A_721 : memref<1x64x128xf32, #tpu.memory_space<vmem>> -> memref<64x128xf32, #tpu.memory_space<vmem>>
        tpu.wait_dma2 semaphore(%arg26 : memref<!tpu.dma_semaphore, #tpu.memory_space<semaphore_mem>>) src(%dma_wait3A_722 : memref<64x128xf32, #tpu.memory_space<vmem>>) dst(%dma_wait3A_718 : memref<64x128xf32, #tpu.memory_space<hbm>>)
        %add3A_723 = arith.constant 10 : i32
        %add3A_724 = arith.addi %add3A_509, %add3A_723 : i32
        %dma_start3A_725 = arith.constant 5 : i32
        %dma_start3A_726 = arith.constant 0 : i32
        %dma_start3A_727 = arith.constant 0 : i32
        %dma_start3A_728 = tpu.memref_slice %arg7[%dma_start3A_725, %dma_start3A_726, %dma_start3A_727] : memref<10x64x128xf32, #tpu.memory_space<vmem>> -> memref<1x64x128xf32, #tpu.memory_space<vmem>>
        %dma_start3A_729 = tpu.memref_squeeze %dma_start3A_728 : memref<1x64x128xf32, #tpu.memory_space<vmem>> -> memref<64x128xf32, #tpu.memory_space<vmem>>
        %dma_start3A_730 = arith.constant 0 : i32
        %dma_start3A_731 = tpu.memref_slice %arg6[%add3A_724, %dma_start3A_730] : memref<100x64xi32, #tpu.memory_space<vmem>> -> memref<1x64xi32, #tpu.memory_space<vmem>>
        %dma_start3A_732 = tpu.memref_squeeze %dma_start3A_731 : memref<1x64xi32, #tpu.memory_space<vmem>> -> memref<64xi32, #tpu.memory_space<vmem>>
        %dma_start3A_733 = arith.constant 0 : i32
        %dma_start3A_734 = arith.constant 0 : i32
        %dma_start3A_735 = tpu.memref_slice %arg3[%dma_start3A_733, %dma_start3A_734] : memref<100000x128xf32, #tpu.memory_space<hbm>> -> memref<100000x128xf32, #tpu.memory_space<hbm>>
        tpu.enqueue_indirect_dma source(%dma_start3A_735 : memref<100000x128xf32, #tpu.memory_space<hbm>>) target(%dma_start3A_729 : memref<64x128xf32, #tpu.memory_space<vmem>>) offsets(%dma_start3A_732 : memref<64xi32, #tpu.memory_space<vmem>>) semaphore(%arg16 : memref<!tpu.dma_semaphore, #tpu.memory_space<semaphore_mem>>)
      } else {
      }
      %add3A_548 = arith.constant 6 : i32
      %add3A_549 = arith.addi %mul3A_308, %add3A_548 : i32
      %dma_wait3A_550 = arith.constant 6 : i32
      %dma_wait3A_551 = arith.constant 0 : i32
      %dma_wait3A_552 = arith.constant 0 : i32
      %dma_wait3A_553 = tpu.memref_slice %arg7[%dma_wait3A_550, %dma_wait3A_551, %dma_wait3A_552] : memref<10x64x128xf32, #tpu.memory_space<vmem>> -> memref<1x64x128xf32, #tpu.memory_space<vmem>>
      %dma_wait3A_554 = tpu.memref_squeeze %dma_wait3A_553 : memref<1x64x128xf32, #tpu.memory_space<vmem>> -> memref<64x128xf32, #tpu.memory_space<vmem>>
      %dma_wait3A_555 = arith.constant 0 : i32
      %dma_wait3A_556 = arith.constant 0 : i32
      %dma_wait3A_557 = tpu.memref_slice %arg3[%dma_wait3A_555, %dma_wait3A_556] : memref<100000x128xf32, #tpu.memory_space<hbm>> -> memref<64x128xf32, #tpu.memory_space<hbm>>
      %dma_wait3A_558 = arith.constant 0 : i32
      %dma_wait3A_559 = arith.constant 0 : i32
      %dma_wait3A_560 = tpu.memref_slice %arg7[%dma_wait3A_550, %dma_wait3A_558, %dma_wait3A_559] : memref<10x64x128xf32, #tpu.memory_space<vmem>> -> memref<1x64x128xf32, #tpu.memory_space<vmem>>
      %dma_wait3A_561 = tpu.memref_squeeze %dma_wait3A_560 : memref<1x64x128xf32, #tpu.memory_space<vmem>> -> memref<64x128xf32, #tpu.memory_space<vmem>>
      %dma_wait3A_562 = arith.constant 0 : i32
      %dma_wait3A_563 = arith.constant 0 : i32
      %dma_wait3A_564 = tpu.memref_slice %arg3[%dma_wait3A_562, %dma_wait3A_563] : memref<100000x128xf32, #tpu.memory_space<hbm>> -> memref<64x128xf32, #tpu.memory_space<hbm>>
      tpu.wait_dma2 semaphore(%arg17 : memref<!tpu.dma_semaphore, #tpu.memory_space<semaphore_mem>>) src(%dma_wait3A_564 : memref<64x128xf32, #tpu.memory_space<hbm>>) dst(%dma_wait3A_561 : memref<64x128xf32, #tpu.memory_space<vmem>>)
      %mul3A_565 = arith.constant 64 : i32
      %mul3A_566 = arith.muli %add3A_549, %mul3A_565 : i32
      %add3A_567 = arith.addi %mul3A_2, %mul3A_566 : i32
      %dma_start3A_568 = arith.constant 6 : i32
      %dma_start3A_569 = arith.constant 0 : i32
      %dma_start3A_570 = arith.constant 0 : i32
      %dma_start3A_571 = tpu.memref_slice %arg7[%dma_start3A_568, %dma_start3A_569, %dma_start3A_570] : memref<10x64x128xf32, #tpu.memory_space<vmem>> -> memref<1x64x128xf32, #tpu.memory_space<vmem>>
      %dma_start3A_572 = tpu.memref_squeeze %dma_start3A_571 : memref<1x64x128xf32, #tpu.memory_space<vmem>> -> memref<64x128xf32, #tpu.memory_space<vmem>>
      %dma_start3A_573 = arith.constant 0 : i32
      %dma_start3A_574 = tpu.memref_slice %arg4[%add3A_567, %dma_start3A_573] : memref<204800x128xf32, #tpu.memory_space<hbm>> -> memref<64x128xf32, #tpu.memory_space<hbm>>
      %dma_start3A_575 = arith.constant 0 : i32
      %dma_start3A_576 = tpu.memref_slice %arg4[%add3A_567, %dma_start3A_575] : memref<204800x128xf32, #tpu.memory_space<hbm>> -> memref<64x128xf32, #tpu.memory_space<hbm>>
      %dma_start3A_577 = arith.constant 0 : i32
      %dma_start3A_578 = arith.constant 0 : i32
      %dma_start3A_579 = tpu.memref_slice %arg7[%dma_start3A_568, %dma_start3A_577, %dma_start3A_578] : memref<10x64x128xf32, #tpu.memory_space<vmem>> -> memref<1x64x128xf32, #tpu.memory_space<vmem>>
      %dma_start3A_580 = tpu.memref_squeeze %dma_start3A_579 : memref<1x64x128xf32, #tpu.memory_space<vmem>> -> memref<64x128xf32, #tpu.memory_space<vmem>>
      tpu.enqueue_dma source(%dma_start3A_580 : memref<64x128xf32, #tpu.memory_space<vmem>>) target(%dma_start3A_576 : memref<64x128xf32, #tpu.memory_space<hbm>>) target_semaphore(%arg27 : memref<!tpu.dma_semaphore, #tpu.memory_space<semaphore_mem>>)
      "tpu.region"() ({
        %run_scoped3A = tpu.sem_alloc : memref<!tpu.dma_semaphore, #tpu.memory_space<semaphore_mem>>
        %dma_start3A_708 = arith.constant 0 : i32
        %dma_start3A_709 = tpu.memref_slice %arg6[%add3A_549, %dma_start3A_708] : memref<100x64xi32, #tpu.memory_space<vmem>> -> memref<1x64xi32, #tpu.memory_space<vmem>>
        %dma_start3A_710 = tpu.memref_squeeze %dma_start3A_709 : memref<1x64xi32, #tpu.memory_space<vmem>> -> memref<64xi32, #tpu.memory_space<vmem>>
        %dma_start3A_711 = arith.constant 0 : i32
        %dma_start3A_712 = tpu.memref_slice %arg10[%dma_start3A_711] : memref<100352xf32, #tpu.memory_space<vmem_shared>> -> memref<100352xf32, #tpu.memory_space<vmem_shared>>
        tpu.enqueue_indirect_dma source(%arg9 : memref<64xf32, #tpu.memory_space<vmem>>) target(%dma_start3A_712 : memref<100352xf32, #tpu.memory_space<vmem_shared>>) offsets(%dma_start3A_710 : memref<64xi32, #tpu.memory_space<vmem>>) semaphore(%run_scoped3A : memref<!tpu.dma_semaphore, #tpu.memory_space<semaphore_mem>>) {add = true}
        %dma_wait3A_713 = arith.constant 0 : i32
        %dma_wait3A_714 = tpu.memref_slice %arg6[%add3A_549, %dma_wait3A_713] : memref<100x64xi32, #tpu.memory_space<vmem>> -> memref<1x64xi32, #tpu.memory_space<vmem>>
        %dma_wait3A_715 = tpu.memref_squeeze %dma_wait3A_714 : memref<1x64xi32, #tpu.memory_space<vmem>> -> memref<64xi32, #tpu.memory_space<vmem>>
        %dma_wait3A_716 = arith.constant 0 : i32
        %dma_wait3A_717 = tpu.memref_slice %arg10[%dma_wait3A_716] : memref<100352xf32, #tpu.memory_space<vmem_shared>> -> memref<100352xf32, #tpu.memory_space<vmem_shared>>
        tpu.wait_indirect_dma semaphore(%run_scoped3A : memref<!tpu.dma_semaphore, #tpu.memory_space<semaphore_mem>>) src(%arg9 : memref<64xf32, #tpu.memory_space<vmem>>) dst(%dma_wait3A_717 : memref<100352xf32, #tpu.memory_space<vmem_shared>>)
        tpu.yield
      }) : () -> ()
      %add3A_581 = arith.constant 10 : i32
      %add3A_582 = arith.addi %add3A_549, %add3A_581 : i32
      %lt3A_583 = arith.constant 100 : i32
      %lt3A_584 = arith.cmpi slt, %add3A_582, %lt3A_583 : i32
      %convert_element_type3A_585 = arith.extui %lt3A_584 : i1 to i32
      %cond3A_586 = arith.constant 0 : i32
      %cond3A_587 = arith.cmpi ne, %convert_element_type3A_585, %cond3A_586 : i32
      scf.if %cond3A_587 {
        %dma_wait3A_708 = arith.constant 6 : i32
        %dma_wait3A_709 = arith.constant 0 : i32
        %dma_wait3A_710 = arith.constant 0 : i32
        %dma_wait3A_711 = tpu.memref_slice %arg7[%dma_wait3A_708, %dma_wait3A_709, %dma_wait3A_710] : memref<10x64x128xf32, #tpu.memory_space<vmem>> -> memref<1x64x128xf32, #tpu.memory_space<vmem>>
        %dma_wait3A_712 = tpu.memref_squeeze %dma_wait3A_711 : memref<1x64x128xf32, #tpu.memory_space<vmem>> -> memref<64x128xf32, #tpu.memory_space<vmem>>
        %dma_wait3A_713 = arith.constant 0 : i32
        %dma_wait3A_714 = arith.constant 0 : i32
        %dma_wait3A_715 = tpu.memref_slice %arg4[%dma_wait3A_713, %dma_wait3A_714] : memref<204800x128xf32, #tpu.memory_space<hbm>> -> memref<64x128xf32, #tpu.memory_space<hbm>>
        %dma_wait3A_716 = arith.constant 0 : i32
        %dma_wait3A_717 = arith.constant 0 : i32
        %dma_wait3A_718 = tpu.memref_slice %arg4[%dma_wait3A_716, %dma_wait3A_717] : memref<204800x128xf32, #tpu.memory_space<hbm>> -> memref<64x128xf32, #tpu.memory_space<hbm>>
        %dma_wait3A_719 = arith.constant 0 : i32
        %dma_wait3A_720 = arith.constant 0 : i32
        %dma_wait3A_721 = tpu.memref_slice %arg7[%dma_wait3A_708, %dma_wait3A_719, %dma_wait3A_720] : memref<10x64x128xf32, #tpu.memory_space<vmem>> -> memref<1x64x128xf32, #tpu.memory_space<vmem>>
        %dma_wait3A_722 = tpu.memref_squeeze %dma_wait3A_721 : memref<1x64x128xf32, #tpu.memory_space<vmem>> -> memref<64x128xf32, #tpu.memory_space<vmem>>
        tpu.wait_dma2 semaphore(%arg27 : memref<!tpu.dma_semaphore, #tpu.memory_space<semaphore_mem>>) src(%dma_wait3A_722 : memref<64x128xf32, #tpu.memory_space<vmem>>) dst(%dma_wait3A_718 : memref<64x128xf32, #tpu.memory_space<hbm>>)
        %add3A_723 = arith.constant 10 : i32
        %add3A_724 = arith.addi %add3A_549, %add3A_723 : i32
        %dma_start3A_725 = arith.constant 6 : i32
        %dma_start3A_726 = arith.constant 0 : i32
        %dma_start3A_727 = arith.constant 0 : i32
        %dma_start3A_728 = tpu.memref_slice %arg7[%dma_start3A_725, %dma_start3A_726, %dma_start3A_727] : memref<10x64x128xf32, #tpu.memory_space<vmem>> -> memref<1x64x128xf32, #tpu.memory_space<vmem>>
        %dma_start3A_729 = tpu.memref_squeeze %dma_start3A_728 : memref<1x64x128xf32, #tpu.memory_space<vmem>> -> memref<64x128xf32, #tpu.memory_space<vmem>>
        %dma_start3A_730 = arith.constant 0 : i32
        %dma_start3A_731 = tpu.memref_slice %arg6[%add3A_724, %dma_start3A_730] : memref<100x64xi32, #tpu.memory_space<vmem>> -> memref<1x64xi32, #tpu.memory_space<vmem>>
        %dma_start3A_732 = tpu.memref_squeeze %dma_start3A_731 : memref<1x64xi32, #tpu.memory_space<vmem>> -> memref<64xi32, #tpu.memory_space<vmem>>
        %dma_start3A_733 = arith.constant 0 : i32
        %dma_start3A_734 = arith.constant 0 : i32
        %dma_start3A_735 = tpu.memref_slice %arg3[%dma_start3A_733, %dma_start3A_734] : memref<100000x128xf32, #tpu.memory_space<hbm>> -> memref<100000x128xf32, #tpu.memory_space<hbm>>
        tpu.enqueue_indirect_dma source(%dma_start3A_735 : memref<100000x128xf32, #tpu.memory_space<hbm>>) target(%dma_start3A_729 : memref<64x128xf32, #tpu.memory_space<vmem>>) offsets(%dma_start3A_732 : memref<64xi32, #tpu.memory_space<vmem>>) semaphore(%arg17 : memref<!tpu.dma_semaphore, #tpu.memory_space<semaphore_mem>>)
      } else {
      }
      %add3A_588 = arith.constant 7 : i32
      %add3A_589 = arith.addi %mul3A_308, %add3A_588 : i32
      %dma_wait3A_590 = arith.constant 7 : i32
      %dma_wait3A_591 = arith.constant 0 : i32
      %dma_wait3A_592 = arith.constant 0 : i32
      %dma_wait3A_593 = tpu.memref_slice %arg7[%dma_wait3A_590, %dma_wait3A_591, %dma_wait3A_592] : memref<10x64x128xf32, #tpu.memory_space<vmem>> -> memref<1x64x128xf32, #tpu.memory_space<vmem>>
      %dma_wait3A_594 = tpu.memref_squeeze %dma_wait3A_593 : memref<1x64x128xf32, #tpu.memory_space<vmem>> -> memref<64x128xf32, #tpu.memory_space<vmem>>
      %dma_wait3A_595 = arith.constant 0 : i32
      %dma_wait3A_596 = arith.constant 0 : i32
      %dma_wait3A_597 = tpu.memref_slice %arg3[%dma_wait3A_595, %dma_wait3A_596] : memref<100000x128xf32, #tpu.memory_space<hbm>> -> memref<64x128xf32, #tpu.memory_space<hbm>>
      %dma_wait3A_598 = arith.constant 0 : i32
      %dma_wait3A_599 = arith.constant 0 : i32
      %dma_wait3A_600 = tpu.memref_slice %arg7[%dma_wait3A_590, %dma_wait3A_598, %dma_wait3A_599] : memref<10x64x128xf32, #tpu.memory_space<vmem>> -> memref<1x64x128xf32, #tpu.memory_space<vmem>>
      %dma_wait3A_601 = tpu.memref_squeeze %dma_wait3A_600 : memref<1x64x128xf32, #tpu.memory_space<vmem>> -> memref<64x128xf32, #tpu.memory_space<vmem>>
      %dma_wait3A_602 = arith.constant 0 : i32
      %dma_wait3A_603 = arith.constant 0 : i32
      %dma_wait3A_604 = tpu.memref_slice %arg3[%dma_wait3A_602, %dma_wait3A_603] : memref<100000x128xf32, #tpu.memory_space<hbm>> -> memref<64x128xf32, #tpu.memory_space<hbm>>
      tpu.wait_dma2 semaphore(%arg18 : memref<!tpu.dma_semaphore, #tpu.memory_space<semaphore_mem>>) src(%dma_wait3A_604 : memref<64x128xf32, #tpu.memory_space<hbm>>) dst(%dma_wait3A_601 : memref<64x128xf32, #tpu.memory_space<vmem>>)
      %mul3A_605 = arith.constant 64 : i32
      %mul3A_606 = arith.muli %add3A_589, %mul3A_605 : i32
      %add3A_607 = arith.addi %mul3A_2, %mul3A_606 : i32
      %dma_start3A_608 = arith.constant 7 : i32
      %dma_start3A_609 = arith.constant 0 : i32
      %dma_start3A_610 = arith.constant 0 : i32
      %dma_start3A_611 = tpu.memref_slice %arg7[%dma_start3A_608, %dma_start3A_609, %dma_start3A_610] : memref<10x64x128xf32, #tpu.memory_space<vmem>> -> memref<1x64x128xf32, #tpu.memory_space<vmem>>
      %dma_start3A_612 = tpu.memref_squeeze %dma_start3A_611 : memref<1x64x128xf32, #tpu.memory_space<vmem>> -> memref<64x128xf32, #tpu.memory_space<vmem>>
      %dma_start3A_613 = arith.constant 0 : i32
      %dma_start3A_614 = tpu.memref_slice %arg4[%add3A_607, %dma_start3A_613] : memref<204800x128xf32, #tpu.memory_space<hbm>> -> memref<64x128xf32, #tpu.memory_space<hbm>>
      %dma_start3A_615 = arith.constant 0 : i32
      %dma_start3A_616 = tpu.memref_slice %arg4[%add3A_607, %dma_start3A_615] : memref<204800x128xf32, #tpu.memory_space<hbm>> -> memref<64x128xf32, #tpu.memory_space<hbm>>
      %dma_start3A_617 = arith.constant 0 : i32
      %dma_start3A_618 = arith.constant 0 : i32
      %dma_start3A_619 = tpu.memref_slice %arg7[%dma_start3A_608, %dma_start3A_617, %dma_start3A_618] : memref<10x64x128xf32, #tpu.memory_space<vmem>> -> memref<1x64x128xf32, #tpu.memory_space<vmem>>
      %dma_start3A_620 = tpu.memref_squeeze %dma_start3A_619 : memref<1x64x128xf32, #tpu.memory_space<vmem>> -> memref<64x128xf32, #tpu.memory_space<vmem>>
      tpu.enqueue_dma source(%dma_start3A_620 : memref<64x128xf32, #tpu.memory_space<vmem>>) target(%dma_start3A_616 : memref<64x128xf32, #tpu.memory_space<hbm>>) target_semaphore(%arg28 : memref<!tpu.dma_semaphore, #tpu.memory_space<semaphore_mem>>)
      "tpu.region"() ({
        %run_scoped3A = tpu.sem_alloc : memref<!tpu.dma_semaphore, #tpu.memory_space<semaphore_mem>>
        %dma_start3A_708 = arith.constant 0 : i32
        %dma_start3A_709 = tpu.memref_slice %arg6[%add3A_589, %dma_start3A_708] : memref<100x64xi32, #tpu.memory_space<vmem>> -> memref<1x64xi32, #tpu.memory_space<vmem>>
        %dma_start3A_710 = tpu.memref_squeeze %dma_start3A_709 : memref<1x64xi32, #tpu.memory_space<vmem>> -> memref<64xi32, #tpu.memory_space<vmem>>
        %dma_start3A_711 = arith.constant 0 : i32
        %dma_start3A_712 = tpu.memref_slice %arg10[%dma_start3A_711] : memref<100352xf32, #tpu.memory_space<vmem_shared>> -> memref<100352xf32, #tpu.memory_space<vmem_shared>>
        tpu.enqueue_indirect_dma source(%arg9 : memref<64xf32, #tpu.memory_space<vmem>>) target(%dma_start3A_712 : memref<100352xf32, #tpu.memory_space<vmem_shared>>) offsets(%dma_start3A_710 : memref<64xi32, #tpu.memory_space<vmem>>) semaphore(%run_scoped3A : memref<!tpu.dma_semaphore, #tpu.memory_space<semaphore_mem>>) {add = true}
        %dma_wait3A_713 = arith.constant 0 : i32
        %dma_wait3A_714 = tpu.memref_slice %arg6[%add3A_589, %dma_wait3A_713] : memref<100x64xi32, #tpu.memory_space<vmem>> -> memref<1x64xi32, #tpu.memory_space<vmem>>
        %dma_wait3A_715 = tpu.memref_squeeze %dma_wait3A_714 : memref<1x64xi32, #tpu.memory_space<vmem>> -> memref<64xi32, #tpu.memory_space<vmem>>
        %dma_wait3A_716 = arith.constant 0 : i32
        %dma_wait3A_717 = tpu.memref_slice %arg10[%dma_wait3A_716] : memref<100352xf32, #tpu.memory_space<vmem_shared>> -> memref<100352xf32, #tpu.memory_space<vmem_shared>>
        tpu.wait_indirect_dma semaphore(%run_scoped3A : memref<!tpu.dma_semaphore, #tpu.memory_space<semaphore_mem>>) src(%arg9 : memref<64xf32, #tpu.memory_space<vmem>>) dst(%dma_wait3A_717 : memref<100352xf32, #tpu.memory_space<vmem_shared>>)
        tpu.yield
      }) : () -> ()
      %add3A_621 = arith.constant 10 : i32
      %add3A_622 = arith.addi %add3A_589, %add3A_621 : i32
      %lt3A_623 = arith.constant 100 : i32
      %lt3A_624 = arith.cmpi slt, %add3A_622, %lt3A_623 : i32
      %convert_element_type3A_625 = arith.extui %lt3A_624 : i1 to i32
      %cond3A_626 = arith.constant 0 : i32
      %cond3A_627 = arith.cmpi ne, %convert_element_type3A_625, %cond3A_626 : i32
      scf.if %cond3A_627 {
        %dma_wait3A_708 = arith.constant 7 : i32
        %dma_wait3A_709 = arith.constant 0 : i32
        %dma_wait3A_710 = arith.constant 0 : i32
        %dma_wait3A_711 = tpu.memref_slice %arg7[%dma_wait3A_708, %dma_wait3A_709, %dma_wait3A_710] : memref<10x64x128xf32, #tpu.memory_space<vmem>> -> memref<1x64x128xf32, #tpu.memory_space<vmem>>
        %dma_wait3A_712 = tpu.memref_squeeze %dma_wait3A_711 : memref<1x64x128xf32, #tpu.memory_space<vmem>> -> memref<64x128xf32, #tpu.memory_space<vmem>>
        %dma_wait3A_713 = arith.constant 0 : i32
        %dma_wait3A_714 = arith.constant 0 : i32
        %dma_wait3A_715 = tpu.memref_slice %arg4[%dma_wait3A_713, %dma_wait3A_714] : memref<204800x128xf32, #tpu.memory_space<hbm>> -> memref<64x128xf32, #tpu.memory_space<hbm>>
        %dma_wait3A_716 = arith.constant 0 : i32
        %dma_wait3A_717 = arith.constant 0 : i32
        %dma_wait3A_718 = tpu.memref_slice %arg4[%dma_wait3A_716, %dma_wait3A_717] : memref<204800x128xf32, #tpu.memory_space<hbm>> -> memref<64x128xf32, #tpu.memory_space<hbm>>
        %dma_wait3A_719 = arith.constant 0 : i32
        %dma_wait3A_720 = arith.constant 0 : i32
        %dma_wait3A_721 = tpu.memref_slice %arg7[%dma_wait3A_708, %dma_wait3A_719, %dma_wait3A_720] : memref<10x64x128xf32, #tpu.memory_space<vmem>> -> memref<1x64x128xf32, #tpu.memory_space<vmem>>
        %dma_wait3A_722 = tpu.memref_squeeze %dma_wait3A_721 : memref<1x64x128xf32, #tpu.memory_space<vmem>> -> memref<64x128xf32, #tpu.memory_space<vmem>>
        tpu.wait_dma2 semaphore(%arg28 : memref<!tpu.dma_semaphore, #tpu.memory_space<semaphore_mem>>) src(%dma_wait3A_722 : memref<64x128xf32, #tpu.memory_space<vmem>>) dst(%dma_wait3A_718 : memref<64x128xf32, #tpu.memory_space<hbm>>)
        %add3A_723 = arith.constant 10 : i32
        %add3A_724 = arith.addi %add3A_589, %add3A_723 : i32
        %dma_start3A_725 = arith.constant 7 : i32
        %dma_start3A_726 = arith.constant 0 : i32
        %dma_start3A_727 = arith.constant 0 : i32
        %dma_start3A_728 = tpu.memref_slice %arg7[%dma_start3A_725, %dma_start3A_726, %dma_start3A_727] : memref<10x64x128xf32, #tpu.memory_space<vmem>> -> memref<1x64x128xf32, #tpu.memory_space<vmem>>
        %dma_start3A_729 = tpu.memref_squeeze %dma_start3A_728 : memref<1x64x128xf32, #tpu.memory_space<vmem>> -> memref<64x128xf32, #tpu.memory_space<vmem>>
        %dma_start3A_730 = arith.constant 0 : i32
        %dma_start3A_731 = tpu.memref_slice %arg6[%add3A_724, %dma_start3A_730] : memref<100x64xi32, #tpu.memory_space<vmem>> -> memref<1x64xi32, #tpu.memory_space<vmem>>
        %dma_start3A_732 = tpu.memref_squeeze %dma_start3A_731 : memref<1x64xi32, #tpu.memory_space<vmem>> -> memref<64xi32, #tpu.memory_space<vmem>>
        %dma_start3A_733 = arith.constant 0 : i32
        %dma_start3A_734 = arith.constant 0 : i32
        %dma_start3A_735 = tpu.memref_slice %arg3[%dma_start3A_733, %dma_start3A_734] : memref<100000x128xf32, #tpu.memory_space<hbm>> -> memref<100000x128xf32, #tpu.memory_space<hbm>>
        tpu.enqueue_indirect_dma source(%dma_start3A_735 : memref<100000x128xf32, #tpu.memory_space<hbm>>) target(%dma_start3A_729 : memref<64x128xf32, #tpu.memory_space<vmem>>) offsets(%dma_start3A_732 : memref<64xi32, #tpu.memory_space<vmem>>) semaphore(%arg18 : memref<!tpu.dma_semaphore, #tpu.memory_space<semaphore_mem>>)
      } else {
      }
      %add3A_628 = arith.constant 8 : i32
      %add3A_629 = arith.addi %mul3A_308, %add3A_628 : i32
      %dma_wait3A_630 = arith.constant 8 : i32
      %dma_wait3A_631 = arith.constant 0 : i32
      %dma_wait3A_632 = arith.constant 0 : i32
      %dma_wait3A_633 = tpu.memref_slice %arg7[%dma_wait3A_630, %dma_wait3A_631, %dma_wait3A_632] : memref<10x64x128xf32, #tpu.memory_space<vmem>> -> memref<1x64x128xf32, #tpu.memory_space<vmem>>
      %dma_wait3A_634 = tpu.memref_squeeze %dma_wait3A_633 : memref<1x64x128xf32, #tpu.memory_space<vmem>> -> memref<64x128xf32, #tpu.memory_space<vmem>>
      %dma_wait3A_635 = arith.constant 0 : i32
      %dma_wait3A_636 = arith.constant 0 : i32
      %dma_wait3A_637 = tpu.memref_slice %arg3[%dma_wait3A_635, %dma_wait3A_636] : memref<100000x128xf32, #tpu.memory_space<hbm>> -> memref<64x128xf32, #tpu.memory_space<hbm>>
      %dma_wait3A_638 = arith.constant 0 : i32
      %dma_wait3A_639 = arith.constant 0 : i32
      %dma_wait3A_640 = tpu.memref_slice %arg7[%dma_wait3A_630, %dma_wait3A_638, %dma_wait3A_639] : memref<10x64x128xf32, #tpu.memory_space<vmem>> -> memref<1x64x128xf32, #tpu.memory_space<vmem>>
      %dma_wait3A_641 = tpu.memref_squeeze %dma_wait3A_640 : memref<1x64x128xf32, #tpu.memory_space<vmem>> -> memref<64x128xf32, #tpu.memory_space<vmem>>
      %dma_wait3A_642 = arith.constant 0 : i32
      %dma_wait3A_643 = arith.constant 0 : i32
      %dma_wait3A_644 = tpu.memref_slice %arg3[%dma_wait3A_642, %dma_wait3A_643] : memref<100000x128xf32, #tpu.memory_space<hbm>> -> memref<64x128xf32, #tpu.memory_space<hbm>>
      tpu.wait_dma2 semaphore(%arg19 : memref<!tpu.dma_semaphore, #tpu.memory_space<semaphore_mem>>) src(%dma_wait3A_644 : memref<64x128xf32, #tpu.memory_space<hbm>>) dst(%dma_wait3A_641 : memref<64x128xf32, #tpu.memory_space<vmem>>)
      %mul3A_645 = arith.constant 64 : i32
      %mul3A_646 = arith.muli %add3A_629, %mul3A_645 : i32
      %add3A_647 = arith.addi %mul3A_2, %mul3A_646 : i32
      %dma_start3A_648 = arith.constant 8 : i32
      %dma_start3A_649 = arith.constant 0 : i32
      %dma_start3A_650 = arith.constant 0 : i32
      %dma_start3A_651 = tpu.memref_slice %arg7[%dma_start3A_648, %dma_start3A_649, %dma_start3A_650] : memref<10x64x128xf32, #tpu.memory_space<vmem>> -> memref<1x64x128xf32, #tpu.memory_space<vmem>>
      %dma_start3A_652 = tpu.memref_squeeze %dma_start3A_651 : memref<1x64x128xf32, #tpu.memory_space<vmem>> -> memref<64x128xf32, #tpu.memory_space<vmem>>
      %dma_start3A_653 = arith.constant 0 : i32
      %dma_start3A_654 = tpu.memref_slice %arg4[%add3A_647, %dma_start3A_653] : memref<204800x128xf32, #tpu.memory_space<hbm>> -> memref<64x128xf32, #tpu.memory_space<hbm>>
      %dma_start3A_655 = arith.constant 0 : i32
      %dma_start3A_656 = tpu.memref_slice %arg4[%add3A_647, %dma_start3A_655] : memref<204800x128xf32, #tpu.memory_space<hbm>> -> memref<64x128xf32, #tpu.memory_space<hbm>>
      %dma_start3A_657 = arith.constant 0 : i32
      %dma_start3A_658 = arith.constant 0 : i32
      %dma_start3A_659 = tpu.memref_slice %arg7[%dma_start3A_648, %dma_start3A_657, %dma_start3A_658] : memref<10x64x128xf32, #tpu.memory_space<vmem>> -> memref<1x64x128xf32, #tpu.memory_space<vmem>>
      %dma_start3A_660 = tpu.memref_squeeze %dma_start3A_659 : memref<1x64x128xf32, #tpu.memory_space<vmem>> -> memref<64x128xf32, #tpu.memory_space<vmem>>
      tpu.enqueue_dma source(%dma_start3A_660 : memref<64x128xf32, #tpu.memory_space<vmem>>) target(%dma_start3A_656 : memref<64x128xf32, #tpu.memory_space<hbm>>) target_semaphore(%arg29 : memref<!tpu.dma_semaphore, #tpu.memory_space<semaphore_mem>>)
      "tpu.region"() ({
        %run_scoped3A = tpu.sem_alloc : memref<!tpu.dma_semaphore, #tpu.memory_space<semaphore_mem>>
        %dma_start3A_708 = arith.constant 0 : i32
        %dma_start3A_709 = tpu.memref_slice %arg6[%add3A_629, %dma_start3A_708] : memref<100x64xi32, #tpu.memory_space<vmem>> -> memref<1x64xi32, #tpu.memory_space<vmem>>
        %dma_start3A_710 = tpu.memref_squeeze %dma_start3A_709 : memref<1x64xi32, #tpu.memory_space<vmem>> -> memref<64xi32, #tpu.memory_space<vmem>>
        %dma_start3A_711 = arith.constant 0 : i32
        %dma_start3A_712 = tpu.memref_slice %arg10[%dma_start3A_711] : memref<100352xf32, #tpu.memory_space<vmem_shared>> -> memref<100352xf32, #tpu.memory_space<vmem_shared>>
        tpu.enqueue_indirect_dma source(%arg9 : memref<64xf32, #tpu.memory_space<vmem>>) target(%dma_start3A_712 : memref<100352xf32, #tpu.memory_space<vmem_shared>>) offsets(%dma_start3A_710 : memref<64xi32, #tpu.memory_space<vmem>>) semaphore(%run_scoped3A : memref<!tpu.dma_semaphore, #tpu.memory_space<semaphore_mem>>) {add = true}
        %dma_wait3A_713 = arith.constant 0 : i32
        %dma_wait3A_714 = tpu.memref_slice %arg6[%add3A_629, %dma_wait3A_713] : memref<100x64xi32, #tpu.memory_space<vmem>> -> memref<1x64xi32, #tpu.memory_space<vmem>>
        %dma_wait3A_715 = tpu.memref_squeeze %dma_wait3A_714 : memref<1x64xi32, #tpu.memory_space<vmem>> -> memref<64xi32, #tpu.memory_space<vmem>>
        %dma_wait3A_716 = arith.constant 0 : i32
        %dma_wait3A_717 = tpu.memref_slice %arg10[%dma_wait3A_716] : memref<100352xf32, #tpu.memory_space<vmem_shared>> -> memref<100352xf32, #tpu.memory_space<vmem_shared>>
        tpu.wait_indirect_dma semaphore(%run_scoped3A : memref<!tpu.dma_semaphore, #tpu.memory_space<semaphore_mem>>) src(%arg9 : memref<64xf32, #tpu.memory_space<vmem>>) dst(%dma_wait3A_717 : memref<100352xf32, #tpu.memory_space<vmem_shared>>)
        tpu.yield
      }) : () -> ()
      %add3A_661 = arith.constant 10 : i32
      %add3A_662 = arith.addi %add3A_629, %add3A_661 : i32
      %lt3A_663 = arith.constant 100 : i32
      %lt3A_664 = arith.cmpi slt, %add3A_662, %lt3A_663 : i32
      %convert_element_type3A_665 = arith.extui %lt3A_664 : i1 to i32
      %cond3A_666 = arith.constant 0 : i32
      %cond3A_667 = arith.cmpi ne, %convert_element_type3A_665, %cond3A_666 : i32
      scf.if %cond3A_667 {
        %dma_wait3A_708 = arith.constant 8 : i32
        %dma_wait3A_709 = arith.constant 0 : i32
        %dma_wait3A_710 = arith.constant 0 : i32
        %dma_wait3A_711 = tpu.memref_slice %arg7[%dma_wait3A_708, %dma_wait3A_709, %dma_wait3A_710] : memref<10x64x128xf32, #tpu.memory_space<vmem>> -> memref<1x64x128xf32, #tpu.memory_space<vmem>>
        %dma_wait3A_712 = tpu.memref_squeeze %dma_wait3A_711 : memref<1x64x128xf32, #tpu.memory_space<vmem>> -> memref<64x128xf32, #tpu.memory_space<vmem>>
        %dma_wait3A_713 = arith.constant 0 : i32
        %dma_wait3A_714 = arith.constant 0 : i32
        %dma_wait3A_715 = tpu.memref_slice %arg4[%dma_wait3A_713, %dma_wait3A_714] : memref<204800x128xf32, #tpu.memory_space<hbm>> -> memref<64x128xf32, #tpu.memory_space<hbm>>
        %dma_wait3A_716 = arith.constant 0 : i32
        %dma_wait3A_717 = arith.constant 0 : i32
        %dma_wait3A_718 = tpu.memref_slice %arg4[%dma_wait3A_716, %dma_wait3A_717] : memref<204800x128xf32, #tpu.memory_space<hbm>> -> memref<64x128xf32, #tpu.memory_space<hbm>>
        %dma_wait3A_719 = arith.constant 0 : i32
        %dma_wait3A_720 = arith.constant 0 : i32
        %dma_wait3A_721 = tpu.memref_slice %arg7[%dma_wait3A_708, %dma_wait3A_719, %dma_wait3A_720] : memref<10x64x128xf32, #tpu.memory_space<vmem>> -> memref<1x64x128xf32, #tpu.memory_space<vmem>>
        %dma_wait3A_722 = tpu.memref_squeeze %dma_wait3A_721 : memref<1x64x128xf32, #tpu.memory_space<vmem>> -> memref<64x128xf32, #tpu.memory_space<vmem>>
        tpu.wait_dma2 semaphore(%arg29 : memref<!tpu.dma_semaphore, #tpu.memory_space<semaphore_mem>>) src(%dma_wait3A_722 : memref<64x128xf32, #tpu.memory_space<vmem>>) dst(%dma_wait3A_718 : memref<64x128xf32, #tpu.memory_space<hbm>>)
        %add3A_723 = arith.constant 10 : i32
        %add3A_724 = arith.addi %add3A_629, %add3A_723 : i32
        %dma_start3A_725 = arith.constant 8 : i32
        %dma_start3A_726 = arith.constant 0 : i32
        %dma_start3A_727 = arith.constant 0 : i32
        %dma_start3A_728 = tpu.memref_slice %arg7[%dma_start3A_725, %dma_start3A_726, %dma_start3A_727] : memref<10x64x128xf32, #tpu.memory_space<vmem>> -> memref<1x64x128xf32, #tpu.memory_space<vmem>>
        %dma_start3A_729 = tpu.memref_squeeze %dma_start3A_728 : memref<1x64x128xf32, #tpu.memory_space<vmem>> -> memref<64x128xf32, #tpu.memory_space<vmem>>
        %dma_start3A_730 = arith.constant 0 : i32
        %dma_start3A_731 = tpu.memref_slice %arg6[%add3A_724, %dma_start3A_730] : memref<100x64xi32, #tpu.memory_space<vmem>> -> memref<1x64xi32, #tpu.memory_space<vmem>>
        %dma_start3A_732 = tpu.memref_squeeze %dma_start3A_731 : memref<1x64xi32, #tpu.memory_space<vmem>> -> memref<64xi32, #tpu.memory_space<vmem>>
        %dma_start3A_733 = arith.constant 0 : i32
        %dma_start3A_734 = arith.constant 0 : i32
        %dma_start3A_735 = tpu.memref_slice %arg3[%dma_start3A_733, %dma_start3A_734] : memref<100000x128xf32, #tpu.memory_space<hbm>> -> memref<100000x128xf32, #tpu.memory_space<hbm>>
        tpu.enqueue_indirect_dma source(%dma_start3A_735 : memref<100000x128xf32, #tpu.memory_space<hbm>>) target(%dma_start3A_729 : memref<64x128xf32, #tpu.memory_space<vmem>>) offsets(%dma_start3A_732 : memref<64xi32, #tpu.memory_space<vmem>>) semaphore(%arg19 : memref<!tpu.dma_semaphore, #tpu.memory_space<semaphore_mem>>)
      } else {
      }
      %add3A_668 = arith.constant 9 : i32
      %add3A_669 = arith.addi %mul3A_308, %add3A_668 : i32
      %dma_wait3A_670 = arith.constant 9 : i32
      %dma_wait3A_671 = arith.constant 0 : i32
      %dma_wait3A_672 = arith.constant 0 : i32
      %dma_wait3A_673 = tpu.memref_slice %arg7[%dma_wait3A_670, %dma_wait3A_671, %dma_wait3A_672] : memref<10x64x128xf32, #tpu.memory_space<vmem>> -> memref<1x64x128xf32, #tpu.memory_space<vmem>>
      %dma_wait3A_674 = tpu.memref_squeeze %dma_wait3A_673 : memref<1x64x128xf32, #tpu.memory_space<vmem>> -> memref<64x128xf32, #tpu.memory_space<vmem>>
      %dma_wait3A_675 = arith.constant 0 : i32
      %dma_wait3A_676 = arith.constant 0 : i32
      %dma_wait3A_677 = tpu.memref_slice %arg3[%dma_wait3A_675, %dma_wait3A_676] : memref<100000x128xf32, #tpu.memory_space<hbm>> -> memref<64x128xf32, #tpu.memory_space<hbm>>
      %dma_wait3A_678 = arith.constant 0 : i32
      %dma_wait3A_679 = arith.constant 0 : i32
      %dma_wait3A_680 = tpu.memref_slice %arg7[%dma_wait3A_670, %dma_wait3A_678, %dma_wait3A_679] : memref<10x64x128xf32, #tpu.memory_space<vmem>> -> memref<1x64x128xf32, #tpu.memory_space<vmem>>
      %dma_wait3A_681 = tpu.memref_squeeze %dma_wait3A_680 : memref<1x64x128xf32, #tpu.memory_space<vmem>> -> memref<64x128xf32, #tpu.memory_space<vmem>>
      %dma_wait3A_682 = arith.constant 0 : i32
      %dma_wait3A_683 = arith.constant 0 : i32
      %dma_wait3A_684 = tpu.memref_slice %arg3[%dma_wait3A_682, %dma_wait3A_683] : memref<100000x128xf32, #tpu.memory_space<hbm>> -> memref<64x128xf32, #tpu.memory_space<hbm>>
      tpu.wait_dma2 semaphore(%arg20 : memref<!tpu.dma_semaphore, #tpu.memory_space<semaphore_mem>>) src(%dma_wait3A_684 : memref<64x128xf32, #tpu.memory_space<hbm>>) dst(%dma_wait3A_681 : memref<64x128xf32, #tpu.memory_space<vmem>>)
      %mul3A_685 = arith.constant 64 : i32
      %mul3A_686 = arith.muli %add3A_669, %mul3A_685 : i32
      %add3A_687 = arith.addi %mul3A_2, %mul3A_686 : i32
      %dma_start3A_688 = arith.constant 9 : i32
      %dma_start3A_689 = arith.constant 0 : i32
      %dma_start3A_690 = arith.constant 0 : i32
      %dma_start3A_691 = tpu.memref_slice %arg7[%dma_start3A_688, %dma_start3A_689, %dma_start3A_690] : memref<10x64x128xf32, #tpu.memory_space<vmem>> -> memref<1x64x128xf32, #tpu.memory_space<vmem>>
      %dma_start3A_692 = tpu.memref_squeeze %dma_start3A_691 : memref<1x64x128xf32, #tpu.memory_space<vmem>> -> memref<64x128xf32, #tpu.memory_space<vmem>>
      %dma_start3A_693 = arith.constant 0 : i32
      %dma_start3A_694 = tpu.memref_slice %arg4[%add3A_687, %dma_start3A_693] : memref<204800x128xf32, #tpu.memory_space<hbm>> -> memref<64x128xf32, #tpu.memory_space<hbm>>
      %dma_start3A_695 = arith.constant 0 : i32
      %dma_start3A_696 = tpu.memref_slice %arg4[%add3A_687, %dma_start3A_695] : memref<204800x128xf32, #tpu.memory_space<hbm>> -> memref<64x128xf32, #tpu.memory_space<hbm>>
      %dma_start3A_697 = arith.constant 0 : i32
      %dma_start3A_698 = arith.constant 0 : i32
      %dma_start3A_699 = tpu.memref_slice %arg7[%dma_start3A_688, %dma_start3A_697, %dma_start3A_698] : memref<10x64x128xf32, #tpu.memory_space<vmem>> -> memref<1x64x128xf32, #tpu.memory_space<vmem>>
      %dma_start3A_700 = tpu.memref_squeeze %dma_start3A_699 : memref<1x64x128xf32, #tpu.memory_space<vmem>> -> memref<64x128xf32, #tpu.memory_space<vmem>>
      tpu.enqueue_dma source(%dma_start3A_700 : memref<64x128xf32, #tpu.memory_space<vmem>>) target(%dma_start3A_696 : memref<64x128xf32, #tpu.memory_space<hbm>>) target_semaphore(%arg30 : memref<!tpu.dma_semaphore, #tpu.memory_space<semaphore_mem>>)
      "tpu.region"() ({
        %run_scoped3A = tpu.sem_alloc : memref<!tpu.dma_semaphore, #tpu.memory_space<semaphore_mem>>
        %dma_start3A_708 = arith.constant 0 : i32
        %dma_start3A_709 = tpu.memref_slice %arg6[%add3A_669, %dma_start3A_708] : memref<100x64xi32, #tpu.memory_space<vmem>> -> memref<1x64xi32, #tpu.memory_space<vmem>>
        %dma_start3A_710 = tpu.memref_squeeze %dma_start3A_709 : memref<1x64xi32, #tpu.memory_space<vmem>> -> memref<64xi32, #tpu.memory_space<vmem>>
        %dma_start3A_711 = arith.constant 0 : i32
        %dma_start3A_712 = tpu.memref_slice %arg10[%dma_start3A_711] : memref<100352xf32, #tpu.memory_space<vmem_shared>> -> memref<100352xf32, #tpu.memory_space<vmem_shared>>
        tpu.enqueue_indirect_dma source(%arg9 : memref<64xf32, #tpu.memory_space<vmem>>) target(%dma_start3A_712 : memref<100352xf32, #tpu.memory_space<vmem_shared>>) offsets(%dma_start3A_710 : memref<64xi32, #tpu.memory_space<vmem>>) semaphore(%run_scoped3A : memref<!tpu.dma_semaphore, #tpu.memory_space<semaphore_mem>>) {add = true}
        %dma_wait3A_713 = arith.constant 0 : i32
        %dma_wait3A_714 = tpu.memref_slice %arg6[%add3A_669, %dma_wait3A_713] : memref<100x64xi32, #tpu.memory_space<vmem>> -> memref<1x64xi32, #tpu.memory_space<vmem>>
        %dma_wait3A_715 = tpu.memref_squeeze %dma_wait3A_714 : memref<1x64xi32, #tpu.memory_space<vmem>> -> memref<64xi32, #tpu.memory_space<vmem>>
        %dma_wait3A_716 = arith.constant 0 : i32
        %dma_wait3A_717 = tpu.memref_slice %arg10[%dma_wait3A_716] : memref<100352xf32, #tpu.memory_space<vmem_shared>> -> memref<100352xf32, #tpu.memory_space<vmem_shared>>
        tpu.wait_indirect_dma semaphore(%run_scoped3A : memref<!tpu.dma_semaphore, #tpu.memory_space<semaphore_mem>>) src(%arg9 : memref<64xf32, #tpu.memory_space<vmem>>) dst(%dma_wait3A_717 : memref<100352xf32, #tpu.memory_space<vmem_shared>>)
        tpu.yield
      }) : () -> ()
      %add3A_701 = arith.constant 10 : i32
      %add3A_702 = arith.addi %add3A_669, %add3A_701 : i32
      %lt3A_703 = arith.constant 100 : i32
      %lt3A_704 = arith.cmpi slt, %add3A_702, %lt3A_703 : i32
      %convert_element_type3A_705 = arith.extui %lt3A_704 : i1 to i32
      %cond3A_706 = arith.constant 0 : i32
      %cond3A_707 = arith.cmpi ne, %convert_element_type3A_705, %cond3A_706 : i32
      scf.if %cond3A_707 {
        %dma_wait3A_708 = arith.constant 9 : i32
        %dma_wait3A_709 = arith.constant 0 : i32
        %dma_wait3A_710 = arith.constant 0 : i32
        %dma_wait3A_711 = tpu.memref_slice %arg7[%dma_wait3A_708, %dma_wait3A_709, %dma_wait3A_710] : memref<10x64x128xf32, #tpu.memory_space<vmem>> -> memref<1x64x128xf32, #tpu.memory_space<vmem>>
        %dma_wait3A_712 = tpu.memref_squeeze %dma_wait3A_711 : memref<1x64x128xf32, #tpu.memory_space<vmem>> -> memref<64x128xf32, #tpu.memory_space<vmem>>
        %dma_wait3A_713 = arith.constant 0 : i32
        %dma_wait3A_714 = arith.constant 0 : i32
        %dma_wait3A_715 = tpu.memref_slice %arg4[%dma_wait3A_713, %dma_wait3A_714] : memref<204800x128xf32, #tpu.memory_space<hbm>> -> memref<64x128xf32, #tpu.memory_space<hbm>>
        %dma_wait3A_716 = arith.constant 0 : i32
        %dma_wait3A_717 = arith.constant 0 : i32
        %dma_wait3A_718 = tpu.memref_slice %arg4[%dma_wait3A_716, %dma_wait3A_717] : memref<204800x128xf32, #tpu.memory_space<hbm>> -> memref<64x128xf32, #tpu.memory_space<hbm>>
        %dma_wait3A_719 = arith.constant 0 : i32
        %dma_wait3A_720 = arith.constant 0 : i32
        %dma_wait3A_721 = tpu.memref_slice %arg7[%dma_wait3A_708, %dma_wait3A_719, %dma_wait3A_720] : memref<10x64x128xf32, #tpu.memory_space<vmem>> -> memref<1x64x128xf32, #tpu.memory_space<vmem>>
        %dma_wait3A_722 = tpu.memref_squeeze %dma_wait3A_721 : memref<1x64x128xf32, #tpu.memory_space<vmem>> -> memref<64x128xf32, #tpu.memory_space<vmem>>
        tpu.wait_dma2 semaphore(%arg30 : memref<!tpu.dma_semaphore, #tpu.memory_space<semaphore_mem>>) src(%dma_wait3A_722 : memref<64x128xf32, #tpu.memory_space<vmem>>) dst(%dma_wait3A_718 : memref<64x128xf32, #tpu.memory_space<hbm>>)
        %add3A_723 = arith.constant 10 : i32
        %add3A_724 = arith.addi %add3A_669, %add3A_723 : i32
        %dma_start3A_725 = arith.constant 9 : i32
        %dma_start3A_726 = arith.constant 0 : i32
        %dma_start3A_727 = arith.constant 0 : i32
        %dma_start3A_728 = tpu.memref_slice %arg7[%dma_start3A_725, %dma_start3A_726, %dma_start3A_727] : memref<10x64x128xf32, #tpu.memory_space<vmem>> -> memref<1x64x128xf32, #tpu.memory_space<vmem>>
        %dma_start3A_729 = tpu.memref_squeeze %dma_start3A_728 : memref<1x64x128xf32, #tpu.memory_space<vmem>> -> memref<64x128xf32, #tpu.memory_space<vmem>>
        %dma_start3A_730 = arith.constant 0 : i32
        %dma_start3A_731 = tpu.memref_slice %arg6[%add3A_724, %dma_start3A_730] : memref<100x64xi32, #tpu.memory_space<vmem>> -> memref<1x64xi32, #tpu.memory_space<vmem>>
        %dma_start3A_732 = tpu.memref_squeeze %dma_start3A_731 : memref<1x64xi32, #tpu.memory_space<vmem>> -> memref<64xi32, #tpu.memory_space<vmem>>
        %dma_start3A_733 = arith.constant 0 : i32
        %dma_start3A_734 = arith.constant 0 : i32
        %dma_start3A_735 = tpu.memref_slice %arg3[%dma_start3A_733, %dma_start3A_734] : memref<100000x128xf32, #tpu.memory_space<hbm>> -> memref<100000x128xf32, #tpu.memory_space<hbm>>
        tpu.enqueue_indirect_dma source(%dma_start3A_735 : memref<100000x128xf32, #tpu.memory_space<hbm>>) target(%dma_start3A_729 : memref<64x128xf32, #tpu.memory_space<vmem>>) offsets(%dma_start3A_732 : memref<64xi32, #tpu.memory_space<vmem>>) semaphore(%arg20 : memref<!tpu.dma_semaphore, #tpu.memory_space<semaphore_mem>>)
      } else {
      }
    }
    %scan3A_150 = arith.constant 10 : i32
    %barrier3A_151 = arith.constant 0 : index
    tpu.barrier barrier_id(%barrier3A_151)
    %eq3A_152 = arith.constant 0 : i32
    %eq3A_153 = arith.cmpi eq, %arg1, %eq3A_152 : i32
    %convert_element_type3A_154 = arith.extui %eq3A_153 : i1 to i32
    %cond3A_155 = arith.constant 0 : i32
    %cond3A_156 = arith.cmpi ne, %convert_element_type3A_154, %cond3A_155 : i32
    scf.if %cond3A_156 {
      "tpu.region"() ({
        %run_scoped3A = tpu.sem_alloc : memref<!tpu.dma_semaphore, #tpu.memory_space<semaphore_mem>>
        %dma_start3A_306 = arith.constant 0 : i32
        %dma_start3A_307 = tpu.memref_slice %arg5[%arg0, %dma_start3A_306] : memref<2x100352xf32, #tpu.memory_space<hbm>> -> memref<1x100352xf32, #tpu.memory_space<hbm>>
        %dma_start3A_308 = tpu.memref_squeeze %dma_start3A_307 : memref<1x100352xf32, #tpu.memory_space<hbm>> -> memref<100352xf32, #tpu.memory_space<hbm>>
        tpu.enqueue_dma source(%arg10 : memref<100352xf32, #tpu.memory_space<vmem_shared>>) target(%dma_start3A_308 : memref<100352xf32, #tpu.memory_space<hbm>>) target_semaphore(%run_scoped3A : memref<!tpu.dma_semaphore, #tpu.memory_space<semaphore_mem>>)
        %dma_wait3A_309 = arith.constant 0 : i32
        %dma_wait3A_310 = tpu.memref_slice %arg5[%arg0, %dma_wait3A_309] : memref<2x100352xf32, #tpu.memory_space<hbm>> -> memref<1x100352xf32, #tpu.memory_space<hbm>>
        %dma_wait3A_311 = tpu.memref_squeeze %dma_wait3A_310 : memref<1x100352xf32, #tpu.memory_space<hbm>> -> memref<100352xf32, #tpu.memory_space<hbm>>
        tpu.wait_dma2 semaphore(%run_scoped3A : memref<!tpu.dma_semaphore, #tpu.memory_space<semaphore_mem>>) src(%arg10 : memref<100352xf32, #tpu.memory_space<vmem_shared>>) dst(%dma_wait3A_311 : memref<100352xf32, #tpu.memory_space<hbm>>)
        tpu.yield
      }) : () -> ()
    } else {
    }
    %dma_wait3A = arith.constant 0 : i32
    %dma_wait3A_157 = arith.constant 0 : i32
    %dma_wait3A_158 = arith.constant 0 : i32
    %dma_wait3A_159 = tpu.memref_slice %arg7[%dma_wait3A, %dma_wait3A_157, %dma_wait3A_158] : memref<10x64x128xf32, #tpu.memory_space<vmem>> -> memref<1x64x128xf32, #tpu.memory_space<vmem>>
    %dma_wait3A_160 = tpu.memref_squeeze %dma_wait3A_159 : memref<1x64x128xf32, #tpu.memory_space<vmem>> -> memref<64x128xf32, #tpu.memory_space<vmem>>
    %dma_wait3A_161 = arith.constant 0 : i32
    %dma_wait3A_162 = arith.constant 0 : i32
    %dma_wait3A_163 = tpu.memref_slice %arg4[%dma_wait3A_161, %dma_wait3A_162] : memref<204800x128xf32, #tpu.memory_space<hbm>> -> memref<64x128xf32, #tpu.memory_space<hbm>>
    %dma_wait3A_164 = arith.constant 0 : i32
    %dma_wait3A_165 = arith.constant 0 : i32
    %dma_wait3A_166 = tpu.memref_slice %arg4[%dma_wait3A_164, %dma_wait3A_165] : memref<204800x128xf32, #tpu.memory_space<hbm>> -> memref<64x128xf32, #tpu.memory_space<hbm>>
    %dma_wait3A_167 = arith.constant 0 : i32
    %dma_wait3A_168 = arith.constant 0 : i32
    %dma_wait3A_169 = tpu.memref_slice %arg7[%dma_wait3A, %dma_wait3A_167, %dma_wait3A_168] : memref<10x64x128xf32, #tpu.memory_space<vmem>> -> memref<1x64x128xf32, #tpu.memory_space<vmem>>
    %dma_wait3A_170 = tpu.memref_squeeze %dma_wait3A_169 : memref<1x64x128xf32, #tpu.memory_space<vmem>> -> memref<64x128xf32, #tpu.memory_space<vmem>>
    tpu.wait_dma2 semaphore(%arg21 : memref<!tpu.dma_semaphore, #tpu.memory_space<semaphore_mem>>) src(%dma_wait3A_170 : memref<64x128xf32, #tpu.memory_space<vmem>>) dst(%dma_wait3A_166 : memref<64x128xf32, #tpu.memory_space<hbm>>)
    %dma_wait3A_171 = arith.constant 1 : i32
    %dma_wait3A_172 = arith.constant 0 : i32
    %dma_wait3A_173 = arith.constant 0 : i32
    %dma_wait3A_174 = tpu.memref_slice %arg7[%dma_wait3A_171, %dma_wait3A_172, %dma_wait3A_173] : memref<10x64x128xf32, #tpu.memory_space<vmem>> -> memref<1x64x128xf32, #tpu.memory_space<vmem>>
    %dma_wait3A_175 = tpu.memref_squeeze %dma_wait3A_174 : memref<1x64x128xf32, #tpu.memory_space<vmem>> -> memref<64x128xf32, #tpu.memory_space<vmem>>
    %dma_wait3A_176 = arith.constant 0 : i32
    %dma_wait3A_177 = arith.constant 0 : i32
    %dma_wait3A_178 = tpu.memref_slice %arg4[%dma_wait3A_176, %dma_wait3A_177] : memref<204800x128xf32, #tpu.memory_space<hbm>> -> memref<64x128xf32, #tpu.memory_space<hbm>>
    %dma_wait3A_179 = arith.constant 0 : i32
    %dma_wait3A_180 = arith.constant 0 : i32
    %dma_wait3A_181 = tpu.memref_slice %arg4[%dma_wait3A_179, %dma_wait3A_180] : memref<204800x128xf32, #tpu.memory_space<hbm>> -> memref<64x128xf32, #tpu.memory_space<hbm>>
    %dma_wait3A_182 = arith.constant 0 : i32
    %dma_wait3A_183 = arith.constant 0 : i32
    %dma_wait3A_184 = tpu.memref_slice %arg7[%dma_wait3A_171, %dma_wait3A_182, %dma_wait3A_183] : memref<10x64x128xf32, #tpu.memory_space<vmem>> -> memref<1x64x128xf32, #tpu.memory_space<vmem>>
    %dma_wait3A_185 = tpu.memref_squeeze %dma_wait3A_184 : memref<1x64x128xf32, #tpu.memory_space<vmem>> -> memref<64x128xf32, #tpu.memory_space<vmem>>
    tpu.wait_dma2 semaphore(%arg22 : memref<!tpu.dma_semaphore, #tpu.memory_space<semaphore_mem>>) src(%dma_wait3A_185 : memref<64x128xf32, #tpu.memory_space<vmem>>) dst(%dma_wait3A_181 : memref<64x128xf32, #tpu.memory_space<hbm>>)
    %dma_wait3A_186 = arith.constant 2 : i32
    %dma_wait3A_187 = arith.constant 0 : i32
    %dma_wait3A_188 = arith.constant 0 : i32
    %dma_wait3A_189 = tpu.memref_slice %arg7[%dma_wait3A_186, %dma_wait3A_187, %dma_wait3A_188] : memref<10x64x128xf32, #tpu.memory_space<vmem>> -> memref<1x64x128xf32, #tpu.memory_space<vmem>>
    %dma_wait3A_190 = tpu.memref_squeeze %dma_wait3A_189 : memref<1x64x128xf32, #tpu.memory_space<vmem>> -> memref<64x128xf32, #tpu.memory_space<vmem>>
    %dma_wait3A_191 = arith.constant 0 : i32
    %dma_wait3A_192 = arith.constant 0 : i32
    %dma_wait3A_193 = tpu.memref_slice %arg4[%dma_wait3A_191, %dma_wait3A_192] : memref<204800x128xf32, #tpu.memory_space<hbm>> -> memref<64x128xf32, #tpu.memory_space<hbm>>
    %dma_wait3A_194 = arith.constant 0 : i32
    %dma_wait3A_195 = arith.constant 0 : i32
    %dma_wait3A_196 = tpu.memref_slice %arg4[%dma_wait3A_194, %dma_wait3A_195] : memref<204800x128xf32, #tpu.memory_space<hbm>> -> memref<64x128xf32, #tpu.memory_space<hbm>>
    %dma_wait3A_197 = arith.constant 0 : i32
    %dma_wait3A_198 = arith.constant 0 : i32
    %dma_wait3A_199 = tpu.memref_slice %arg7[%dma_wait3A_186, %dma_wait3A_197, %dma_wait3A_198] : memref<10x64x128xf32, #tpu.memory_space<vmem>> -> memref<1x64x128xf32, #tpu.memory_space<vmem>>
    %dma_wait3A_200 = tpu.memref_squeeze %dma_wait3A_199 : memref<1x64x128xf32, #tpu.memory_space<vmem>> -> memref<64x128xf32, #tpu.memory_space<vmem>>
    tpu.wait_dma2 semaphore(%arg23 : memref<!tpu.dma_semaphore, #tpu.memory_space<semaphore_mem>>) src(%dma_wait3A_200 : memref<64x128xf32, #tpu.memory_space<vmem>>) dst(%dma_wait3A_196 : memref<64x128xf32, #tpu.memory_space<hbm>>)
    %dma_wait3A_201 = arith.constant 3 : i32
    %dma_wait3A_202 = arith.constant 0 : i32
    %dma_wait3A_203 = arith.constant 0 : i32
    %dma_wait3A_204 = tpu.memref_slice %arg7[%dma_wait3A_201, %dma_wait3A_202, %dma_wait3A_203] : memref<10x64x128xf32, #tpu.memory_space<vmem>> -> memref<1x64x128xf32, #tpu.memory_space<vmem>>
    %dma_wait3A_205 = tpu.memref_squeeze %dma_wait3A_204 : memref<1x64x128xf32, #tpu.memory_space<vmem>> -> memref<64x128xf32, #tpu.memory_space<vmem>>
    %dma_wait3A_206 = arith.constant 0 : i32
    %dma_wait3A_207 = arith.constant 0 : i32
    %dma_wait3A_208 = tpu.memref_slice %arg4[%dma_wait3A_206, %dma_wait3A_207] : memref<204800x128xf32, #tpu.memory_space<hbm>> -> memref<64x128xf32, #tpu.memory_space<hbm>>
    %dma_wait3A_209 = arith.constant 0 : i32
    %dma_wait3A_210 = arith.constant 0 : i32
    %dma_wait3A_211 = tpu.memref_slice %arg4[%dma_wait3A_209, %dma_wait3A_210] : memref<204800x128xf32, #tpu.memory_space<hbm>> -> memref<64x128xf32, #tpu.memory_space<hbm>>
    %dma_wait3A_212 = arith.constant 0 : i32
    %dma_wait3A_213 = arith.constant 0 : i32
    %dma_wait3A_214 = tpu.memref_slice %arg7[%dma_wait3A_201, %dma_wait3A_212, %dma_wait3A_213] : memref<10x64x128xf32, #tpu.memory_space<vmem>> -> memref<1x64x128xf32, #tpu.memory_space<vmem>>
    %dma_wait3A_215 = tpu.memref_squeeze %dma_wait3A_214 : memref<1x64x128xf32, #tpu.memory_space<vmem>> -> memref<64x128xf32, #tpu.memory_space<vmem>>
    tpu.wait_dma2 semaphore(%arg24 : memref<!tpu.dma_semaphore, #tpu.memory_space<semaphore_mem>>) src(%dma_wait3A_215 : memref<64x128xf32, #tpu.memory_space<vmem>>) dst(%dma_wait3A_211 : memref<64x128xf32, #tpu.memory_space<hbm>>)
    %dma_wait3A_216 = arith.constant 4 : i32
    %dma_wait3A_217 = arith.constant 0 : i32
    %dma_wait3A_218 = arith.constant 0 : i32
    %dma_wait3A_219 = tpu.memref_slice %arg7[%dma_wait3A_216, %dma_wait3A_217, %dma_wait3A_218] : memref<10x64x128xf32, #tpu.memory_space<vmem>> -> memref<1x64x128xf32, #tpu.memory_space<vmem>>
    %dma_wait3A_220 = tpu.memref_squeeze %dma_wait3A_219 : memref<1x64x128xf32, #tpu.memory_space<vmem>> -> memref<64x128xf32, #tpu.memory_space<vmem>>
    %dma_wait3A_221 = arith.constant 0 : i32
    %dma_wait3A_222 = arith.constant 0 : i32
    %dma_wait3A_223 = tpu.memref_slice %arg4[%dma_wait3A_221, %dma_wait3A_222] : memref<204800x128xf32, #tpu.memory_space<hbm>> -> memref<64x128xf32, #tpu.memory_space<hbm>>
    %dma_wait3A_224 = arith.constant 0 : i32
    %dma_wait3A_225 = arith.constant 0 : i32
    %dma_wait3A_226 = tpu.memref_slice %arg4[%dma_wait3A_224, %dma_wait3A_225] : memref<204800x128xf32, #tpu.memory_space<hbm>> -> memref<64x128xf32, #tpu.memory_space<hbm>>
    %dma_wait3A_227 = arith.constant 0 : i32
    %dma_wait3A_228 = arith.constant 0 : i32
    %dma_wait3A_229 = tpu.memref_slice %arg7[%dma_wait3A_216, %dma_wait3A_227, %dma_wait3A_228] : memref<10x64x128xf32, #tpu.memory_space<vmem>> -> memref<1x64x128xf32, #tpu.memory_space<vmem>>
    %dma_wait3A_230 = tpu.memref_squeeze %dma_wait3A_229 : memref<1x64x128xf32, #tpu.memory_space<vmem>> -> memref<64x128xf32, #tpu.memory_space<vmem>>
    tpu.wait_dma2 semaphore(%arg25 : memref<!tpu.dma_semaphore, #tpu.memory_space<semaphore_mem>>) src(%dma_wait3A_230 : memref<64x128xf32, #tpu.memory_space<vmem>>) dst(%dma_wait3A_226 : memref<64x128xf32, #tpu.memory_space<hbm>>)
    %dma_wait3A_231 = arith.constant 5 : i32
    %dma_wait3A_232 = arith.constant 0 : i32
    %dma_wait3A_233 = arith.constant 0 : i32
    %dma_wait3A_234 = tpu.memref_slice %arg7[%dma_wait3A_231, %dma_wait3A_232, %dma_wait3A_233] : memref<10x64x128xf32, #tpu.memory_space<vmem>> -> memref<1x64x128xf32, #tpu.memory_space<vmem>>
    %dma_wait3A_235 = tpu.memref_squeeze %dma_wait3A_234 : memref<1x64x128xf32, #tpu.memory_space<vmem>> -> memref<64x128xf32, #tpu.memory_space<vmem>>
    %dma_wait3A_236 = arith.constant 0 : i32
    %dma_wait3A_237 = arith.constant 0 : i32
    %dma_wait3A_238 = tpu.memref_slice %arg4[%dma_wait3A_236, %dma_wait3A_237] : memref<204800x128xf32, #tpu.memory_space<hbm>> -> memref<64x128xf32, #tpu.memory_space<hbm>>
    %dma_wait3A_239 = arith.constant 0 : i32
    %dma_wait3A_240 = arith.constant 0 : i32
    %dma_wait3A_241 = tpu.memref_slice %arg4[%dma_wait3A_239, %dma_wait3A_240] : memref<204800x128xf32, #tpu.memory_space<hbm>> -> memref<64x128xf32, #tpu.memory_space<hbm>>
    %dma_wait3A_242 = arith.constant 0 : i32
    %dma_wait3A_243 = arith.constant 0 : i32
    %dma_wait3A_244 = tpu.memref_slice %arg7[%dma_wait3A_231, %dma_wait3A_242, %dma_wait3A_243] : memref<10x64x128xf32, #tpu.memory_space<vmem>> -> memref<1x64x128xf32, #tpu.memory_space<vmem>>
    %dma_wait3A_245 = tpu.memref_squeeze %dma_wait3A_244 : memref<1x64x128xf32, #tpu.memory_space<vmem>> -> memref<64x128xf32, #tpu.memory_space<vmem>>
    tpu.wait_dma2 semaphore(%arg26 : memref<!tpu.dma_semaphore, #tpu.memory_space<semaphore_mem>>) src(%dma_wait3A_245 : memref<64x128xf32, #tpu.memory_space<vmem>>) dst(%dma_wait3A_241 : memref<64x128xf32, #tpu.memory_space<hbm>>)
    %dma_wait3A_246 = arith.constant 6 : i32
    %dma_wait3A_247 = arith.constant 0 : i32
    %dma_wait3A_248 = arith.constant 0 : i32
    %dma_wait3A_249 = tpu.memref_slice %arg7[%dma_wait3A_246, %dma_wait3A_247, %dma_wait3A_248] : memref<10x64x128xf32, #tpu.memory_space<vmem>> -> memref<1x64x128xf32, #tpu.memory_space<vmem>>
    %dma_wait3A_250 = tpu.memref_squeeze %dma_wait3A_249 : memref<1x64x128xf32, #tpu.memory_space<vmem>> -> memref<64x128xf32, #tpu.memory_space<vmem>>
    %dma_wait3A_251 = arith.constant 0 : i32
    %dma_wait3A_252 = arith.constant 0 : i32
    %dma_wait3A_253 = tpu.memref_slice %arg4[%dma_wait3A_251, %dma_wait3A_252] : memref<204800x128xf32, #tpu.memory_space<hbm>> -> memref<64x128xf32, #tpu.memory_space<hbm>>
    %dma_wait3A_254 = arith.constant 0 : i32
    %dma_wait3A_255 = arith.constant 0 : i32
    %dma_wait3A_256 = tpu.memref_slice %arg4[%dma_wait3A_254, %dma_wait3A_255] : memref<204800x128xf32, #tpu.memory_space<hbm>> -> memref<64x128xf32, #tpu.memory_space<hbm>>
    %dma_wait3A_257 = arith.constant 0 : i32
    %dma_wait3A_258 = arith.constant 0 : i32
    %dma_wait3A_259 = tpu.memref_slice %arg7[%dma_wait3A_246, %dma_wait3A_257, %dma_wait3A_258] : memref<10x64x128xf32, #tpu.memory_space<vmem>> -> memref<1x64x128xf32, #tpu.memory_space<vmem>>
    %dma_wait3A_260 = tpu.memref_squeeze %dma_wait3A_259 : memref<1x64x128xf32, #tpu.memory_space<vmem>> -> memref<64x128xf32, #tpu.memory_space<vmem>>
    tpu.wait_dma2 semaphore(%arg27 : memref<!tpu.dma_semaphore, #tpu.memory_space<semaphore_mem>>) src(%dma_wait3A_260 : memref<64x128xf32, #tpu.memory_space<vmem>>) dst(%dma_wait3A_256 : memref<64x128xf32, #tpu.memory_space<hbm>>)
    %dma_wait3A_261 = arith.constant 7 : i32
    %dma_wait3A_262 = arith.constant 0 : i32
    %dma_wait3A_263 = arith.constant 0 : i32
    %dma_wait3A_264 = tpu.memref_slice %arg7[%dma_wait3A_261, %dma_wait3A_262, %dma_wait3A_263] : memref<10x64x128xf32, #tpu.memory_space<vmem>> -> memref<1x64x128xf32, #tpu.memory_space<vmem>>
    %dma_wait3A_265 = tpu.memref_squeeze %dma_wait3A_264 : memref<1x64x128xf32, #tpu.memory_space<vmem>> -> memref<64x128xf32, #tpu.memory_space<vmem>>
    %dma_wait3A_266 = arith.constant 0 : i32
    %dma_wait3A_267 = arith.constant 0 : i32
    %dma_wait3A_268 = tpu.memref_slice %arg4[%dma_wait3A_266, %dma_wait3A_267] : memref<204800x128xf32, #tpu.memory_space<hbm>> -> memref<64x128xf32, #tpu.memory_space<hbm>>
    %dma_wait3A_269 = arith.constant 0 : i32
    %dma_wait3A_270 = arith.constant 0 : i32
    %dma_wait3A_271 = tpu.memref_slice %arg4[%dma_wait3A_269, %dma_wait3A_270] : memref<204800x128xf32, #tpu.memory_space<hbm>> -> memref<64x128xf32, #tpu.memory_space<hbm>>
    %dma_wait3A_272 = arith.constant 0 : i32
    %dma_wait3A_273 = arith.constant 0 : i32
    %dma_wait3A_274 = tpu.memref_slice %arg7[%dma_wait3A_261, %dma_wait3A_272, %dma_wait3A_273] : memref<10x64x128xf32, #tpu.memory_space<vmem>> -> memref<1x64x128xf32, #tpu.memory_space<vmem>>
    %dma_wait3A_275 = tpu.memref_squeeze %dma_wait3A_274 : memref<1x64x128xf32, #tpu.memory_space<vmem>> -> memref<64x128xf32, #tpu.memory_space<vmem>>
    tpu.wait_dma2 semaphore(%arg28 : memref<!tpu.dma_semaphore, #tpu.memory_space<semaphore_mem>>) src(%dma_wait3A_275 : memref<64x128xf32, #tpu.memory_space<vmem>>) dst(%dma_wait3A_271 : memref<64x128xf32, #tpu.memory_space<hbm>>)
    %dma_wait3A_276 = arith.constant 8 : i32
    %dma_wait3A_277 = arith.constant 0 : i32
    %dma_wait3A_278 = arith.constant 0 : i32
    %dma_wait3A_279 = tpu.memref_slice %arg7[%dma_wait3A_276, %dma_wait3A_277, %dma_wait3A_278] : memref<10x64x128xf32, #tpu.memory_space<vmem>> -> memref<1x64x128xf32, #tpu.memory_space<vmem>>
    %dma_wait3A_280 = tpu.memref_squeeze %dma_wait3A_279 : memref<1x64x128xf32, #tpu.memory_space<vmem>> -> memref<64x128xf32, #tpu.memory_space<vmem>>
    %dma_wait3A_281 = arith.constant 0 : i32
    %dma_wait3A_282 = arith.constant 0 : i32
    %dma_wait3A_283 = tpu.memref_slice %arg4[%dma_wait3A_281, %dma_wait3A_282] : memref<204800x128xf32, #tpu.memory_space<hbm>> -> memref<64x128xf32, #tpu.memory_space<hbm>>
    %dma_wait3A_284 = arith.constant 0 : i32
    %dma_wait3A_285 = arith.constant 0 : i32
    %dma_wait3A_286 = tpu.memref_slice %arg4[%dma_wait3A_284, %dma_wait3A_285] : memref<204800x128xf32, #tpu.memory_space<hbm>> -> memref<64x128xf32, #tpu.memory_space<hbm>>
    %dma_wait3A_287 = arith.constant 0 : i32
    %dma_wait3A_288 = arith.constant 0 : i32
    %dma_wait3A_289 = tpu.memref_slice %arg7[%dma_wait3A_276, %dma_wait3A_287, %dma_wait3A_288] : memref<10x64x128xf32, #tpu.memory_space<vmem>> -> memref<1x64x128xf32, #tpu.memory_space<vmem>>
    %dma_wait3A_290 = tpu.memref_squeeze %dma_wait3A_289 : memref<1x64x128xf32, #tpu.memory_space<vmem>> -> memref<64x128xf32, #tpu.memory_space<vmem>>
    tpu.wait_dma2 semaphore(%arg29 : memref<!tpu.dma_semaphore, #tpu.memory_space<semaphore_mem>>) src(%dma_wait3A_290 : memref<64x128xf32, #tpu.memory_space<vmem>>) dst(%dma_wait3A_286 : memref<64x128xf32, #tpu.memory_space<hbm>>)
    %dma_wait3A_291 = arith.constant 9 : i32
    %dma_wait3A_292 = arith.constant 0 : i32
    %dma_wait3A_293 = arith.constant 0 : i32
    %dma_wait3A_294 = tpu.memref_slice %arg7[%dma_wait3A_291, %dma_wait3A_292, %dma_wait3A_293] : memref<10x64x128xf32, #tpu.memory_space<vmem>> -> memref<1x64x128xf32, #tpu.memory_space<vmem>>
    %dma_wait3A_295 = tpu.memref_squeeze %dma_wait3A_294 : memref<1x64x128xf32, #tpu.memory_space<vmem>> -> memref<64x128xf32, #tpu.memory_space<vmem>>
    %dma_wait3A_296 = arith.constant 0 : i32
    %dma_wait3A_297 = arith.constant 0 : i32
    %dma_wait3A_298 = tpu.memref_slice %arg4[%dma_wait3A_296, %dma_wait3A_297] : memref<204800x128xf32, #tpu.memory_space<hbm>> -> memref<64x128xf32, #tpu.memory_space<hbm>>
    %dma_wait3A_299 = arith.constant 0 : i32
    %dma_wait3A_300 = arith.constant 0 : i32
    %dma_wait3A_301 = tpu.memref_slice %arg4[%dma_wait3A_299, %dma_wait3A_300] : memref<204800x128xf32, #tpu.memory_space<hbm>> -> memref<64x128xf32, #tpu.memory_space<hbm>>
    %dma_wait3A_302 = arith.constant 0 : i32
    %dma_wait3A_303 = arith.constant 0 : i32
    %dma_wait3A_304 = tpu.memref_slice %arg7[%dma_wait3A_291, %dma_wait3A_302, %dma_wait3A_303] : memref<10x64x128xf32, #tpu.memory_space<vmem>> -> memref<1x64x128xf32, #tpu.memory_space<vmem>>
    %dma_wait3A_305 = tpu.memref_squeeze %dma_wait3A_304 : memref<1x64x128xf32, #tpu.memory_space<vmem>> -> memref<64x128xf32, #tpu.memory_space<vmem>>
    tpu.wait_dma2 semaphore(%arg30 : memref<!tpu.dma_semaphore, #tpu.memory_space<semaphore_mem>>) src(%dma_wait3A_305 : memref<64x128xf32, #tpu.memory_space<vmem>>) dst(%dma_wait3A_301 : memref<64x128xf32, #tpu.memory_space<hbm>>)
    return
  }
}

module attributes {stable_mosaic.version = 14 : i64} {
  func.func @_lse_body(%arg0: i32, %arg1: memref<2048x128xf32, #tpu.memory_space<vmem>>, %arg2: memref<2048xf32, #tpu.memory_space<vmem>>, %arg3: memref<262144xf32, #tpu.memory_space<vmem>>) attributes {dimension_semantics = [#tpu.dimension_semantics<arbitrary>], iteration_bounds = array<i64: 49>, scalar_prefetch = 0 : i64, scratch_operands = 0 : i64, tpu.core_type = #tpu.core_type<tc>, window_params = [{transform_indices = @transform_0, window_bounds = array<i64: 2048, 128>}, {transform_indices = @transform_1, window_bounds = array<i64: 2048>}, {transform_indices = @transform_2, window_bounds = array<i64: 262144>}]} {
    %get3A = arith.constant 0 : index
    %get3A_0 = arith.constant 0 : index
    %get3A_1 = vector.load %arg1[%get3A, %get3A_0] : memref<2048x128xf32, #tpu.memory_space<vmem>>, vector<2048x128xf32>
    %exp3A = math.exp %get3A_1 : vector<2048x128xf32>
    %broadcast_in_dim3A = arith.constant 1.000000e+00 : f32
    %broadcast_in_dim3A_2 = vector.broadcast %broadcast_in_dim3A : f32 to vector<128x8xf32>
    %dot_general3A = arith.constant dense<0.000000e+00> : vector<2048x8xf32>
    %dot_general3A_3 = tpu.matmul %exp3A, %broadcast_in_dim3A_2, %dot_general3A {dimension_numbers = #tpu.dot_dimension_numbers<[1], [0], [0], [1], [0, 0, 1, 1], [], []>, transpose_lhs_hint = false} : vector<2048x128xf32>, vector<128x8xf32>, vector<2048x8xf32> -> vector<2048x8xf32>
    %slice3A = vector.extract_strided_slice %dot_general3A_3 {offsets = [0, 0], sizes = [2048, 1], strides = [1, 1]} : vector<2048x8xf32> to vector<2048x1xf32>
    %squeeze3A = vector.shape_cast %slice3A : vector<2048x1xf32> to vector<2048xf32>
    %log3A = math.log %squeeze3A : vector<2048xf32>
    %swap3A = arith.constant 0 : index
    %swap3A_4 = vector.load %arg2[%swap3A] : memref<2048xf32, #tpu.memory_space<vmem>>, vector<2048xf32>
    tpu.vector_store %arg2[%swap3A], %log3A {strides = array<i32>} : memref<2048xf32, #tpu.memory_space<vmem>>, vector<2048xf32>,
    %reshape3A = vector.shape_cast %get3A_1 : vector<2048x128xf32> to vector<262144xf32>
    %swap3A_5 = arith.constant 0 : index
    %swap3A_6 = vector.load %arg3[%swap3A_5] : memref<262144xf32, #tpu.memory_space<vmem>>, vector<262144xf32>
    tpu.vector_store %arg3[%swap3A_5], %reshape3A {strides = array<i32>} : memref<262144xf32, #tpu.memory_space<vmem>>, vector<262144xf32>,
    return
  }
  func.func @transform_0(%arg0: i32) -> (i32, i32) {
    %c0_i32 = arith.constant 0 : i32
    %c0_i32_0 = arith.constant 0 : i32
    return %arg0, %c0_i32 : i32, i32
  }
  func.func @transform_1(%arg0: i32) -> i32 {
    %c0_i32 = arith.constant 0 : i32
    return %arg0 : i32
  }
  func.func @transform_2(%arg0: i32) -> i32 {
    %c0_i32 = arith.constant 0 : i32
    return %arg0 : i32
  }
}

module attributes {stable_mosaic.version = 14 : i64} {
  func.func @_final_body(%arg0: memref<784x128xf32, #tpu.memory_space<vmem>>, %arg1: memref<1568x128xf32, #tpu.memory_space<vmem>>, %arg2: memref<1600x128xf32, #tpu.memory_space<vmem>>, %arg3: memref<1x1xf32, #tpu.memory_space<smem>>) attributes {dimension_semantics = [], scalar_prefetch = 0 : i64, scratch_operands = 0 : i64, tpu.core_type = #tpu.core_type<tc>} {
    %get3A = arith.constant 0 : index
    %get3A_0 = arith.constant 0 : index
    %get3A_1 = vector.load %arg1[%get3A, %get3A_0] : memref<1568x128xf32, #tpu.memory_space<vmem>>, vector<784x128xf32>
    %get3A_2 = arith.constant 784 : index
    %get3A_3 = arith.constant 0 : index
    %get3A_4 = vector.load %arg1[%get3A_2, %get3A_3] : memref<1568x128xf32, #tpu.memory_space<vmem>>, vector<784x128xf32>
    %add3A = arith.addf %get3A_1, %get3A_4 : vector<784x128xf32>
    %get3A_5 = arith.constant 0 : index
    %get3A_6 = arith.constant 0 : index
    %get3A_7 = vector.load %arg0[%get3A_5, %get3A_6] : memref<784x128xf32, #tpu.memory_space<vmem>>, vector<784x128xf32>
    %gt3A = arith.constant 0.000000e+00 : f32
    %gt3A_8 = vector.broadcast %gt3A : f32 to vector<784x128xf32>
    %gt3A_9 = arith.cmpf ogt, %add3A, %gt3A_8 : vector<784x128xf32>
    %mul3A = arith.mulf %add3A, %get3A_7 : vector<784x128xf32>
    %jit3A = arith.constant 0.000000e+00 : f32
    %broadcast_in_dim3A = vector.broadcast %jit3A : f32 to vector<784x128xf32>
    %select_n3A = arith.select %gt3A_9, %mul3A, %broadcast_in_dim3A : vector<784x128xi1>, vector<784x128xf32>
    %reduce_sum3A = vector.shape_cast %select_n3A : vector<784x128xf32> to vector<1x784x128xf32>
    %reduce_sum3A_10 = arith.constant dense<0.000000e+00> : vector<1xf32>
    %reduce_sum3A_11 = vector.multi_reduction <add>, %reduce_sum3A, %reduce_sum3A_10 [1, 2] : vector<1x784x128xf32> to vector<1xf32>
    %reduce_sum3A_12 = vector.shape_cast %reduce_sum3A_11 : vector<1xf32> to vector<1x1x1xf32>
    %reduce_sum3A_13 = vector.extract %reduce_sum3A_12[0, 0, 0] : f32 from vector<1x1x1xf32>
    %get3A_14 = arith.constant 0 : index
    %get3A_15 = arith.constant 0 : index
    %get3A_16 = vector.load %arg2[%get3A_14, %get3A_15] : memref<1600x128xf32, #tpu.memory_space<vmem>>, vector<1600x128xf32>
    %reduce_sum3A_17 = vector.shape_cast %get3A_16 : vector<1600x128xf32> to vector<1x1600x128xf32>
    %reduce_sum3A_18 = arith.constant dense<0.000000e+00> : vector<1xf32>
    %reduce_sum3A_19 = vector.multi_reduction <add>, %reduce_sum3A_17, %reduce_sum3A_18 [1, 2] : vector<1x1600x128xf32> to vector<1xf32>
    %reduce_sum3A_20 = vector.shape_cast %reduce_sum3A_19 : vector<1xf32> to vector<1x1x1xf32>
    %reduce_sum3A_21 = vector.extract %reduce_sum3A_20[0, 0, 0] : f32 from vector<1x1x1xf32>
    %sub3A = arith.subf %reduce_sum3A_13, %reduce_sum3A_21 : f32
    %div3A = arith.constant 2.048000e+05 : f32
    %div3A_22 = arith.divf %sub3A, %div3A : f32
    %swap3A = arith.constant 0 : index
    %swap3A_23 = arith.constant 0 : index
    %swap3A_24 = memref.load %arg3[%swap3A, %swap3A_23] : memref<1x1xf32, #tpu.memory_space<smem>>
    memref.store %div3A_22, %arg3[%swap3A, %swap3A_23] : memref<1x1xf32, #tpu.memory_space<smem>>
    return
  }
}

</mosaic_0001>

<sc_bundles>
// kernel: kernel.6.cloned.1.call-start
scs
__scs_entry_jumppad:
0x0: {  	(pc) =	sbr.rel $0x88, $3  }
0x1: {  	(tag) =	ssettag $0x0;
	lr =	simm.s32 $0x1  }
0x2: {  	[smem:$0x3F9E] =	sst lr;
	_ =	strace $0xD0000000  }
0x3: {  	_ = 	snop  }
0x4: {  	_ = 	snop  }
0x5: {  	_ = 	snop  }
0x6: {  	_ = 	snop  }
0x7: {  	_ = 	snop  }
__scs_overlays_trampoline_lowered:
0x8: {  	[smem:$0x3FAD] =	sst s0  }
0x9: {  	[smem:$0x3FAE] =	sst s1  }
0xa: {  	[smem:$0x3FAF] =	sst s2  }
0xb: {  	[smem:$0x3FB0] =	sst s3  }
0xc: {  	[smem:$0x3FB1] =	sst s4  }
0xd: {  	[smem:$0x3FB2] =	sst s5  }
0xe: {  	[smem:$0x3FB3] =	sst s6  }
0xf: {  	[smem:$0x3FB4] =	sst s7  }
0x10: {  	[smem:$0x3FB5] =	sst s8  }
0x11: {  	[smem:$0x3FB6] =	sst s9;
	s0 =	simm.s32 @!p0 $0x0  }
0x12: {  	s1 =	sld [smem:$0x3F9C];
	s0 =	simm.s32 @p0 $0x1  }
0x13: {  	[smem:$0x3FB7] =	sst s0;
	s0 =	simm.s32 @!p1 $0x0  }
0x14: {  	s2 =	sld [smem:$0x3F9B];
	s0 =	simm.s32 @p1 $0x1  }
0x15: {  	[smem:$0x3FB8] =	sst s0;
	s0 =	simm.s32 @!p2 $0x0  }
0x16: {  	s3 =	sld [smem:$0x3FDB];
	s0 =	simm.s32 @p2 $0x1  }
0x17: {  	s4 =	simm.s32 $0x1BF5;
	[smem:$0x3FBA] =	sst s0  }
0x18: {  	s0 =	sld [smem:$0x3F9D];
	_ =	swait.ge [sflag:s4], $0x0  }
0x19: {  	s7 =	sld [smem:$0x3F9E]  }
0x1a: {  	s8 =	sadd.s32 $0xFFFFE003, lr  }
0x1b: {  	s9 =	sadd.s32 $0xFFFFFEF7, lr;
	s5 =	simm.s32 $0xFFFFFFFF;
	p2 =	slt.u32 s8, $0xFFFFF086  }
0x1c: {  	p1 =	slt.u32 s9, $0xF7A;
	s5 =	simm.s32 @!p2 $0x0  }
0x1d: {  	s5 =	simm.s32 @p1 $0x1;
	p0 =	seq.s32 s7, s2  }
0x1e: {  	s7 =	smul.u32 @!p0 $0xF7A, s2;
	p2 =	seq.s32 @!p0 s5, $0x0  }
0x1f: {  	s9 =	smul.u32 $0xF7A, s1;
	s8 =	simm.s32 @!p0 $0x1BF5;
	p2 =	por !p2, p0  }
0x20: {  	[sflag:s8] =	ssyncset.s32 @!p0 $0xFFFFF086;
	s6 =	sadd.s32 @!p0 s3, s7;
	s7 =	simm.s32 @!p0 $0x108  }
0x21: {  	s3 =	sadd.s32 s3, s9;
	s6 =	sadd.s32 @!p0 $0x88, s6;
	s7 =	simm.s32 @p2 $0x1082  }
0x22: {  	[simem:s7], [sflag:s8] =	dma.local @!p0 [hbm:s6], $0xF7A  }
0x23: {  	s9 =	sor.u32 $0xD0000000, s2;
	s6 =	simm.s32 $0x108;
	_ =	swait.ge @!p0 [sflag:s8], $0x0  }
0x24: {  	s3 =	sadd.s32 $0x88, s3;
	s6 =	simm.s32 @!p1 $0x1082;
	[sflag:s4] =	ssyncset.s32 $0xFFFFF086  }
0x25: {  	[simem:s6], [sflag:s4] =	dma.local [hbm:s3], $0xF7A  }
0x26: {  	[smem:$0x3F9E] =	sst s1;
	(tag) =	ssettag s2;
	_ =	strace s9  }
0x27: {  	s1 =	sld [smem:$0x3FAE]  }
0x28: {  	s2 =	sld [smem:$0x3FAF]  }
0x29: {  	s4 =	sld [smem:$0x3FB1]  }
0x2a: {  	p0 =	seq.s32 s5, $0x0;
	s5 =	sld [smem:$0x3FB2]  }
0x2b: {  	s6 =	sld [smem:$0x3FB3]  }
0x2c: {  	s7 =	sld [smem:$0x3FB4]  }
0x2d: {  	s3 =	simm.s32 $0x108;
	s8 =	sld [smem:$0x3FB5]  }
0x2e: {  	s3 =	simm.s32 @!p0 $0x1082;
	s9 =	sld [smem:$0x3FB6]  }
0x2f: {  	lr =	sadd.s32 s0, s3;
	s0 =	sld [smem:$0x3FAD]  }
0x30: {  	s3 =	sld [smem:$0x3FB0]  }
0x31: {  	[smem:$0x3FB9] =	sst s10  }
0x32: {  	s10 =	sld [smem:$0x3FB7];
	_ =	sdelay $0x3  }
0x33: {  	p0 =	seq.s32 s10, $0x1;
	s10 =	sld [smem:$0x3FB9];
	_ =	sdelay $0x3  }
0x34: {  	[smem:$0x3FB9] =	sst s10  }
0x35: {  	s10 =	sld [smem:$0x3FB8];
	_ =	sdelay $0x3  }
0x36: {  	p1 =	seq.s32 s10, $0x1;
	s10 =	sld [smem:$0x3FB9];
	_ =	sdelay $0x3  }
0x37: {  	[smem:$0x3FB9] =	sst s10  }
0x38: {  	s10 =	sld [smem:$0x3FBA]  }
0x39: {  	_ = 	snop;
	(pc) =	sbr.ind lr, $3  }
0x3a: {  	_ = 	snop  }
0x3b: {  	_ = 	snop  }
0x3c: {  	p2 =	seq.s32 s10, $0x1;
	s10 =	sld [smem:$0x3FB9]  }
0x3d: {  	_ =	shalt  }
0x3e: {  	_ =	shalt  }
0x3f: {  	_ =	shalt  }
0x40: {  	_ =	shalt  }
0x41: {  	_ =	shalt  }
0x42: {  	_ =	shalt  }
0x43: {  	_ =	shalt  }
0x44: {  	_ =	shalt  }
0x45: {  	_ =	shalt  }
0x46: {  	_ =	shalt  }
0x47: {  	_ =	shalt  }
0x48: {  	_ =	shalt  }
0x49: {  	_ =	shalt  }
0x4a: {  	_ =	shalt  }
0x4b: {  	_ =	shalt  }
0x4c: {  	_ =	shalt  }
0x4d: {  	_ =	shalt  }
0x4e: {  	_ =	shalt  }
0x4f: {  	_ =	shalt  }
0x50: {  	_ =	shalt  }
0x51: {  	_ =	shalt  }
0x52: {  	_ =	shalt  }
0x53: {  	_ =	shalt  }
0x54: {  	_ =	shalt  }
0x55: {  	_ =	shalt  }
0x56: {  	_ =	shalt  }
0x57: {  	_ =	shalt  }
0x58: {  	_ =	shalt  }
0x59: {  	_ =	shalt  }
0x5a: {  	_ =	shalt  }
0x5b: {  	_ =	shalt  }
0x5c: {  	_ =	shalt  }
0x5d: {  	_ =	shalt  }
0x5e: {  	_ =	shalt  }
0x5f: {  	_ =	shalt  }
0x60: {  	_ =	shalt  }
0x61: {  	_ =	shalt  }
0x62: {  	_ =	shalt  }
0x63: {  	_ =	shalt  }
0x64: {  	_ =	shalt  }
0x65: {  	_ =	shalt  }
0x66: {  	_ =	shalt  }
0x67: {  	_ =	shalt  }
0x68: {  	_ =	shalt  }
0x69: {  	_ =	shalt  }
0x6a: {  	_ =	shalt  }
0x6b: {  	_ =	shalt  }
0x6c: {  	_ =	shalt  }
0x6d: {  	_ =	shalt  }
0x6e: {  	_ =	shalt  }
0x6f: {  	_ =	shalt  }
0x70: {  	_ =	shalt  }
0x71: {  	_ =	shalt  }
0x72: {  	_ =	shalt  }
0x73: {  	_ =	shalt  }
0x74: {  	_ =	shalt  }
0x75: {  	_ =	shalt  }
0x76: {  	_ =	shalt  }
0x77: {  	_ =	shalt  }
0x78: {  	_ =	shalt  }
0x79: {  	_ =	shalt  }
0x7a: {  	_ =	shalt  }
0x7b: {  	_ =	shalt  }
0x7c: {  	_ =	shalt  }
0x7d: {  	_ =	shalt  }
0x7e: {  	_ =	shalt  }
0x7f: {  	_ =	shalt  }
0x80: {  	_ =	shalt  }
0x81: {  	_ =	shalt  }
0x82: {  	_ =	shalt  }
0x83: {  	_ =	shalt  }
0x84: {  	_ =	shalt  }
0x85: {  	_ =	shalt  }
0x86: {  	_ =	shalt  }
0x87: {  	_ =	shalt  }
.Lfunc_end0:
.L_simem_size_0:
called_computation_lowered:
.L_overlay_start_0:
0x88: {  	s2 =	sld [smem:$0x3FD9]  }
0x89: {  	s3 =	sld [smem:$0x3FFE];
	_ =	sdelay $0x1  }
0x8a: {  	s1 =	srdreg.scid  }
0x8b: {  	s0 =	sand.u32 $0x1, s1  }
0x8c: {  	s14 =	sshll.u32 s0, $0xA;
	s2 =	sadd.s32 s3, s2  }
0x8d: {  	s2 =	sadd.s32 s2, s14  }
0x8e: {  	[smem:$0x3FC5] =	sst s2  }
0x8f: {  	_ = 	snop  }
0x90: {  	s2 =	sld [smem:$0x3FD0];
	_ =	sdelay $0x2  }
0x91: {  	s4 =	simm.s32 $0xA;
	s5 =	simm.s32 $0x10;
	s15 =	sld [smem:$0x3FC7]  }
0x92: {  	[smem:s5], [sflag:s4] =	dma.local [hbm:s2], $0x1  }
0x93: {  	_ =	swait.eq [sflag:s4], $0x1  }
0x94: {  	[sflag:s4] =	ssyncset.done $0x0  }
0x95: {  	[sflag:s4] =	ssyncadd.s32 $0xFFFFFFFF  }
0x96: {  	s16 =	sld [smem:$0x10];
	(tm) =	ssettm $0x1  }
0x97: {  	s17 =	sld [smem:$0x3FFB];
	_ =	sdelay $0x3  }
0x98: {  	_ =	strace s17  }
0x99: {  	s4 =	sld [smem:$0x3FFC];
	_ =	sdelay $0x3  }
0x9a: {  	_ =	strace s4  }
0x9b: {  	s4 =	sld [smem:$0x3FFD];
	_ =	sdelay $0x3  }
0x9c: {  	_ =	strace s4  }
0x9d: {  	_ =	strace $0x8FFFFFFF  }
0x9e: {  	s18 =	sld [smem:$0x3FDB];
	_ =	sdelay $0x1  }
0x9f: {  	s19 =	simm.s32 $_scs_section_size  }
0xa0: {  	s6 =	simm.s32 $_size__tile_overlayer_lowered;
	s7 =	simm.s32 $_tile_overlayer_lowered  }
0xa1: {  	s22 =	simm.s32 $0x1BFF;
	s21 =	sshll.u32 s7, $0x1;
	s4 =	sadd.s32 s19, s18  }
0xa2: {  	s8 =	simm.s32 $0x0;
	s20 =	sshll.u32 s6, $0x1;
	s6 =	sadd.s32 s21, s4  }
0xa3: {  	[timem:s8], [sflag:s22] =	dma.local [hbm:s6], s20  }
0xa4: {  	_ =	swait.ge [sflag:s22], s20  }
0xa5: {  	s5 =	ssub.s32 $0x0, s20;
	[sflag:s22] =	ssyncset.done $0x0  }
0xa6: {  	[sflag:s22] =	ssyncadd.s32 s5;
	_ =	sdelay $0x1  }
0xa7: {  	s23 =	simm.s32 $0x1B8B  }
0xa8: {  	_ =	swait.ge [sflag:s23], $0x1  }
0xa9: {  	[sflag:s23] =	ssyncset.done $0x0  }
0xaa: {  	s25 =	simm.s32 $0x1B8E;
	s24 =	sld [smem:$0x3FFE];
	[sflag:s23] =	ssyncadd.s32 $0xFFFFFFFF  }
0xab: {  	s26 =	simm.s32 $execute0_lowered;
	[smem:$0x3FD2] =	sst s25  }
0xac: {  	s6 =	sshll.u32 s26, $0x1;
	_ =	strace $0x80000046;
	[dreg:$0x1] =	wrdreg $0xFFFFFFFF  }
0xad: {  	s28 =	simm.s32 $_size_execute0_lowered;
	s4 =	sadd.s32 s4, s6;
	[dreg:$0x0] =	wrdreg $0x0  }
0xae: {  	s6 =	sshll.u32 s28, $0x1;
	[dreg:$0x2] =	wrdreg s4  }
0xaf: {  	[dreg:$0x3] =	wrdreg s6  }
0xb0: {  	[dreg:$0x4] =	wrdreg $0xC0  }
0xb1: {  	_ =	task [dreg:s8], $0x5FFFF  }
0xb2: {  	[dreg:$0x1] =	wrdreg $0xFFFFFFFF  }
0xb3: {  	[dreg:$0x0] =	wrdreg $0x60  }
0xb4: {  	[dreg:$0x2] =	wrdreg s24  }
0xb5: {  	[dreg:$0x3] =	wrdreg s15  }
0xb6: {  	[dreg:$0x4] =	wrdreg s16  }
0xb7: {  	[dreg:$0x5] =	wrdreg $0x1A5800  }
0xb8: {  	[dreg:$0x6] =	wrdreg $0x9  }
0xb9: {  	_ =	task.clear_ibuf [dreg:s8], $0x7FFFF;
	_ =	strace $0x90000046  }
0xba: {  	s29 =	simm.s32 $0x9;
	_ =	strace $0x80000048  }
0xbb: {  	_ =	swait.ge [sflag:s29], $0x1  }
0xbc: {  	[sflag:s29] =	ssyncadd.s32 $0xFFFFFFFF  }
0xbd: {  	_ =	strace $0x90000048  }
0xbe: {  	_ =	sfence  }
0xbf: {  	s30 =	sld [smem:$0x0];
	_ =	sdelay $0x2  }
0xc0: {  	s31 =	sshll.u32 s1, $0xD;
	s1 =	sshrl.u32 s1, $0x2  }
0xc1: {  	s3 =	sand.u32 $0x4000, s31;
	s1 =	sadd.s32 s1, s30  }
0xc2: {  	s0 =	sor.u32 s3, s0;
	s1 =	sshll.u32 s1, $0x11  }
0xc3: {  	s0 =	sor.u32 s1, s0  }
0xc4: {  	s0 =	sadd.s32 $0x8F2B, s0  }
0xc5: {  	[sflag:s0] =	ssyncadd.remote.s32 $0x1  }
0xc6: {  	_ =	sfence.sel $0xFFFF  }
0xc7: {  	[dreg:$0x0] =	wrdreg $0xFFFFFFFF;
	(pc) =	sbr.abs _section_cstart, $3  }
0xc8: {  	[dreg:$0x1] =	wrdreg $0xFFFFFFFF  }
0xc9: {  	_ =	task.clear_ibuf [dreg:s8], $0x2FFFF;
	_ =	strace $0x9FFFFFFF  }
0xca: {  	(tm) =	ssettm $0x7FFFFFFF  }
0xcb: {  	_ =	shalt  }
tec
execute0_lowered:
.L_overlay_start_1:
0x0: {  	(tag) =	ssettag $0x1  }
0x1: {  	s1 =	rddreg [dreg:$0x0]  }
0x2: {  	s0 =	rddreg [dreg:$0x1];
	s2 =	srdreg.scid  }
0x3: {  	s5 =	stileid.u32;
	s3 =	rddreg [dreg:$0x3];
	s4 =	simm.s32 $0x0  }
0x4: {  	s28 =	simm.s32 $0x40;
	s29 =	simm.s32 $0x6;
	s31 =	simm.s32 $0x7  }
0x5: {  	s2 =	sand.u32 $0x1, s2;
	s6 =	sshll.u32 s5, $0x1;
	[smem:$0x7FF] =	sst s4  }
0x6: {  	s25 =	smul.u32 $0x32000, s5;
	s26 =	sadd.s32 $0x3100, s3;
	s10 =	sadd.s32 $0x6200, s3  }
0x7: {  	s11 =	sadd.s32 $0x9300, s3;
	s12 =	smul.u32 $0x190000, s5;
	s13 =	sadd.s32 $0xF500, s3  }
0x8: {  	s14 =	sadd.s32 $0x12600, s3;
	_ =	strace $0x80000047;
	[dreg:$0x6] =	wrdreg s26  }
0x9: {  	s15 =	sadd.s32 $0x15700, s3;
	p0 =	sne.s32 s5, $0x0;
	[dreg:$0x7] =	wrdreg s10  }
0xa: {  	s5 =	simm.s32 $0x2;
	s6 =	sor.u32 s2, s6;
	[dreg:$0x8] =	wrdreg s11  }
0xb: {  	s7 =	ssub.s32 $0x2, s2;
	s8 =	sshll.u32 s2, $0x4;
	[dreg:$0xa] =	wrdreg s13  }
0xc: {  	s30 =	smul.u32 $0x19000, s2;
	s10 =	sadd.s32 $0xC400, s3;
	[dreg:$0xb] =	wrdreg s14  }
0xd: {  	s2 =	smul.u32 $0xC8000, s2;
	[dreg:$0xc] =	wrdreg s15;
	s13 =	simm.s32 $0x3  }
0xe: {  	s14 =	simm.s32 $0x4;
	s11 =	simm.s32 $0x0;
	s6 =	smul.u32 $0x680, s6  }
0xf: {  	s9 =	sshrl.u32 s7, $0x1;
	[dreg:$0x9] =	wrdreg s10;
	s10 =	simm.s32 $0xA  }
0x10: {  	s7 =	ssub.s32 s7, s9;
	s17 =	sadd.s32 s30, s25;
	s18 =	sadd.s32 s2, s12  }
0x11: {  	s9 =	simm.s32 $0x1;
	s12 =	simm.s32 $0x14;
	s6 =	sadd.s32 s6, s1  }
0x12: {  	s1 =	sadd.s32 s8, s1;
	s16 =	smax.u32 s7, $0x1;
	[dreg:$0xf] =	wrdreg s17  }
0x13: {  	s2 =	sor.u32 $0x2000, s18;
	s19 =	sadd.s32 $0x12000, s18;
	s20 =	sadd.s32 $0x10000, s18  }
0x14: {  	s23 =	sadd.s32 $0xE000, s18;
	s24 =	sadd.s32 $0xC000, s18;
	s25 =	sadd.s32 $0xA000, s18  }
0x15: {  	s26 =	sadd.s32 $0x8000, s18;
	s6 =	sadd.s32 $0x1400, s6;
	[dreg:$0xe] =	wrdreg s16  }
0x16: {  	s30 =	sor.u32 $0x6000, s18;
	s1 =	sadd.s32 $0xE400, s1;
	[dreg:$0x5] =	wrdreg s6  }
0x17: {  	s8 =	simm.s32 $0x9;
	s2 =	sshrl.u32 s2, $0x3;
	[dreg:$0xd] =	wrdreg s1  }
0x18: {  	s21 =	sshrl.u32 s19, $0x3;
	s22 =	sshrl.u32 s20, $0x3;
	[dreg:$0x10] =	wrdreg s2  }
.Ltmp0:
0x19: {  	s19 =	sshrl.u32 s23, $0x3;
	[dreg:$0x11] =	wrdreg s21;
	(pc) =	sbr.rel .LBB2_1-.Ltmp0, $4  }
0x1a: {  	s20 =	sshrl.u32 s24, $0x3;
	s23 =	sshrl.u32 s30, $0x3;
	[dreg:$0x12] =	wrdreg s22  }
0x1b: {  	s21 =	sshrl.u32 s25, $0x3;
	s1 =	sor.u32 $0x4000, s18;
	s22 =	sshrl.u32 s26, $0x3  }
0x1c: {  	s25 =	simm.s32 $0x15;
	s2 =	simm.s32 $0x15400;
	s26 =	simm.s32 $0x5  }
0x1d: {  	v0 =	vimm.f32 $0.0e+00;
	v1 =	vimm.f32 $1.000000000e+00;
	s6 =	simm.s32 $0x8;
	s24 =	sshrl.u32 s1, $0x3;
	s1 =	simm.s32 $0x1A500  }
.LBB2_8:
0x1e: {  	[bflag:$0x0] =	sbarrier.arrive $0xFFFF  }
0x1f: {  	s7 =	sshrl.u32 @!p0 s3, $0x3;
	s11 =	simm.s32 @!p0 $0x1;
	s15 =	simm.s32 @!p0 $0x20  }
0x20: {  	s16 =	simm.s32 @!p0 $0x10;
	s17 =	simm.s32 @!p0 $0x1C15;
	s18 =	rddreg [dreg:$0xd]  }
0x21: {  	[hbm:s18@s15], [sflag:s17] =	dma.strided @!p0 [spmem:s7@s16], $0x3100, s11, $0x10   }
0x22: {  	s7 =	simm.s32 @!p0 $0x15  }
0x23: {  	_ =	swait.ge @!p0 [sflag:s7], $0x3100  }
0x24: {  	[sflag:s7] =	ssyncset.done @!p0 $0x0  }
0x25: {  	s15 =	simm.s32 $0xB;
	[sflag:s7] =	ssyncadd.s32 @!p0 $0xFFFFCF00  }
0x26: {  	_ =	swait.ge [sflag:s15], $0x2000  }
0x27: {  	[sflag:s15] =	ssyncset.done $0x0  }
0x28: {  	s16 =	simm.s32 $0xC;
	[sflag:s15] =	ssyncadd.s32 $0xFFFFE000  }
0x29: {  	_ =	swait.ge [sflag:s16], $0x2000  }
0x2a: {  	[sflag:s16] =	ssyncset.done $0x0  }
0x2b: {  	s17 =	simm.s32 $0xD;
	[sflag:s16] =	ssyncadd.s32 $0xFFFFE000  }
0x2c: {  	_ =	swait.ge [sflag:s17], $0x2000  }
0x2d: {  	[sflag:s17] =	ssyncset.done $0x0  }
0x2e: {  	s18 =	simm.s32 $0xE;
	[sflag:s17] =	ssyncadd.s32 $0xFFFFE000  }
0x2f: {  	_ =	swait.ge [sflag:s18], $0x2000  }
0x30: {  	[sflag:s18] =	ssyncset.done $0x0  }
0x31: {  	s30 =	simm.s32 $0xF;
	[sflag:s18] =	ssyncadd.s32 $0xFFFFE000  }
0x32: {  	_ =	swait.ge [sflag:s30], $0x2000  }
0x33: {  	[sflag:s30] =	ssyncset.done $0x0  }
0x34: {  	s11 =	simm.s32 $0x10;
	[sflag:s30] =	ssyncadd.s32 $0xFFFFE000  }
0x35: {  	_ =	swait.ge [sflag:s11], $0x2000  }
0x36: {  	[sflag:s11] =	ssyncset.done $0x0  }
0x37: {  	s15 =	simm.s32 $0x11;
	[sflag:s11] =	ssyncadd.s32 $0xFFFFE000  }
0x38: {  	_ =	swait.ge [sflag:s15], $0x2000  }
0x39: {  	[sflag:s15] =	ssyncset.done $0x0  }
0x3a: {  	s16 =	simm.s32 $0x12;
	[sflag:s15] =	ssyncadd.s32 $0xFFFFE000  }
0x3b: {  	_ =	swait.ge [sflag:s16], $0x2000  }
0x3c: {  	[sflag:s16] =	ssyncset.done $0x0  }
0x3d: {  	s17 =	simm.s32 $0x13;
	[sflag:s16] =	ssyncadd.s32 $0xFFFFE000  }
0x3e: {  	_ =	swait.ge [sflag:s17], $0x2000  }
0x3f: {  	[sflag:s17] =	ssyncset.done $0x0  }
0x40: {  	[sflag:s17] =	ssyncadd.s32 $0xFFFFE000  }
0x41: {  	_ =	swait.ge [sflag:s12], $0x2000  }
0x42: {  	s18 =	rddreg [dreg:$0x13]  }
0x43: {  	s30 =	rddreg [dreg:$0xe];
	s11 =	sadd.s32 $0x1, s18  }
0x44: {  	p1 =	sne.s32 s11, s30  }
.Ltmp1:
0x45: {  	_ = 	snop;
	(pc) =	sbr.rel @!p1 .LBB2_9-.Ltmp1, $3  }
0x46: {  	_ =	sdelay $0x1  }
0x47: {  	[sflag:s12] =	ssyncset.done $0x0  }
0x48: {  	[sflag:s12] =	ssyncadd.s32 $0xFFFFE000  }
.LBB2_1:
0x49: {  	[dreg:$0x13] =	wrdreg s11  }
.Ltmp2:
0x4a: {  	s7 =	rddreg [dreg:$0x5];
	(pc) =	sbr.rel @p0 .LBB2_5-.Ltmp2, $4  }
0x4b: {  	[tilespmem:s4], [sflag:$0x15] =	stream.linear.gather [hbm4b:s7+s4], $0x3200, $0x38;
	[tilespmem:$0x1BE00] =	vst v63  }
0x4c: {  	_ =	swait.ge [sflag:s25], $0x3200  }
0x4d: {  	[sflag:s25] =	ssyncset.done $0x0  }
0x4e: {  	[sflag:s25] =	ssyncadd.s32 $0xFFFFCE00  }
0x4f: {  	s7 =	sshra.s32 s4, $0x2;
	s11 =	sadd.s32 $0x200, s4  }
.LBB2_3:
0x50: {  	p1 =	sne.s32 s11, $0xC200;
	[tilespmem:s7+$0x17470] =	vst v0  }
0x51: {  	[tilespmem:s7+$0x17400] =	vst v0  }
0x52: {  	[tilespmem:s7+$0x17410] =	vst v0  }
.Ltmp3:
0x53: {  	[tilespmem:s7+$0x17420] =	vst v0;
	(pc) =	sbr.rel @p1 .LBB2_3-.Ltmp3, $4  }
0x54: {  	[tilespmem:s7+$0x17430] =	vst v0  }
0x55: {  	[tilespmem:s7+$0x17440] =	vst v0  }
0x56: {  	[tilespmem:s7+$0x17450] =	vst v0  }
0x57: {  	[tilespmem:s7+$0x17460] =	vst v0;
	s7 =	sshra.s32 s11, $0x2;
	s11 =	sadd.s32 $0x200, s11  }
0x58: {  	[tilespmem:s7+$0x17470] =	vst v0  }
0x59: {  	[tilespmem:s7+$0x17400] =	vst v0  }
0x5a: {  	[tilespmem:s7+$0x17410] =	vst v0  }
0x5b: {  	[tilespmem:s7+$0x17420] =	vst v0  }
0x5c: {  	[tilespmem:s7+$0x17430] =	vst v0  }
0x5d: {  	[tilespmem:s7+$0x17440] =	vst v0  }
0x5e: {  	[tilespmem:s7+$0x17450] =	vst v0  }
0x5f: {  	[tilespmem:s7+$0x17460] =	vst v0;
	s11 =	simm.s32 $0x17400  }
0x60: {  	[spmem:s3] =	stream.linear.scatter [tilespmem:s11], [sflag:$0x15], $0x3100, $0x38;
	[tilespmem:$0x1BE00] =	vst v63  }
0x61: {  	_ =	swait.ge [sflag:s25], $0x3100  }
0x62: {  	[sflag:s25] =	ssyncset.done $0x0  }
0x63: {  	s18 =	rddreg [dreg:$0x6];
	[sflag:s25] =	ssyncadd.s32 $0xFFFFCF00  }
0x64: {  	[spmem:s18] =	stream.linear.scatter [tilespmem:s11], [sflag:$0x15], $0x3100, $0x38;
	[tilespmem:$0x1BE00] =	vst v63  }
0x65: {  	_ =	swait.ge [sflag:s25], $0x3100  }
0x66: {  	[sflag:s25] =	ssyncset.done $0x0  }
0x67: {  	s30 =	rddreg [dreg:$0x7];
	[sflag:s25] =	ssyncadd.s32 $0xFFFFCF00  }
0x68: {  	[spmem:s30] =	stream.linear.scatter [tilespmem:s11], [sflag:$0x15], $0x3100, $0x38;
	[tilespmem:$0x1BE00] =	vst v63  }
0x69: {  	_ =	swait.ge [sflag:s25], $0x3100  }
0x6a: {  	[sflag:s25] =	ssyncset.done $0x0  }
0x6b: {  	s15 =	rddreg [dreg:$0x8];
	[sflag:s25] =	ssyncadd.s32 $0xFFFFCF00  }
0x6c: {  	[spmem:s15] =	stream.linear.scatter [tilespmem:s11], [sflag:$0x15], $0x3100, $0x38;
	[tilespmem:$0x1BE00] =	vst v63  }
0x6d: {  	_ =	swait.ge [sflag:s25], $0x3100  }
0x6e: {  	[sflag:s25] =	ssyncset.done $0x0  }
0x6f: {  	s16 =	rddreg [dreg:$0x9];
	[sflag:s25] =	ssyncadd.s32 $0xFFFFCF00  }
0x70: {  	[spmem:s16] =	stream.linear.scatter [tilespmem:s11], [sflag:$0x15], $0x3100, $0x38;
	[tilespmem:$0x1BE00] =	vst v63  }
0x71: {  	_ =	swait.ge [sflag:s25], $0x3100  }
0x72: {  	[sflag:s25] =	ssyncset.done $0x0  }
0x73: {  	s17 =	rddreg [dreg:$0xa];
	[sflag:s25] =	ssyncadd.s32 $0xFFFFCF00  }
0x74: {  	[spmem:s17] =	stream.linear.scatter [tilespmem:s11], [sflag:$0x15], $0x3100, $0x38;
	[tilespmem:$0x1BE00] =	vst v63  }
0x75: {  	_ =	swait.ge [sflag:s25], $0x3100  }
0x76: {  	[sflag:s25] =	ssyncset.done $0x0  }
0x77: {  	s18 =	rddreg [dreg:$0xb];
	[sflag:s25] =	ssyncadd.s32 $0xFFFFCF00  }
0x78: {  	[spmem:s18] =	stream.linear.scatter [tilespmem:s11], [sflag:$0x15], $0x3100, $0x38;
	[tilespmem:$0x1BE00] =	vst v63  }
0x79: {  	_ =	swait.ge [sflag:s25], $0x3100  }
0x7a: {  	[sflag:s25] =	ssyncset.done $0x0  }
0x7b: {  	s30 =	rddreg [dreg:$0xc];
	[sflag:s25] =	ssyncadd.s32 $0xFFFFCF00  }
0x7c: {  	[spmem:s30] =	stream.linear.scatter [tilespmem:s11], [sflag:$0x15], $0x3100, $0x38;
	[tilespmem:$0x1BE00] =	vst v63  }
0x7d: {  	_ =	swait.ge [sflag:s25], $0x3100  }
0x7e: {  	[sflag:s25] =	ssyncset.done $0x0  }
0x7f: {  	[sflag:s25] =	ssyncadd.s32 $0xFFFFCF00  }
.LBB2_5:
0x80: {  	[tilespmem:$0x1A500] =	vst v1  }
0x81: {  	[tilespmem:$0x1A510] =	vst v1  }
0x82: {  	[tilespmem:$0x1A520] =	vst v1  }
0x83: {  	[tilespmem:$0x1A530] =	vst v1  }
0x84: {  	s30 =	simm.s32 $0x0;
	s7 =	simm.s32 $0x3400;
	[bflag:$0x0] =	sbarrier.arrive $0xFFFF  }
0x85: {  	[tilespmem:s7], [sflag:$0x1] =	stream.indirect.gather [hbm4b:s0+s28], $0x80, s30, s28, $0xb8;
	[tilespmem:$0x1BE00] =	vst v63  }
0x86: {  	s16 =	simm.s32 $0x80;
	s11 =	simm.s32 $0x5400  }
0x87: {  	[tilespmem:s11], [sflag:$0x2] =	stream.indirect.gather [hbm4b:s0+s28], $0x80, s16, s28, $0xb8;
	[tilespmem:$0x1BE00] =	vst v63  }
0x88: {  	s17 =	simm.s32 $0x100;
	s18 =	simm.s32 $0x7400  }
0x89: {  	[tilespmem:s18], [sflag:$0x3] =	stream.indirect.gather [hbm4b:s0+s28], $0x80, s17, s28, $0xb8;
	[tilespmem:$0x1BE00] =	vst v63  }
0x8a: {  	s15 =	simm.s32 $0x180;
	s16 =	simm.s32 $0x9400  }
0x8b: {  	[tilespmem:s16], [sflag:$0x4] =	stream.indirect.gather [hbm4b:s0+s28], $0x80, s15, s28, $0xb8;
	[tilespmem:$0x1BE00] =	vst v63  }
0x8c: {  	s17 =	simm.s32 $0x200;
	s18 =	simm.s32 $0xB400  }
0x8d: {  	[tilespmem:s18], [sflag:$0x5] =	stream.indirect.gather [hbm4b:s0+s28], $0x80, s17, s28, $0xb8;
	[tilespmem:$0x1BE00] =	vst v63  }
0x8e: {  	s15 =	simm.s32 $0x280;
	s16 =	simm.s32 $0xD400  }
0x8f: {  	[tilespmem:s16], [sflag:$0x6] =	stream.indirect.gather [hbm4b:s0+s28], $0x80, s15, s28, $0xb8;
	[tilespmem:$0x1BE00] =	vst v63  }
0x90: {  	s17 =	simm.s32 $0x300;
	s18 =	simm.s32 $0xF400  }
0x91: {  	[tilespmem:s18], [sflag:$0x7] =	stream.indirect.gather [hbm4b:s0+s28], $0x80, s17, s28, $0xb8;
	[tilespmem:$0x1BE00] =	vst v63  }
0x92: {  	s11 =	simm.s32 $0x380;
	s15 =	simm.s32 $0x11400  }
0x93: {  	[tilespmem:s15], [sflag:$0x8] =	stream.indirect.gather [hbm4b:s0+s28], $0x80, s11, s28, $0xb8;
	[tilespmem:$0x1BE00] =	vst v63  }
0x94: {  	s16 =	simm.s32 $0x400;
	s17 =	simm.s32 $0x13400  }
0x95: {  	[tilespmem:s17], [sflag:$0x9] =	stream.indirect.gather [hbm4b:s0+s28], $0x80, s16, s28, $0xb8;
	[tilespmem:$0x1BE00] =	vst v63  }
0x96: {  	s7 =	rddreg [dreg:$0x2];
	s18 =	simm.s32 $0x480  }
0x97: {  	[tilespmem:s2], [sflag:$0xA] =	stream.indirect.gather [hbm4b:s0+s28], $0x80, s18, s28, $0xb8;
	[tilespmem:$0x1BE00] =	vst v63  }
.LBB2_6:
0x98: {  	_ =	swait.ge [sflag:s9], $0x2000  }
0x99: {  	[sflag:s9] =	ssyncset.done $0x0;
	s11 =	rddreg [dreg:$0xf]  }
0x9a: {  	s15 =	simm.s32 $0x3400;
	[sflag:s9] =	ssyncadd.s32 $0xFFFFE000;
	s11 =	sadd.s32 s7, s11  }
0x9b: {  	[hbm4b:s11+s4] =	stream.linear.scatter [tilespmem:s15], [sflag:$0xB], $0x2000, $0x38;
	[tilespmem:$0x1BE00] =	vst v63  }
0x9c: {  	s11 =	sshra.s32 s30, $0x2  }
0x9d: {  	[spmem:s3] =	stream.indirect.scatter.add.f32 [tilespmem:s1], [sflag:$0x15], $0x1, s11, s28, $0xb8;
	[tilespmem:$0x1BE00] =	vst v63  }
0x9e: {  	_ =	swait.ge [sflag:s25], $0x40  }
0x9f: {  	p1 =	seq.s32 s30, $0xB400;
	[sflag:s25] =	ssyncset.done $0x0  }
0xa0: {  	s15 =	simm.s32 @!p1 $0xB;
	[sflag:s25] =	ssyncadd.s32 $0xFFFFFFC0  }
0xa1: {  	_ =	swait.ge @!p1 [sflag:s15], $0x2000  }
0xa2: {  	[sflag:s15] =	ssyncset.done @!p1 $0x0  }
0xa3: {  	[sflag:s15] =	ssyncadd.s32 @!p1 $0xFFFFE000;
	s15 =	sshra.s32 @!p1 s30, $0x2  }
0xa4: {  	s16 =	simm.s32 @!p1 $0x40;
	s18 =	simm.s32 @!p1 $0x3400;
	s17 =	sadd.s32 @!p1 $0x500, s15  }
0xa5: {  	[tilespmem:s18], [sflag:$0x1] =	stream.indirect.gather @!p1 [hbm4b:s0+s16], $0x80, s17, s16, $0xb8;
	[tilespmem:$0x1BE00] =	vst v63  }
0xa6: {  	_ =	swait.ge [sflag:s5], $0x2000  }
0xa7: {  	[sflag:s5] =	ssyncset.done $0x0;
	s18 =	rddreg [dreg:$0x10]  }
0xa8: {  	[sflag:s5] =	ssyncadd.s32 $0xFFFFE000;
	s17 =	sadd.s32 s7, s18;
	s18 =	simm.s32 $0x5400  }
0xa9: {  	[hbm4b:s17+s4] =	stream.linear.scatter [tilespmem:s18], [sflag:$0xC], $0x2000, $0x38;
	[tilespmem:$0x1BE00] =	vst v63  }
0xaa: {  	s18 =	sadd.s32 $0x80, s11  }
0xab: {  	[spmem:s3] =	stream.indirect.scatter.add.f32 [tilespmem:s1], [sflag:$0x15], $0x1, s18, s28, $0xb8;
	[tilespmem:$0x1BE00] =	vst v63  }
0xac: {  	_ =	swait.ge [sflag:s25], $0x40  }
0xad: {  	[sflag:s25] =	ssyncset.done $0x0  }
0xae: {  	s17 =	simm.s32 @!p1 $0xC;
	[sflag:s25] =	ssyncadd.s32 $0xFFFFFFC0  }
0xaf: {  	_ =	swait.ge @!p1 [sflag:s17], $0x2000  }
0xb0: {  	[sflag:s17] =	ssyncset.done @!p1 $0x0  }
0xb1: {  	s18 =	simm.s32 @!p1 $0x5400;
	[sflag:s17] =	ssyncadd.s32 @!p1 $0xFFFFE000;
	s17 =	sadd.s32 @!p1 $0x580, s15  }
0xb2: {  	[tilespmem:s18], [sflag:$0x2] =	stream.indirect.gather @!p1 [hbm4b:s0+s16], $0x80, s17, s16, $0xb8;
	[tilespmem:$0x1BE00] =	vst v63  }
0xb3: {  	_ =	swait.ge [sflag:s13], $0x2000  }
0xb4: {  	[sflag:s13] =	ssyncset.done $0x0  }
0xb5: {  	s17 =	sadd.s32 s7, s24;
	s18 =	simm.s32 $0x7400;
	[sflag:s13] =	ssyncadd.s32 $0xFFFFE000  }
0xb6: {  	[hbm4b:s17+s4] =	stream.linear.scatter [tilespmem:s18], [sflag:$0xD], $0x2000, $0x38;
	[tilespmem:$0x1BE00] =	vst v63  }
0xb7: {  	s18 =	sadd.s32 $0x100, s11  }
0xb8: {  	[spmem:s3] =	stream.indirect.scatter.add.f32 [tilespmem:s1], [sflag:$0x15], $0x1, s18, s28, $0xb8;
	[tilespmem:$0x1BE00] =	vst v63  }
0xb9: {  	_ =	swait.ge [sflag:s25], $0x40  }
0xba: {  	[sflag:s25] =	ssyncset.done $0x0  }
0xbb: {  	s17 =	simm.s32 @!p1 $0xD;
	[sflag:s25] =	ssyncadd.s32 $0xFFFFFFC0  }
0xbc: {  	_ =	swait.ge @!p1 [sflag:s17], $0x2000  }
0xbd: {  	[sflag:s17] =	ssyncset.done @!p1 $0x0  }
0xbe: {  	s18 =	simm.s32 @!p1 $0x7400;
	[sflag:s17] =	ssyncadd.s32 @!p1 $0xFFFFE000;
	s17 =	sadd.s32 @!p1 $0x600, s15  }
0xbf: {  	[tilespmem:s18], [sflag:$0x3] =	stream.indirect.gather @!p1 [hbm4b:s0+s16], $0x80, s17, s16, $0xb8;
	[tilespmem:$0x1BE00] =	vst v63  }
0xc0: {  	_ =	swait.ge [sflag:s14], $0x2000  }
0xc1: {  	[sflag:s14] =	ssyncset.done $0x0  }
0xc2: {  	s17 =	sadd.s32 s7, s23;
	s18 =	simm.s32 $0x9400;
	[sflag:s14] =	ssyncadd.s32 $0xFFFFE000  }
0xc3: {  	[hbm4b:s17+s4] =	stream.linear.scatter [tilespmem:s18], [sflag:$0xE], $0x2000, $0x38;
	[tilespmem:$0x1BE00] =	vst v63  }
0xc4: {  	s18 =	sadd.s32 $0x180, s11  }
0xc5: {  	[spmem:s3] =	stream.indirect.scatter.add.f32 [tilespmem:s1], [sflag:$0x15], $0x1, s18, s28, $0xb8;
	[tilespmem:$0x1BE00] =	vst v63  }
0xc6: {  	_ =	swait.ge [sflag:s25], $0x40  }
0xc7: {  	[sflag:s25] =	ssyncset.done $0x0  }
0xc8: {  	s17 =	simm.s32 @!p1 $0xE;
	[sflag:s25] =	ssyncadd.s32 $0xFFFFFFC0  }
0xc9: {  	_ =	swait.ge @!p1 [sflag:s17], $0x2000  }
0xca: {  	[sflag:s17] =	ssyncset.done @!p1 $0x0  }
0xcb: {  	s18 =	simm.s32 @!p1 $0x9400;
	[sflag:s17] =	ssyncadd.s32 @!p1 $0xFFFFE000;
	s17 =	sadd.s32 @!p1 $0x680, s15  }
0xcc: {  	[tilespmem:s18], [sflag:$0x4] =	stream.indirect.gather @!p1 [hbm4b:s0+s16], $0x80, s17, s16, $0xb8;
	[tilespmem:$0x1BE00] =	vst v63  }
0xcd: {  	_ =	swait.ge [sflag:s26], $0x2000  }
0xce: {  	[sflag:s26] =	ssyncset.done $0x0  }
0xcf: {  	s17 =	sadd.s32 s7, s22;
	s18 =	simm.s32 $0xB400;
	[sflag:s26] =	ssyncadd.s32 $0xFFFFE000  }
0xd0: {  	[hbm4b:s17+s4] =	stream.linear.scatter [tilespmem:s18], [sflag:$0xF], $0x2000, $0x38;
	[tilespmem:$0x1BE00] =	vst v63  }
0xd1: {  	s18 =	sadd.s32 $0x200, s11  }
0xd2: {  	[spmem:s3] =	stream.indirect.scatter.add.f32 [tilespmem:s1], [sflag:$0x15], $0x1, s18, s28, $0xb8;
	[tilespmem:$0x1BE00] =	vst v63  }
0xd3: {  	_ =	swait.ge [sflag:s25], $0x40  }
0xd4: {  	[sflag:s25] =	ssyncset.done $0x0  }
0xd5: {  	s17 =	simm.s32 @!p1 $0xF;
	[sflag:s25] =	ssyncadd.s32 $0xFFFFFFC0  }
0xd6: {  	_ =	swait.ge @!p1 [sflag:s17], $0x2000  }
0xd7: {  	[sflag:s17] =	ssyncset.done @!p1 $0x0  }
0xd8: {  	s18 =	simm.s32 @!p1 $0xB400;
	[sflag:s17] =	ssyncadd.s32 @!p1 $0xFFFFE000;
	s17 =	sadd.s32 @!p1 $0x700, s15  }
0xd9: {  	[tilespmem:s18], [sflag:$0x5] =	stream.indirect.gather @!p1 [hbm4b:s0+s16], $0x80, s17, s16, $0xb8;
	[tilespmem:$0x1BE00] =	vst v63  }
0xda: {  	_ =	swait.ge [sflag:s29], $0x2000  }
0xdb: {  	[sflag:s29] =	ssyncset.done $0x0  }
0xdc: {  	s17 =	sadd.s32 s7, s21;
	s18 =	simm.s32 $0xD400;
	[sflag:s29] =	ssyncadd.s32 $0xFFFFE000  }
0xdd: {  	[hbm4b:s17+s4] =	stream.linear.scatter [tilespmem:s18], [sflag:$0x10], $0x2000, $0x38;
	[tilespmem:$0x1BE00] =	vst v63  }
0xde: {  	s18 =	sadd.s32 $0x280, s11  }
0xdf: {  	[spmem:s3] =	stream.indirect.scatter.add.f32 [tilespmem:s1], [sflag:$0x15], $0x1, s18, s28, $0xb8;
	[tilespmem:$0x1BE00] =	vst v63  }
0xe0: {  	_ =	swait.ge [sflag:s25], $0x40  }
0xe1: {  	[sflag:s25] =	ssyncset.done $0x0  }
0xe2: {  	s17 =	simm.s32 @!p1 $0x10;
	[sflag:s25] =	ssyncadd.s32 $0xFFFFFFC0  }
0xe3: {  	_ =	swait.ge @!p1 [sflag:s17], $0x2000  }
0xe4: {  	[sflag:s17] =	ssyncset.done @!p1 $0x0  }
0xe5: {  	s18 =	simm.s32 @!p1 $0xD400;
	[sflag:s17] =	ssyncadd.s32 @!p1 $0xFFFFE000;
	s17 =	sadd.s32 @!p1 $0x780, s15  }
0xe6: {  	[tilespmem:s18], [sflag:$0x6] =	stream.indirect.gather @!p1 [hbm4b:s0+s16], $0x80, s17, s16, $0xb8;
	[tilespmem:$0x1BE00] =	vst v63  }
0xe7: {  	_ =	swait.ge [sflag:s31], $0x2000  }
0xe8: {  	[sflag:s31] =	ssyncset.done $0x0  }
0xe9: {  	s17 =	sadd.s32 s7, s20;
	s18 =	simm.s32 $0xF400;
	[sflag:s31] =	ssyncadd.s32 $0xFFFFE000  }
0xea: {  	[hbm4b:s17+s4] =	stream.linear.scatter [tilespmem:s18], [sflag:$0x11], $0x2000, $0x38;
	[tilespmem:$0x1BE00] =	vst v63  }
0xeb: {  	s18 =	sadd.s32 $0x300, s11  }
0xec: {  	[spmem:s3] =	stream.indirect.scatter.add.f32 [tilespmem:s1], [sflag:$0x15], $0x1, s18, s28, $0xb8;
	[tilespmem:$0x1BE00] =	vst v63  }
0xed: {  	_ =	swait.ge [sflag:s25], $0x40  }
0xee: {  	[sflag:s25] =	ssyncset.done $0x0  }
0xef: {  	s17 =	simm.s32 @!p1 $0x11;
	[sflag:s25] =	ssyncadd.s32 $0xFFFFFFC0  }
0xf0: {  	_ =	swait.ge @!p1 [sflag:s17], $0x2000  }
0xf1: {  	[sflag:s17] =	ssyncset.done @!p1 $0x0  }
0xf2: {  	s18 =	simm.s32 @!p1 $0xF400;
	[sflag:s17] =	ssyncadd.s32 @!p1 $0xFFFFE000;
	s17 =	sadd.s32 @!p1 $0x800, s15  }
0xf3: {  	[tilespmem:s18], [sflag:$0x7] =	stream.indirect.gather @!p1 [hbm4b:s0+s16], $0x80, s17, s16, $0xb8;
	[tilespmem:$0x1BE00] =	vst v63  }
0xf4: {  	_ =	swait.ge [sflag:s6], $0x2000  }
0xf5: {  	[sflag:s6] =	ssyncset.done $0x0  }
0xf6: {  	s17 =	sadd.s32 s7, s19;
	s18 =	simm.s32 $0x11400;
	[sflag:s6] =	ssyncadd.s32 $0xFFFFE000  }
0xf7: {  	[hbm4b:s17+s4] =	stream.linear.scatter [tilespmem:s18], [sflag:$0x12], $0x2000, $0x38;
	[tilespmem:$0x1BE00] =	vst v63  }
0xf8: {  	s18 =	sadd.s32 $0x380, s11  }
0xf9: {  	[spmem:s3] =	stream.indirect.scatter.add.f32 [tilespmem:s1], [sflag:$0x15], $0x1, s18, s28, $0xb8;
	[tilespmem:$0x1BE00] =	vst v63  }
0xfa: {  	_ =	swait.ge [sflag:s25], $0x40  }
0xfb: {  	[sflag:s25] =	ssyncset.done $0x0  }
0xfc: {  	s17 =	simm.s32 @!p1 $0x12;
	[sflag:s25] =	ssyncadd.s32 $0xFFFFFFC0  }
0xfd: {  	_ =	swait.ge @!p1 [sflag:s17], $0x2000  }
0xfe: {  	[sflag:s17] =	ssyncset.done @!p1 $0x0  }
0xff: {  	s18 =	simm.s32 @!p1 $0x11400;
	[sflag:s17] =	ssyncadd.s32 @!p1 $0xFFFFE000;
	s17 =	sadd.s32 @!p1 $0x880, s15  }
0x100: {  	[tilespmem:s18], [sflag:$0x8] =	stream.indirect.gather @!p1 [hbm4b:s0+s16], $0x80, s17, s16, $0xb8;
	[tilespmem:$0x1BE00] =	vst v63  }
0x101: {  	_ =	swait.ge [sflag:s8], $0x2000  }
0x102: {  	[sflag:s8] =	ssyncset.done $0x0;
	s18 =	rddreg [dreg:$0x12]  }
0x103: {  	[sflag:s8] =	ssyncadd.s32 $0xFFFFE000;
	s17 =	sadd.s32 s7, s18;
	s18 =	simm.s32 $0x13400  }
0x104: {  	[hbm4b:s17+s4] =	stream.linear.scatter [tilespmem:s18], [sflag:$0x13], $0x2000, $0x38;
	[tilespmem:$0x1BE00] =	vst v63  }
0x105: {  	s18 =	sadd.s32 $0x400, s11  }
0x106: {  	[spmem:s3] =	stream.indirect.scatter.add.f32 [tilespmem:s1], [sflag:$0x15], $0x1, s18, s28, $0xb8;
	[tilespmem:$0x1BE00] =	vst v63  }
0x107: {  	_ =	swait.ge [sflag:s25], $0x40  }
0x108: {  	[sflag:s25] =	ssyncset.done $0x0  }
0x109: {  	s17 =	simm.s32 @!p1 $0x13;
	[sflag:s25] =	ssyncadd.s32 $0xFFFFFFC0  }
0x10a: {  	_ =	swait.ge @!p1 [sflag:s17], $0x2000  }
0x10b: {  	[sflag:s17] =	ssyncset.done @!p1 $0x0  }
0x10c: {  	s15 =	sadd.s32 @!p1 $0x900, s15;
	[sflag:s17] =	ssyncadd.s32 @!p1 $0xFFFFE000;
	s17 =	simm.s32 @!p1 $0x13400  }
0x10d: {  	[tilespmem:s17], [sflag:$0x9] =	stream.indirect.gather @!p1 [hbm4b:s0+s16], $0x80, s15, s16, $0xb8;
	[tilespmem:$0x1BE00] =	vst v63  }
0x10e: {  	_ =	swait.ge [sflag:s10], $0x2000  }
0x10f: {  	[sflag:s10] =	ssyncset.done $0x0;
	s17 =	rddreg [dreg:$0x11]  }
0x110: {  	[sflag:s10] =	ssyncadd.s32 $0xFFFFE000;
	s15 =	sadd.s32 s7, s17  }
0x111: {  	[hbm4b:s15+s4] =	stream.linear.scatter [tilespmem:s2], [sflag:$0x14], $0x2000, $0x38;
	[tilespmem:$0x1BE00] =	vst v63  }
.Ltmp4:
0x112: {  	s18 =	sadd.s32 $0x480, s11;
	(pc) =	sbr.rel @p1 .LBB2_8-.Ltmp4, $4  }
0x113: {  	[spmem:s3] =	stream.indirect.scatter.add.f32 [tilespmem:s1], [sflag:$0x15], $0x1, s18, s28, $0xb8;
	[tilespmem:$0x1BE00] =	vst v63  }
0x114: {  	_ =	swait.ge [sflag:s25], $0x40  }
0x115: {  	[sflag:s25] =	ssyncset.done $0x0  }
0x116: {  	[sflag:s25] =	ssyncadd.s32 $0xFFFFFFC0  }
.Ltmp5:
0x117: {  	(pc) =	sbr.rel .LBB2_6-.Ltmp5, $4  }
0x118: {  	_ =	swait.ge [sflag:s12], $0x2000  }
0x119: {  	s11 =	sadd.s32 $0x980, s11;
	[sflag:s12] =	ssyncset.done $0x0  }
0x11a: {  	s30 =	sadd.s32 $0x1400, s30;
	s7 =	sadd.s32 $0x2800, s7;
	[sflag:s12] =	ssyncadd.s32 $0xFFFFE000  }
0x11b: {  	[tilespmem:s2], [sflag:$0xA] =	stream.indirect.gather [hbm4b:s0+s28], $0x80, s11, s28, $0xb8;
	[tilespmem:$0x1BE00] =	vst v63  }
.LBB2_9:
0x11c: {  	_ =	sfence.sel $0x180000  }
0x11d: {  	[bflag:$0x0] =	sbarrier.arrive $0xFFFF  }
0x11e: {  	_ =	strace $0x90000047  }
0x11f: {  	[bflag:$0x2] =	sbarrier.arrive $0xFFFF  }
0x120: {  	s0 =	rddreg [dreg:$0x4]  }
0x121: {  	s0 =	sadd.s32 @!p0 $0x100000, s0  }
0x122: {  	[sflag:s0] =	ssyncadd.tile.s32 @!p0 $0x1;
	_ =	shalt  }
.Lfunc_end2:
_tile_overlayer_lowered:
.L_overlay_start_2:
0x123: {  	(tag) =	ssettag $0x2  }
0x124: {  	s0 =	rddreg [dreg:$0x0];
	s2 =	stileid.u32  }
0x125: {  	s1 =	rddreg [dreg:$0x1];
	p0 =	sne.s32 s2, $0x0  }
0x126: {  	s3 =	rddreg [dreg:$0x2];
	[bflag:$0x3] =	sbarrier.arrive $0xFFFF;
	s2 =	simm.s32 @!p0 $0x1C15  }
0x127: {  	[timem:s3], [sflag:s2] =	dma.local @!p0 [hbm:s0], s1  }
0x128: {  	s0 =	simm.s32 @!p0 $0x15  }
0x129: {  	_ =	swait.ge @!p0 [sflag:s0], s1  }
0x12a: {  	s1 =	ssub.s32 @!p0 $0x0, s1;
	[sflag:s0] =	ssyncset.done @!p0 $0x0  }
0x12b: {  	[sflag:s0] =	ssyncadd.s32 @!p0 s1  }
0x12c: {  	[bflag:$0x3] =	sbarrier.arrive $0xFFFF  }
0x12d: {  	_ =	shalt  }

// kernel: kernel.9.cloned.1.call-start
scs
__scs_entry_jumppad:
0x0: {  	(pc) =	sbr.rel $0x88, $3  }
0x1: {  	(tag) =	ssettag $0x0;
	lr =	simm.s32 $0x1  }
0x2: {  	[smem:$0x3F9E] =	sst lr;
	_ =	strace $0xD0000000  }
0x3: {  	_ = 	snop  }
0x4: {  	_ = 	snop  }
0x5: {  	_ = 	snop  }
0x6: {  	_ = 	snop  }
0x7: {  	_ = 	snop  }
__scs_overlays_trampoline_lowered:
0x8: {  	[smem:$0x3FAD] =	sst s0  }
0x9: {  	[smem:$0x3FAE] =	sst s1  }
0xa: {  	[smem:$0x3FAF] =	sst s2  }
0xb: {  	[smem:$0x3FB0] =	sst s3  }
0xc: {  	[smem:$0x3FB1] =	sst s4  }
0xd: {  	[smem:$0x3FB2] =	sst s5  }
0xe: {  	[smem:$0x3FB3] =	sst s6  }
0xf: {  	[smem:$0x3FB4] =	sst s7  }
0x10: {  	[smem:$0x3FB5] =	sst s8  }
0x11: {  	[smem:$0x3FB6] =	sst s9;
	s0 =	simm.s32 @!p0 $0x0  }
0x12: {  	s1 =	sld [smem:$0x3F9C];
	s0 =	simm.s32 @p0 $0x1  }
0x13: {  	[smem:$0x3FB7] =	sst s0;
	s0 =	simm.s32 @!p1 $0x0  }
0x14: {  	s2 =	sld [smem:$0x3F9B];
	s0 =	simm.s32 @p1 $0x1  }
0x15: {  	[smem:$0x3FB8] =	sst s0;
	s0 =	simm.s32 @!p2 $0x0  }
0x16: {  	s3 =	sld [smem:$0x3FDB];
	s0 =	simm.s32 @p2 $0x1  }
0x17: {  	s4 =	simm.s32 $0x1BF5;
	[smem:$0x3FBA] =	sst s0  }
0x18: {  	s0 =	sld [smem:$0x3F9D];
	_ =	swait.ge [sflag:s4], $0x0  }
0x19: {  	s7 =	sld [smem:$0x3F9E]  }
0x1a: {  	s8 =	sadd.s32 $0xFFFFE003, lr  }
0x1b: {  	s9 =	sadd.s32 $0xFFFFFEF7, lr;
	s5 =	simm.s32 $0xFFFFFFFF;
	p2 =	slt.u32 s8, $0xFFFFF086  }
0x1c: {  	p1 =	slt.u32 s9, $0xF7A;
	s5 =	simm.s32 @!p2 $0x0  }
0x1d: {  	s5 =	simm.s32 @p1 $0x1;
	p0 =	seq.s32 s7, s2  }
0x1e: {  	s7 =	smul.u32 @!p0 $0xF7A, s2;
	p2 =	seq.s32 @!p0 s5, $0x0  }
0x1f: {  	s9 =	smul.u32 $0xF7A, s1;
	s8 =	simm.s32 @!p0 $0x1BF5;
	p2 =	por !p2, p0  }
0x20: {  	[sflag:s8] =	ssyncset.s32 @!p0 $0xFFFFF086;
	s6 =	sadd.s32 @!p0 s3, s7;
	s7 =	simm.s32 @!p0 $0x108  }
0x21: {  	s3 =	sadd.s32 s3, s9;
	s6 =	sadd.s32 @!p0 $0x88, s6;
	s7 =	simm.s32 @p2 $0x1082  }
0x22: {  	[simem:s7], [sflag:s8] =	dma.local @!p0 [hbm:s6], $0xF7A  }
0x23: {  	s9 =	sor.u32 $0xD0000000, s2;
	s6 =	simm.s32 $0x108;
	_ =	swait.ge @!p0 [sflag:s8], $0x0  }
0x24: {  	s3 =	sadd.s32 $0x88, s3;
	s6 =	simm.s32 @!p1 $0x1082;
	[sflag:s4] =	ssyncset.s32 $0xFFFFF086  }
0x25: {  	[simem:s6], [sflag:s4] =	dma.local [hbm:s3], $0xF7A  }
0x26: {  	[smem:$0x3F9E] =	sst s1;
	(tag) =	ssettag s2;
	_ =	strace s9  }
0x27: {  	s1 =	sld [smem:$0x3FAE]  }
0x28: {  	s2 =	sld [smem:$0x3FAF]  }
0x29: {  	s4 =	sld [smem:$0x3FB1]  }
0x2a: {  	p0 =	seq.s32 s5, $0x0;
	s5 =	sld [smem:$0x3FB2]  }
0x2b: {  	s6 =	sld [smem:$0x3FB3]  }
0x2c: {  	s7 =	sld [smem:$0x3FB4]  }
0x2d: {  	s3 =	simm.s32 $0x108;
	s8 =	sld [smem:$0x3FB5]  }
0x2e: {  	s3 =	simm.s32 @!p0 $0x1082;
	s9 =	sld [smem:$0x3FB6]  }
0x2f: {  	lr =	sadd.s32 s0, s3;
	s0 =	sld [smem:$0x3FAD]  }
0x30: {  	s3 =	sld [smem:$0x3FB0]  }
0x31: {  	[smem:$0x3FB9] =	sst s10  }
0x32: {  	s10 =	sld [smem:$0x3FB7];
	_ =	sdelay $0x3  }
0x33: {  	p0 =	seq.s32 s10, $0x1;
	s10 =	sld [smem:$0x3FB9];
	_ =	sdelay $0x3  }
0x34: {  	[smem:$0x3FB9] =	sst s10  }
0x35: {  	s10 =	sld [smem:$0x3FB8];
	_ =	sdelay $0x3  }
0x36: {  	p1 =	seq.s32 s10, $0x1;
	s10 =	sld [smem:$0x3FB9];
	_ =	sdelay $0x3  }
0x37: {  	[smem:$0x3FB9] =	sst s10  }
0x38: {  	s10 =	sld [smem:$0x3FBA]  }
0x39: {  	_ = 	snop;
	(pc) =	sbr.ind lr, $3  }
0x3a: {  	_ = 	snop  }
0x3b: {  	_ = 	snop  }
0x3c: {  	p2 =	seq.s32 s10, $0x1;
	s10 =	sld [smem:$0x3FB9]  }
0x3d: {  	_ =	shalt  }
0x3e: {  	_ =	shalt  }
0x3f: {  	_ =	shalt  }
0x40: {  	_ =	shalt  }
0x41: {  	_ =	shalt  }
0x42: {  	_ =	shalt  }
0x43: {  	_ =	shalt  }
0x44: {  	_ =	shalt  }
0x45: {  	_ =	shalt  }
0x46: {  	_ =	shalt  }
0x47: {  	_ =	shalt  }
0x48: {  	_ =	shalt  }
0x49: {  	_ =	shalt  }
0x4a: {  	_ =	shalt  }
0x4b: {  	_ =	shalt  }
0x4c: {  	_ =	shalt  }
0x4d: {  	_ =	shalt  }
0x4e: {  	_ =	shalt  }
0x4f: {  	_ =	shalt  }
0x50: {  	_ =	shalt  }
0x51: {  	_ =	shalt  }
0x52: {  	_ =	shalt  }
0x53: {  	_ =	shalt  }
0x54: {  	_ =	shalt  }
0x55: {  	_ =	shalt  }
0x56: {  	_ =	shalt  }
0x57: {  	_ =	shalt  }
0x58: {  	_ =	shalt  }
0x59: {  	_ =	shalt  }
0x5a: {  	_ =	shalt  }
0x5b: {  	_ =	shalt  }
0x5c: {  	_ =	shalt  }
0x5d: {  	_ =	shalt  }
0x5e: {  	_ =	shalt  }
0x5f: {  	_ =	shalt  }
0x60: {  	_ =	shalt  }
0x61: {  	_ =	shalt  }
0x62: {  	_ =	shalt  }
0x63: {  	_ =	shalt  }
0x64: {  	_ =	shalt  }
0x65: {  	_ =	shalt  }
0x66: {  	_ =	shalt  }
0x67: {  	_ =	shalt  }
0x68: {  	_ =	shalt  }
0x69: {  	_ =	shalt  }
0x6a: {  	_ =	shalt  }
0x6b: {  	_ =	shalt  }
0x6c: {  	_ =	shalt  }
0x6d: {  	_ =	shalt  }
0x6e: {  	_ =	shalt  }
0x6f: {  	_ =	shalt  }
0x70: {  	_ =	shalt  }
0x71: {  	_ =	shalt  }
0x72: {  	_ =	shalt  }
0x73: {  	_ =	shalt  }
0x74: {  	_ =	shalt  }
0x75: {  	_ =	shalt  }
0x76: {  	_ =	shalt  }
0x77: {  	_ =	shalt  }
0x78: {  	_ =	shalt  }
0x79: {  	_ =	shalt  }
0x7a: {  	_ =	shalt  }
0x7b: {  	_ =	shalt  }
0x7c: {  	_ =	shalt  }
0x7d: {  	_ =	shalt  }
0x7e: {  	_ =	shalt  }
0x7f: {  	_ =	shalt  }
0x80: {  	_ =	shalt  }
0x81: {  	_ =	shalt  }
0x82: {  	_ =	shalt  }
0x83: {  	_ =	shalt  }
0x84: {  	_ =	shalt  }
0x85: {  	_ =	shalt  }
0x86: {  	_ =	shalt  }
0x87: {  	_ =	shalt  }
.Lfunc_end0:
.L_simem_size_0:
called_computation.1_lowered:
.L_overlay_start_0:
0x88: {  	s2 =	sld [smem:$0x3FD9]  }
0x89: {  	s3 =	sld [smem:$0x3FFE];
	_ =	sdelay $0x1  }
0x8a: {  	s1 =	srdreg.scid  }
0x8b: {  	s0 =	sand.u32 $0x1, s1  }
0x8c: {  	s16 =	sshll.u32 s0, $0xA;
	s2 =	sadd.s32 s3, s2  }
0x8d: {  	s2 =	sadd.s32 s2, s16  }
0x8e: {  	[smem:$0x3FC5] =	sst s2  }
0x8f: {  	_ = 	snop  }
0x90: {  	(tm) =	ssettm $0x1  }
0x91: {  	s17 =	sld [smem:$0x3FFB];
	_ =	sdelay $0x3  }
0x92: {  	_ =	strace s17  }
0x93: {  	s2 =	sld [smem:$0x3FFC];
	_ =	sdelay $0x3  }
0x94: {  	_ =	strace s2  }
0x95: {  	s2 =	sld [smem:$0x3FFD];
	_ =	sdelay $0x3  }
0x96: {  	_ =	strace s2  }
0x97: {  	_ =	strace $0x8FFFFFFF  }
0x98: {  	s18 =	sld [smem:$0x3FDB];
	_ =	sdelay $0x1  }
0x99: {  	s19 =	simm.s32 $_scs_section_size  }
0x9a: {  	s4 =	simm.s32 $_size__tile_overlayer_lowered;
	s5 =	simm.s32 $_tile_overlayer_lowered  }
0x9b: {  	s22 =	simm.s32 $0x1BFF;
	s21 =	sshll.u32 s5, $0x1;
	s2 =	sadd.s32 s19, s18  }
0x9c: {  	s6 =	simm.s32 $0x0;
	s20 =	sshll.u32 s4, $0x1;
	s4 =	sadd.s32 s21, s2  }
0x9d: {  	[timem:s6], [sflag:s22] =	dma.local [hbm:s4], s20  }
0x9e: {  	_ =	swait.ge [sflag:s22], s20  }
0x9f: {  	s3 =	ssub.s32 $0x0, s20;
	[sflag:s22] =	ssyncset.done $0x0  }
0xa0: {  	[sflag:s22] =	ssyncadd.s32 s3;
	_ =	sdelay $0x1  }
0xa1: {  	s23 =	simm.s32 $0x1B8B  }
0xa2: {  	_ =	swait.ge [sflag:s23], $0x1  }
0xa3: {  	[sflag:s23] =	ssyncset.done $0x0  }
0xa4: {  	s25 =	simm.s32 $0x1B8E;
	s24 =	sld [smem:$0x3FFE];
	[sflag:s23] =	ssyncadd.s32 $0xFFFFFFFF  }
0xa5: {  	s26 =	simm.s32 $execute0_lowered;
	[smem:$0x3FD2] =	sst s25  }
0xa6: {  	s4 =	sshll.u32 s26, $0x1;
	_ =	strace $0x80000049;
	[dreg:$0x1] =	wrdreg $0xFFFFFFFF  }
0xa7: {  	s28 =	simm.s32 $_size_execute0_lowered;
	s2 =	sadd.s32 s2, s4;
	[dreg:$0x0] =	wrdreg $0x0  }
0xa8: {  	s4 =	sshll.u32 s28, $0x1;
	[dreg:$0x2] =	wrdreg s2  }
0xa9: {  	[dreg:$0x3] =	wrdreg s4  }
0xaa: {  	[dreg:$0x4] =	wrdreg $0xC0  }
0xab: {  	_ =	task [dreg:s6], $0x5FFFF  }
0xac: {  	[dreg:$0x1] =	wrdreg $0xFFFFFFFF  }
0xad: {  	[dreg:$0x0] =	wrdreg $0x60  }
0xae: {  	[dreg:$0x2] =	wrdreg s24  }
0xaf: {  	[dreg:$0x3] =	wrdreg $0x9  }
0xb0: {  	_ =	task.clear_ibuf [dreg:s6], $0x4FFFF;
	_ =	strace $0x90000049  }
0xb1: {  	s29 =	simm.s32 $0x9;
	_ =	strace $0x8000004B  }
0xb2: {  	_ =	swait.ge [sflag:s29], $0x1  }
0xb3: {  	[sflag:s29] =	ssyncadd.s32 $0xFFFFFFFF  }
0xb4: {  	_ =	strace $0x9000004B  }
0xb5: {  	_ =	sfence  }
0xb6: {  	s30 =	sld [smem:$0x0];
	_ =	sdelay $0x2  }
0xb7: {  	s31 =	sshll.u32 s1, $0xD;
	s1 =	sshrl.u32 s1, $0x2  }
0xb8: {  	s3 =	sand.u32 $0x4000, s31;
	s1 =	sadd.s32 s1, s30  }
0xb9: {  	s0 =	sor.u32 s3, s0;
	s1 =	sshll.u32 s1, $0x11  }
0xba: {  	s0 =	sor.u32 s1, s0  }
0xbb: {  	s0 =	sadd.s32 $0x8F2B, s0  }
0xbc: {  	[sflag:s0] =	ssyncadd.remote.s32 $0x1  }
0xbd: {  	_ =	sfence.sel $0xFFFF  }
0xbe: {  	[dreg:$0x0] =	wrdreg $0xFFFFFFFF;
	(pc) =	sbr.abs _section_cstart, $3  }
0xbf: {  	[dreg:$0x1] =	wrdreg $0xFFFFFFFF  }
0xc0: {  	_ =	task.clear_ibuf [dreg:s6], $0x2FFFF;
	_ =	strace $0x9FFFFFFF  }
0xc1: {  	(tm) =	ssettm $0x7FFFFFFF  }
tec
execute0_lowered:
.L_overlay_start_1:
0x0: {  	(tag) =	ssettag $0x1  }
0x1: {  	s1 =	srdreg.scid  }
0x2: {  	s0 =	stileid.u32;
	s4 =	rddreg [dreg:$0x0];
	s2 =	simm.s32 $0x0  }
0x3: {  	s10 =	simm.s32 $0x40;
	s11 =	simm.s32 $0x1;
	s12 =	simm.s32 $0x9C00  }
0x4: {  	s3 =	sand.u32 $0x1, s1;
	s5 =	sshll.u32 s0, $0x1;
	s1 =	rddreg [dreg:$0x1]  }
0x5: {  	s13 =	simm.s32 $0x0;
	[smem:$0x7FF] =	sst s2;
	s5 =	sor.u32 s3, s5  }
0x6: {  	_ =	strace $0x8000004A;
	s7 =	ssub.s32 $0x2, s3;
	s6 =	smul.u32 $0x680, s5  }
0x7: {  	s3 =	sadd.s32 $0x14600, s4;
	s5 =	smul.u32 $0x320, s5;
	s8 =	sshrl.u32 s7, $0x1  }
0x8: {  	s7 =	ssub.s32 s7, s8;
	s8 =	simm.s32 $0x2;
	s6 =	sadd.s32 s6, s4  }
0x9: {  	s9 =	sadd.s32 s5, s4;
	s7 =	smax.u32 s7, $0x1;
	s5 =	sadd.s32 $0x19C600, s6  }
0xa: {  	s4 =	sadd.s32 $0x1400, s6;
	s6 =	sadd.s32 $0x1A9600, s9;
	s9 =	simm.s32 $0x3400  }
.LBB2_1:
0xb: {  	[tilespmem:s2], [sflag:$0x2] =	stream.linear.gather [hbm4b:s4+s2], $0x3200, $0x38;
	[tilespmem:$0xB500] =	vst v63  }
0xc: {  	_ =	swait.ge [sflag:s8], $0x3200  }
0xd: {  	[sflag:s8] =	ssyncset.done $0x0  }
0xe: {  	[sflag:s8] =	ssyncadd.s32 $0xFFFFCE00  }
0xf: {  	[tilespmem:s9], [sflag:$0x2] =	stream.linear.gather [hbm4b:s5+s2], $0x3200, $0x38;
	[tilespmem:$0xB500] =	vst v63  }
0x10: {  	_ =	swait.ge [sflag:s8], $0x3200  }
0x11: {  	[sflag:s8] =	ssyncset.done $0x0  }
0x12: {  	s15 =	simm.s32 $0x0;
	[sflag:s8] =	ssyncadd.s32 $0xFFFFCE00  }
0x13: {  	v0 =	vld [tilespmem:s15+$0x3400]  }
0x14: {  	v1 =	vld [tilespmem:s15+$0x3410]  }
0x15: {  	v2 =	vld [tilespmem:s15+$0x3420]  }
0x16: {  	v3 =	vld [tilespmem:s15+$0x0]  }
0x17: {  	v4 =	vld [tilespmem:s15+$0x10]  }
0x18: {  	v5 =	vld [tilespmem:s15+$0x20]  }
0x19: {  	v6 =	vld [tilespmem:s15+$0x30]  }
0x1a: {  	v7 =	vld [tilespmem:s15+$0x3430]  }
0x1b: {  	v3 =	vshll.u32 v3, $0x7  }
0x1c: {  	v0 =	vadd.s32 v0, v3;
	v3 =	vshll.u32 v4, $0x7  }
0x1d: {  	[tilespmem:s15+$0x6800] =	vst v0;
	v0 =	vadd.s32 v1, v3;
	v1 =	vshll.u32 v5, $0x7  }
0x1e: {  	[tilespmem:s15+$0x6810] =	vst v0;
	v0 =	vadd.s32 v2, v1;
	v1 =	vshll.u32 v6, $0x7  }
0x1f: {  	[tilespmem:s15+$0x6820] =	vst v0;
	v0 =	vadd.s32 v7, v1  }
0x20: {  	s14 =	simm.s32 $0x80;
	s16 =	simm.s32 $0x6800;
	[tilespmem:s15+$0x6830] =	vst v0  }
0x21: {  	[tilespmem:s12], [sflag:$0x1] =	stream.indirect.gather [hbm4b:s3+s10], $0x1, s16, s10, $0xb8;
	[tilespmem:$0xB500] =	vst v63  }
0x22: {  	v2 =	vld [tilespmem:s14+$0x3400]  }
0x23: {  	v1 =	vld [tilespmem:s14+$0x3410]  }
0x24: {  	v0 =	vld [tilespmem:s14+$0x3420]  }
0x25: {  	v5 =	vld [tilespmem:s14+$0x0]  }
0x26: {  	v4 =	vld [tilespmem:s14+$0x10]  }
0x27: {  	s15 =	simm.s32 $0x9C00;
	s16 =	simm.s32 $0x400;
	v3 =	vld [tilespmem:s14+$0x20]  }
.LBB2_2:
0x28: {  	p0 =	sne.s32 s16, $0xC600;
	v6 =	vld [tilespmem:s14+$0x30]  }
0x29: {  	v7 =	vld [tilespmem:s14+$0x3430]  }
0x2a: {  	v5 =	vshll.u32 v5, $0x7  }
0x2b: {  	v2 =	vadd.s32 v2, v5;
	v4 =	vshll.u32 v4, $0x7  }
0x2c: {  	[tilespmem:s14+$0x6800] =	vst v2;
	v1 =	vadd.s32 v1, v4;
	v2 =	vshll.u32 v3, $0x7  }
0x2d: {  	[tilespmem:s14+$0x6810] =	vst v1;
	v0 =	vadd.s32 v0, v2;
	v1 =	vshll.u32 v6, $0x7  }
0x2e: {  	s17 =	sshra.s32 s16, $0x2;
	s18 =	sadd.s32 $0x6800, s14;
	s15 =	sadd.s32 $0x40, s15;
	[tilespmem:s14+$0x6820] =	vst v0;
	v0 =	vadd.s32 v7, v1  }
0x2f: {  	[tilespmem:s14+$0x6830] =	vst v0;
	[tilespmem:s15], [sflag:$0x1] =	stream.indirect.gather [hbm4b:s3+s10], $0x1, s18, s10, $0xb8  }
0x30: {  	s14 =	smov.u32 s17;
	v2 =	vld [tilespmem:s17+$0x3400]  }
.Ltmp0:
0x31: {  	v1 =	vld [tilespmem:s14+$0x3410];
	(pc) =	sbr.rel @p0 .LBB2_2-.Ltmp0, $4  }
0x32: {  	v0 =	vld [tilespmem:s14+$0x3420]  }
0x33: {  	v5 =	vld [tilespmem:s14+$0x0]  }
0x34: {  	v4 =	vld [tilespmem:s14+$0x10]  }
0x35: {  	s16 =	sadd.s32 $0x200, s16;
	v3 =	vld [tilespmem:s14+$0x20]  }
0x36: {  	v6 =	vld [tilespmem:s14+$0x30]  }
0x37: {  	v7 =	vld [tilespmem:s14+$0x3430]  }
0x38: {  	v5 =	vshll.u32 v5, $0x7  }
0x39: {  	v2 =	vadd.s32 v2, v5;
	v4 =	vshll.u32 v4, $0x7  }
0x3a: {  	[tilespmem:s14+$0x6800] =	vst v2;
	v1 =	vadd.s32 v1, v4;
	v61 =	vshll.u32 v3, $0x7  }
0x3b: {  	[tilespmem:s14+$0x6810] =	vst v1;
	v0 =	vadd.s32 v0, v61;
	v62 =	vshll.u32 v6, $0x7  }
0x3c: {  	[tilespmem:s14+$0x6820] =	vst v0;
	v63 =	vadd.s32 v7, v62  }
0x3d: {  	s16 =	sadd.s32 $0x6800, s14;
	s15 =	sadd.s32 $0x40, s15;
	[tilespmem:s14+$0x6830] =	vst v63  }
0x3e: {  	[tilespmem:s15], [sflag:$0x1] =	stream.indirect.gather [hbm4b:s3+s10], $0x1, s16, s10, $0xb8;
	[tilespmem:$0xB500] =	vst v63  }
0x3f: {  	s13 =	sadd.s32 $0x1, s13;
	_ =	swait.ge [sflag:s11], $0x1900  }
0x40: {  	p0 =	sne.s32 s13, s7;
	[sflag:s11] =	ssyncset.done $0x0  }
.Ltmp1:
0x41: {  	[sflag:s11] =	ssyncadd.s32 $0xFFFFE700;
	(pc) =	sbr.rel @p0 .LBB2_1-.Ltmp1, $4  }
0x42: {  	[hbm4b:s6+s2] =	stream.linear.scatter [tilespmem:s12], [sflag:$0x2], $0x1900, $0x38;
	[tilespmem:$0xB500] =	vst v63  }
0x43: {  	_ =	swait.ge [sflag:s8], $0x1900  }
0x44: {  	[sflag:s8] =	ssyncset.done $0x0  }
0x45: {  	[sflag:s8] =	ssyncadd.s32 $0xFFFFE700  }
0x46: {  	_ =	sfence.sel $0x180000  }
0x47: {  	[bflag:$0x0] =	sbarrier.arrive $0xFFFF  }
0x48: {  	p0 =	sne.s32 s0, $0x0;
	_ =	strace $0x9000004A  }
0x49: {  	s0 =	sadd.s32 @!p0 $0x100000, s1;
	[bflag:$0x2] =	sbarrier.arrive $0xFFFF  }
0x4a: {  	[sflag:s0] =	ssyncadd.tile.s32 @!p0 $0x1;
	_ =	shalt  }
.Lfunc_end2:
_tile_overlayer_lowered:
.L_overlay_start_2:
0x4b: {  	(tag) =	ssettag $0x2  }
0x4c: {  	s0 =	rddreg [dreg:$0x0];
	s2 =	stileid.u32  }
0x4d: {  	s1 =	rddreg [dreg:$0x1];
	p0 =	sne.s32 s2, $0x0  }
0x4e: {  	s3 =	rddreg [dreg:$0x2];
	[bflag:$0x3] =	sbarrier.arrive $0xFFFF;
	s2 =	simm.s32 @!p0 $0x1C02  }
0x4f: {  	[timem:s3], [sflag:s2] =	dma.local @!p0 [hbm:s0], s1  }
0x50: {  	s0 =	simm.s32 @!p0 $0x2  }
0x51: {  	_ =	swait.ge @!p0 [sflag:s0], s1  }
0x52: {  	s1 =	ssub.s32 @!p0 $0x0, s1;
	[sflag:s0] =	ssyncset.done @!p0 $0x0  }
0x53: {  	[sflag:s0] =	ssyncadd.s32 @!p0 s1  }
0x54: {  	[bflag:$0x3] =	sbarrier.arrive $0xFFFF  }
0x55: {  	_ =	shalt  }

</sc_bundles>
